<compile_context>
chip_gen: v7x
topology: tpu7x:2x2x1
jax: 0.10.2.dev20260603
libtpu: 0.0.44.dev20260713+nightly
codegen_flags: <defaults>
</compile_context>

<pallas_src>
import functools

import jax
import jax.numpy as jnp
from jax import lax
from jax.experimental import pallas as pl
from jax.experimental.pallas import tpu as pltpu
from jax.experimental.pallas import tpu_sc as plsc

_NC = 2
_NS = 16
_CH = 80
_NBUF = 4
_IB = 2 * _NBUF
_LANES = 16


def _seg_sum_body(x_hbm, src_hbm, dst_hbm, out_hbm, *refs, n_nodes, d,
                  per_tile):
    rows = refs[0:_NBUF]
    sidx = refs[_NBUF:_NBUF + _IB]
    didx = refs[_NBUF + _IB:_NBUF + 2 * _IB]
    acc_sh = refs[_NBUF + 2 * _IB]
    p = _NBUF + 2 * _IB + 1
    gsem = refs[p:p + _NBUF]
    ssem = refs[p + _NBUF:p + _NBUF + _IB]
    dsem = refs[p + _NBUF + _IB:p + _NBUF + 2 * _IB]
    c = lax.axis_index("c")
    s = lax.axis_index("s")
    wid = s * _NC + c
    base = wid * per_tile
    n_chunks = per_tile // _CH

    def fire_idx(ci, j):
        off = base + ci * _CH
        pltpu.async_copy(src_hbm.at[pl.ds(off, _CH)], sidx[j], ssem[j])
        pltpu.async_copy(dst_hbm.at[pl.ds(off, _CH)], didx[j], dsem[j])

    def wait_idx(ci, j):
        off = base + ci * _CH
        pltpu.make_async_copy(src_hbm.at[pl.ds(off, _CH)], sidx[j],
                              ssem[j]).wait()
        pltpu.make_async_copy(dst_hbm.at[pl.ds(off, _CH)], didx[j],
                              dsem[j]).wait()

    for j in range(_IB):
        fire_idx(j, j)

    groups = d // _LANES

    def zr(i, carry):
        r = i // groups
        g = i % groups
        rows[0][r, pl.ds(g * _LANES, _LANES)] = jnp.zeros((_LANES,), jnp.float32)
        return carry

    lax.fori_loop(0, _CH * groups, zr, 0)

    pad_rows = acc_sh.shape[0] // _NS

    def zcopy(k, carry):
        pltpu.async_copy(rows[0],
                         acc_sh.at[pl.ds(s * pad_rows + k * _CH, _CH)],
                         gsem[0])
        return carry

    lax.fori_loop(0, pad_rows // _CH, zcopy, 0)

    def zdrain(k, carry):
        pltpu.make_async_copy(
            rows[0], acc_sh.at[pl.ds(s * pad_rows + k * _CH, _CH)],
            gsem[0]).wait()
        return carry

    lax.fori_loop(0, pad_rows // _CH, zdrain, 0)
    plsc.subcore_barrier()

    for k in range(_NBUF):
        wait_idx(k, k)
        pltpu.async_copy(x_hbm.at[sidx[k]], rows[k], gsem[k])

    def outer(o, carry):
        for m in range(_IB):
            i = o * _IB + m
            k = m % _NBUF
            m2 = (m + _NBUF) % _IB

            @pl.when(i < n_chunks)
            def _proc():
                pltpu.make_async_copy(x_hbm.at[sidx[m]], rows[k],
                                      gsem[k]).wait()
                pltpu.sync_copy(rows[k], acc_sh.at[didx[m]], add=True)

                @pl.when(i + _IB < n_chunks)
                def _refill():
                    fire_idx(i + _IB, m)

                @pl.when(i + _NBUF < n_chunks)
                def _fire():
                    wait_idx(i + _NBUF, m2)
                    pltpu.async_copy(x_hbm.at[sidx[m2]], rows[k], gsem[k])
        return carry

    lax.fori_loop(0, (n_chunks + _IB - 1) // _IB, outer, 0)
    plsc.subcore_barrier()

    rows_main = (n_nodes // _NS) // 8 * 8
    pltpu.sync_copy(acc_sh.at[pl.ds(s * rows_main, rows_main)],
                    out_hbm.at[c, pl.ds(s * rows_main, rows_main)])
    tail_start = rows_main * _NS
    tail = n_nodes - tail_start

    if tail:
        @pl.when(s == _NS - 1)
        def _copy_tail():
            pltpu.sync_copy(acc_sh.at[pl.ds(tail_start, tail)],
                            out_hbm.at[c, pl.ds(tail_start, tail)])


@functools.cache
def _make_seg_sum(n, d, e):
    per_tile = e // (_NC * _NS)
    n_chunks = per_tile // _CH
    assert per_tile * _NC * _NS == e and per_tile % _CH == 0
    assert n_chunks >= _NBUF
    assert n % _NS == 0 and d % _LANES == 0
    chunk_rows = _NS * _CH
    n_pad = ((n + chunk_rows - 1) // chunk_rows) * chunk_rows
    mesh = plsc.VectorSubcoreMesh(core_axis_name="c", subcore_axis_name="s",
                                  num_cores=_NC, num_subcores=_NS)
    return pl.kernel(
        functools.partial(_seg_sum_body, n_nodes=n, d=d, per_tile=per_tile),
        out_type=jax.ShapeDtypeStruct((_NC, n, d), jnp.float32),
        mesh=mesh,
        scratch_types=(
            [pltpu.VMEM((_CH, d), jnp.float32) for _ in range(_NBUF)]
            + [pltpu.VMEM((_CH,), jnp.int32) for _ in range(2 * _IB)]
            + [pltpu.VMEM_SHARED((n_pad, d), jnp.float32)]
            + [pltpu.SemaphoreType.DMA for _ in range(_NBUF + 2 * _IB)]
        ),
    )


def _root_body(x_ref, wroot_ref, b_ref, o_ref):
    o_ref[...] = jnp.dot(x_ref[...], wroot_ref[...],
                         preferred_element_type=jnp.float32) + b_ref[...]


def _post_body(a_ref, r_ref, wrel_ref, o_ref, *, relu):
    agg = a_ref[0] + a_ref[1]
    acc = jnp.dot(agg, wrel_ref[...], preferred_element_type=jnp.float32)
    acc = acc + r_ref[...]
    if relu:
        acc = jnp.maximum(acc, 0.0)
    o_ref[...] = acc


@functools.cache
def _make_root(n, d, blk=1000):
    assert n % blk == 0
    row_spec = pl.BlockSpec((blk, d), lambda i: (i, 0))
    w_spec = pl.BlockSpec((d, d), lambda i: (0, 0))
    b_spec = pl.BlockSpec((1, d), lambda i: (0, 0))
    return pl.pallas_call(
        _root_body,
        grid=(n // blk,),
        in_specs=[row_spec, w_spec, b_spec],
        out_specs=row_spec,
        out_shape=jax.ShapeDtypeStruct((n, d), jnp.float32),
    )


@functools.cache
def _make_post(n, d, relu, blk=5000):
    assert n % blk == 0
    agg_spec = pl.BlockSpec((2, blk, d), lambda i: (0, i, 0))
    row_spec = pl.BlockSpec((blk, d), lambda i: (i, 0))
    w_spec = pl.BlockSpec((d, d), lambda i: (0, 0))
    return pl.pallas_call(
        functools.partial(_post_body, relu=relu),
        grid=(n // blk,),
        in_specs=[agg_spec, row_spec, w_spec],
        out_specs=row_spec,
        out_shape=jax.ShapeDtypeStruct((n, d), jnp.float32),
    )


@jax.jit
def kernel(x, edge_index, W_root1, W_rel1, b1, W_root2, W_rel2, b2):
    n, d = x.shape
    e = edge_index.shape[1]
    src = edge_index[0]
    dst = edge_index[1]

    seg = _make_seg_sum(n, d, e)
    root = _make_root(n, d)
    post_relu = _make_post(n, d, True)
    post_out = _make_post(n, d, False)

    agg = seg(x, src, dst)
    r1 = root(x, W_root1, b1.reshape(1, d))
    h = post_relu(agg, r1, W_rel1)
    agg2 = seg(h, src, dst)
    r2 = root(h, W_root2, b2.reshape(1, d))
    return post_out(agg2, r2, W_rel2)

# --- scband reference (transcript-rebuilt; emitter-appended) ---
"""Pipeline reference for scband-graph-matching-model-75668733821098 (READ-ONLY COPY).

The authoritative reference and input builder live on the scoring server;
editing this copy changes nothing except your own understanding.
"""

import jax, jax.numpy as jnp
import numpy as np

N = 10000
E = 320000
D = 128


def setup_inputs(seed: int = 0) -> dict:
    key = jax.random.key(seed)
    ks = jax.random.split(key, 9)
    x = jax.random.normal(ks[0], (N, D), dtype=jnp.float32)
    edge_index = jax.random.randint(ks[1], (2, E), 0, N, dtype=jnp.int32)
    scale = 1.0 / np.sqrt(D)
    W_root1 = jax.random.normal(ks[2], (D, D), dtype=jnp.float32) * scale
    W_rel1 = jax.random.normal(ks[3], (D, D), dtype=jnp.float32) * scale
    b1 = jax.random.normal(ks[4], (D,), dtype=jnp.float32) * scale
    W_root2 = jax.random.normal(ks[5], (D, D), dtype=jnp.float32) * scale
    W_rel2 = jax.random.normal(ks[6], (D, D), dtype=jnp.float32) * scale
    b2 = jax.random.normal(ks[7], (D,), dtype=jnp.float32) * scale
    return {"x": x, "edge_index": edge_index,
            "W_root1": W_root1, "W_rel1": W_rel1, "b1": b1,
            "W_root2": W_root2, "W_rel2": W_rel2, "b2": b2}


def _graph_conv(x, src, dst, W_root, W_rel, b):
    # PyG GraphConv (aggr='add'): out = lin_rel(sum_{j in N(i)} x_j) + lin_root(x_i)
    agg = jax.ops.segment_sum(x[src], dst, num_segments=N)
    return agg @ W_rel + b + x @ W_root


def reference(x, edge_index, W_root1, W_rel1, b1, W_root2, W_rel2, b2):
    src = edge_index[0]
    dst = edge_index[1]
    h = _graph_conv(x, src, dst, W_root1, W_rel1, b1)
    h = jnp.maximum(h, 0.0)  # torch.relu
    out = _graph_conv(h, src, dst, W_root2, W_rel2, b2)
    return out

if __name__ == "__main__":
    import jax
    _d = setup_inputs()
    print(jax.jit(kernel)(*tuple(_d.values())))

</pallas_src>

<mosaic_0001>
#map = affine_map<(d0, d1) -> (0, 0)>
#map1 = affine_map<(d0, d1) -> (0)>
#map2 = affine_map<(d0, d1) -> (0, 0, 0)>
module attributes {stable_mosaic.version = 14 : i64} {
  func.func @_seg_sum_body(%arg0: i32, %arg1: i32, %arg2: memref<10000x128xf32, #tpu.memory_space<hbm>>, %arg3: memref<320000xi32, #tpu.memory_space<hbm>>, %arg4: memref<320000xi32, #tpu.memory_space<hbm>>, %arg5: memref<2x10000x128xf32, #tpu.memory_space<hbm>>, %arg6: memref<80x128xf32, #tpu.memory_space<vmem>>, %arg7: memref<80x128xf32, #tpu.memory_space<vmem>>, %arg8: memref<80x128xf32, #tpu.memory_space<vmem>>, %arg9: memref<80x128xf32, #tpu.memory_space<vmem>>, %arg10: memref<80xi32, #tpu.memory_space<vmem>>, %arg11: memref<80xi32, #tpu.memory_space<vmem>>, %arg12: memref<80xi32, #tpu.memory_space<vmem>>, %arg13: memref<80xi32, #tpu.memory_space<vmem>>, %arg14: memref<80xi32, #tpu.memory_space<vmem>>, %arg15: memref<80xi32, #tpu.memory_space<vmem>>, %arg16: memref<80xi32, #tpu.memory_space<vmem>>, %arg17: memref<80xi32, #tpu.memory_space<vmem>>, %arg18: memref<80xi32, #tpu.memory_space<vmem>>, %arg19: memref<80xi32, #tpu.memory_space<vmem>>, %arg20: memref<80xi32, #tpu.memory_space<vmem>>, %arg21: memref<80xi32, #tpu.memory_space<vmem>>, %arg22: memref<80xi32, #tpu.memory_space<vmem>>, %arg23: memref<80xi32, #tpu.memory_space<vmem>>, %arg24: memref<80xi32, #tpu.memory_space<vmem>>, %arg25: memref<80xi32, #tpu.memory_space<vmem>>, %arg26: memref<10240x128xf32, #tpu.memory_space<vmem_shared>>, %arg27: memref<!tpu.dma_semaphore, #tpu.memory_space<semaphore_mem>>, %arg28: memref<!tpu.dma_semaphore, #tpu.memory_space<semaphore_mem>>, %arg29: memref<!tpu.dma_semaphore, #tpu.memory_space<semaphore_mem>>, %arg30: memref<!tpu.dma_semaphore, #tpu.memory_space<semaphore_mem>>, %arg31: memref<!tpu.dma_semaphore, #tpu.memory_space<semaphore_mem>>, %arg32: memref<!tpu.dma_semaphore, #tpu.memory_space<semaphore_mem>>, %arg33: memref<!tpu.dma_semaphore, #tpu.memory_space<semaphore_mem>>, %arg34: memref<!tpu.dma_semaphore, #tpu.memory_space<semaphore_mem>>, %arg35: memref<!tpu.dma_semaphore, #tpu.memory_space<semaphore_mem>>, %arg36: memref<!tpu.dma_semaphore, #tpu.memory_space<semaphore_mem>>, %arg37: memref<!tpu.dma_semaphore, #tpu.memory_space<semaphore_mem>>, %arg38: memref<!tpu.dma_semaphore, #tpu.memory_space<semaphore_mem>>, %arg39: memref<!tpu.dma_semaphore, #tpu.memory_space<semaphore_mem>>, %arg40: memref<!tpu.dma_semaphore, #tpu.memory_space<semaphore_mem>>, %arg41: memref<!tpu.dma_semaphore, #tpu.memory_space<semaphore_mem>>, %arg42: memref<!tpu.dma_semaphore, #tpu.memory_space<semaphore_mem>>, %arg43: memref<!tpu.dma_semaphore, #tpu.memory_space<semaphore_mem>>, %arg44: memref<!tpu.dma_semaphore, #tpu.memory_space<semaphore_mem>>, %arg45: memref<!tpu.dma_semaphore, #tpu.memory_space<semaphore_mem>>, %arg46: memref<!tpu.dma_semaphore, #tpu.memory_space<semaphore_mem>>) attributes {dimension_semantics = [#tpu.dimension_semantics<core_parallel>, #tpu.dimension_semantics<subcore_parallel>], iteration_bounds = array<i64: 2, 16>, scalar_prefetch = 0 : i64, scratch_operands = 41 : i64, tpu.core_type = #tpu.core_type<sc_vector_subcore>, window_params = [{transform_indices = #map}, {transform_indices = #map1}, {transform_indices = #map1}, {transform_indices = #map2}]} {
    %mul3A = arith.constant 2 : i32
    %mul3A_0 = arith.muli %arg1, %mul3A : i32
    %add3A = arith.addi %mul3A_0, %arg0 : i32
    %mul3A_1 = arith.constant 10000 : i32
    %mul3A_2 = arith.muli %add3A, %mul3A_1 : i32
    %add3A_3 = arith.constant 0 : i32
    %add3A_4 = arith.addi %mul3A_2, %add3A_3 : i32
    %dma_start3A = tpu.memref_slice %arg3[%add3A_4] : memref<320000xi32, #tpu.memory_space<hbm>> -> memref<80xi32, #tpu.memory_space<hbm>>
    %dma_start3A_5 = tpu.memref_slice %arg3[%add3A_4] : memref<320000xi32, #tpu.memory_space<hbm>> -> memref<80xi32, #tpu.memory_space<hbm>>
    tpu.enqueue_dma source(%dma_start3A_5 : memref<80xi32, #tpu.memory_space<hbm>>) target(%arg10 : memref<80xi32, #tpu.memory_space<vmem>>) target_semaphore(%arg31 : memref<!tpu.dma_semaphore, #tpu.memory_space<semaphore_mem>>)
    %dma_start3A_6 = tpu.memref_slice %arg4[%add3A_4] : memref<320000xi32, #tpu.memory_space<hbm>> -> memref<80xi32, #tpu.memory_space<hbm>>
    %dma_start3A_7 = tpu.memref_slice %arg4[%add3A_4] : memref<320000xi32, #tpu.memory_space<hbm>> -> memref<80xi32, #tpu.memory_space<hbm>>
    tpu.enqueue_dma source(%dma_start3A_7 : memref<80xi32, #tpu.memory_space<hbm>>) target(%arg18 : memref<80xi32, #tpu.memory_space<vmem>>) target_semaphore(%arg39 : memref<!tpu.dma_semaphore, #tpu.memory_space<semaphore_mem>>)
    %add3A_8 = arith.constant 80 : i32
    %add3A_9 = arith.addi %mul3A_2, %add3A_8 : i32
    %dma_start3A_10 = tpu.memref_slice %arg3[%add3A_9] : memref<320000xi32, #tpu.memory_space<hbm>> -> memref<80xi32, #tpu.memory_space<hbm>>
    %dma_start3A_11 = tpu.memref_slice %arg3[%add3A_9] : memref<320000xi32, #tpu.memory_space<hbm>> -> memref<80xi32, #tpu.memory_space<hbm>>
    tpu.enqueue_dma source(%dma_start3A_11 : memref<80xi32, #tpu.memory_space<hbm>>) target(%arg11 : memref<80xi32, #tpu.memory_space<vmem>>) target_semaphore(%arg32 : memref<!tpu.dma_semaphore, #tpu.memory_space<semaphore_mem>>)
    %dma_start3A_12 = tpu.memref_slice %arg4[%add3A_9] : memref<320000xi32, #tpu.memory_space<hbm>> -> memref<80xi32, #tpu.memory_space<hbm>>
    %dma_start3A_13 = tpu.memref_slice %arg4[%add3A_9] : memref<320000xi32, #tpu.memory_space<hbm>> -> memref<80xi32, #tpu.memory_space<hbm>>
    tpu.enqueue_dma source(%dma_start3A_13 : memref<80xi32, #tpu.memory_space<hbm>>) target(%arg19 : memref<80xi32, #tpu.memory_space<vmem>>) target_semaphore(%arg40 : memref<!tpu.dma_semaphore, #tpu.memory_space<semaphore_mem>>)
    %add3A_14 = arith.constant 160 : i32
    %add3A_15 = arith.addi %mul3A_2, %add3A_14 : i32
    %dma_start3A_16 = tpu.memref_slice %arg3[%add3A_15] : memref<320000xi32, #tpu.memory_space<hbm>> -> memref<80xi32, #tpu.memory_space<hbm>>
    %dma_start3A_17 = tpu.memref_slice %arg3[%add3A_15] : memref<320000xi32, #tpu.memory_space<hbm>> -> memref<80xi32, #tpu.memory_space<hbm>>
    tpu.enqueue_dma source(%dma_start3A_17 : memref<80xi32, #tpu.memory_space<hbm>>) target(%arg12 : memref<80xi32, #tpu.memory_space<vmem>>) target_semaphore(%arg33 : memref<!tpu.dma_semaphore, #tpu.memory_space<semaphore_mem>>)
    %dma_start3A_18 = tpu.memref_slice %arg4[%add3A_15] : memref<320000xi32, #tpu.memory_space<hbm>> -> memref<80xi32, #tpu.memory_space<hbm>>
    %dma_start3A_19 = tpu.memref_slice %arg4[%add3A_15] : memref<320000xi32, #tpu.memory_space<hbm>> -> memref<80xi32, #tpu.memory_space<hbm>>
    tpu.enqueue_dma source(%dma_start3A_19 : memref<80xi32, #tpu.memory_space<hbm>>) target(%arg20 : memref<80xi32, #tpu.memory_space<vmem>>) target_semaphore(%arg41 : memref<!tpu.dma_semaphore, #tpu.memory_space<semaphore_mem>>)
    %add3A_20 = arith.constant 240 : i32
    %add3A_21 = arith.addi %mul3A_2, %add3A_20 : i32
    %dma_start3A_22 = tpu.memref_slice %arg3[%add3A_21] : memref<320000xi32, #tpu.memory_space<hbm>> -> memref<80xi32, #tpu.memory_space<hbm>>
    %dma_start3A_23 = tpu.memref_slice %arg3[%add3A_21] : memref<320000xi32, #tpu.memory_space<hbm>> -> memref<80xi32, #tpu.memory_space<hbm>>
    tpu.enqueue_dma source(%dma_start3A_23 : memref<80xi32, #tpu.memory_space<hbm>>) target(%arg13 : memref<80xi32, #tpu.memory_space<vmem>>) target_semaphore(%arg34 : memref<!tpu.dma_semaphore, #tpu.memory_space<semaphore_mem>>)
    %dma_start3A_24 = tpu.memref_slice %arg4[%add3A_21] : memref<320000xi32, #tpu.memory_space<hbm>> -> memref<80xi32, #tpu.memory_space<hbm>>
    %dma_start3A_25 = tpu.memref_slice %arg4[%add3A_21] : memref<320000xi32, #tpu.memory_space<hbm>> -> memref<80xi32, #tpu.memory_space<hbm>>
    tpu.enqueue_dma source(%dma_start3A_25 : memref<80xi32, #tpu.memory_space<hbm>>) target(%arg21 : memref<80xi32, #tpu.memory_space<vmem>>) target_semaphore(%arg42 : memref<!tpu.dma_semaphore, #tpu.memory_space<semaphore_mem>>)
    %add3A_26 = arith.constant 320 : i32
    %add3A_27 = arith.addi %mul3A_2, %add3A_26 : i32
    %dma_start3A_28 = tpu.memref_slice %arg3[%add3A_27] : memref<320000xi32, #tpu.memory_space<hbm>> -> memref<80xi32, #tpu.memory_space<hbm>>
    %dma_start3A_29 = tpu.memref_slice %arg3[%add3A_27] : memref<320000xi32, #tpu.memory_space<hbm>> -> memref<80xi32, #tpu.memory_space<hbm>>
    tpu.enqueue_dma source(%dma_start3A_29 : memref<80xi32, #tpu.memory_space<hbm>>) target(%arg14 : memref<80xi32, #tpu.memory_space<vmem>>) target_semaphore(%arg35 : memref<!tpu.dma_semaphore, #tpu.memory_space<semaphore_mem>>)
    %dma_start3A_30 = tpu.memref_slice %arg4[%add3A_27] : memref<320000xi32, #tpu.memory_space<hbm>> -> memref<80xi32, #tpu.memory_space<hbm>>
    %dma_start3A_31 = tpu.memref_slice %arg4[%add3A_27] : memref<320000xi32, #tpu.memory_space<hbm>> -> memref<80xi32, #tpu.memory_space<hbm>>
    tpu.enqueue_dma source(%dma_start3A_31 : memref<80xi32, #tpu.memory_space<hbm>>) target(%arg22 : memref<80xi32, #tpu.memory_space<vmem>>) target_semaphore(%arg43 : memref<!tpu.dma_semaphore, #tpu.memory_space<semaphore_mem>>)
    %add3A_32 = arith.constant 400 : i32
    %add3A_33 = arith.addi %mul3A_2, %add3A_32 : i32
    %dma_start3A_34 = tpu.memref_slice %arg3[%add3A_33] : memref<320000xi32, #tpu.memory_space<hbm>> -> memref<80xi32, #tpu.memory_space<hbm>>
    %dma_start3A_35 = tpu.memref_slice %arg3[%add3A_33] : memref<320000xi32, #tpu.memory_space<hbm>> -> memref<80xi32, #tpu.memory_space<hbm>>
    tpu.enqueue_dma source(%dma_start3A_35 : memref<80xi32, #tpu.memory_space<hbm>>) target(%arg15 : memref<80xi32, #tpu.memory_space<vmem>>) target_semaphore(%arg36 : memref<!tpu.dma_semaphore, #tpu.memory_space<semaphore_mem>>)
    %dma_start3A_36 = tpu.memref_slice %arg4[%add3A_33] : memref<320000xi32, #tpu.memory_space<hbm>> -> memref<80xi32, #tpu.memory_space<hbm>>
    %dma_start3A_37 = tpu.memref_slice %arg4[%add3A_33] : memref<320000xi32, #tpu.memory_space<hbm>> -> memref<80xi32, #tpu.memory_space<hbm>>
    tpu.enqueue_dma source(%dma_start3A_37 : memref<80xi32, #tpu.memory_space<hbm>>) target(%arg23 : memref<80xi32, #tpu.memory_space<vmem>>) target_semaphore(%arg44 : memref<!tpu.dma_semaphore, #tpu.memory_space<semaphore_mem>>)
    %add3A_38 = arith.constant 480 : i32
    %add3A_39 = arith.addi %mul3A_2, %add3A_38 : i32
    %dma_start3A_40 = tpu.memref_slice %arg3[%add3A_39] : memref<320000xi32, #tpu.memory_space<hbm>> -> memref<80xi32, #tpu.memory_space<hbm>>
    %dma_start3A_41 = tpu.memref_slice %arg3[%add3A_39] : memref<320000xi32, #tpu.memory_space<hbm>> -> memref<80xi32, #tpu.memory_space<hbm>>
    tpu.enqueue_dma source(%dma_start3A_41 : memref<80xi32, #tpu.memory_space<hbm>>) target(%arg16 : memref<80xi32, #tpu.memory_space<vmem>>) target_semaphore(%arg37 : memref<!tpu.dma_semaphore, #tpu.memory_space<semaphore_mem>>)
    %dma_start3A_42 = tpu.memref_slice %arg4[%add3A_39] : memref<320000xi32, #tpu.memory_space<hbm>> -> memref<80xi32, #tpu.memory_space<hbm>>
    %dma_start3A_43 = tpu.memref_slice %arg4[%add3A_39] : memref<320000xi32, #tpu.memory_space<hbm>> -> memref<80xi32, #tpu.memory_space<hbm>>
    tpu.enqueue_dma source(%dma_start3A_43 : memref<80xi32, #tpu.memory_space<hbm>>) target(%arg24 : memref<80xi32, #tpu.memory_space<vmem>>) target_semaphore(%arg45 : memref<!tpu.dma_semaphore, #tpu.memory_space<semaphore_mem>>)
    %add3A_44 = arith.constant 560 : i32
    %add3A_45 = arith.addi %mul3A_2, %add3A_44 : i32
    %dma_start3A_46 = tpu.memref_slice %arg3[%add3A_45] : memref<320000xi32, #tpu.memory_space<hbm>> -> memref<80xi32, #tpu.memory_space<hbm>>
    %dma_start3A_47 = tpu.memref_slice %arg3[%add3A_45] : memref<320000xi32, #tpu.memory_space<hbm>> -> memref<80xi32, #tpu.memory_space<hbm>>
    tpu.enqueue_dma source(%dma_start3A_47 : memref<80xi32, #tpu.memory_space<hbm>>) target(%arg17 : memref<80xi32, #tpu.memory_space<vmem>>) target_semaphore(%arg38 : memref<!tpu.dma_semaphore, #tpu.memory_space<semaphore_mem>>)
    %dma_start3A_48 = tpu.memref_slice %arg4[%add3A_45] : memref<320000xi32, #tpu.memory_space<hbm>> -> memref<80xi32, #tpu.memory_space<hbm>>
    %dma_start3A_49 = tpu.memref_slice %arg4[%add3A_45] : memref<320000xi32, #tpu.memory_space<hbm>> -> memref<80xi32, #tpu.memory_space<hbm>>
    tpu.enqueue_dma source(%dma_start3A_49 : memref<80xi32, #tpu.memory_space<hbm>>) target(%arg25 : memref<80xi32, #tpu.memory_space<vmem>>) target_semaphore(%arg46 : memref<!tpu.dma_semaphore, #tpu.memory_space<semaphore_mem>>)
    %scan3A = arith.constant 0 : i32
    %scan3A_50 = arith.constant 0 : i32
    %scan3A_51 = arith.constant 640 : i32
    %scan3A_52 = arith.addi %scan3A_50, %scan3A_51 : i32
    %scan3A_53 = arith.constant 1 : i32
    scf.for %scan3A_115 = %scan3A_50 to %scan3A_52 step %scan3A_53  : i32 {
      %jit3A = arith.constant 8 : i32
      %div3A = arith.divsi %scan3A_115, %jit3A : i32
      %sign3A = arith.constant 0 : i32
      %sign3A_116 = arith.cmpi sgt, %scan3A_115, %sign3A : i32
      %sign3A_117 = arith.extui %sign3A_116 : i1 to i32
      %sign3A_118 = arith.constant 0 : i32
      %sign3A_119 = arith.cmpi slt, %scan3A_115, %sign3A_118 : i32
      %sign3A_120 = arith.extui %sign3A_119 : i1 to i32
      %sign3A_121 = arith.subi %sign3A_117, %sign3A_120 : i32
      %sign3A_122 = arith.constant 0 : i32
      %sign3A_123 = arith.cmpi sgt, %jit3A, %sign3A_122 : i32
      %sign3A_124 = arith.extui %sign3A_123 : i1 to i32
      %sign3A_125 = arith.constant 0 : i32
      %sign3A_126 = arith.cmpi slt, %jit3A, %sign3A_125 : i32
      %sign3A_127 = arith.extui %sign3A_126 : i1 to i32
      %sign3A_128 = arith.subi %sign3A_124, %sign3A_127 : i32
      %ne3A = arith.cmpi ne, %sign3A_121, %sign3A_128 : i32
      %rem3A = arith.remsi %scan3A_115, %jit3A : i32
      %ne3A_129 = arith.constant 0 : i32
      %ne3A_130 = arith.cmpi ne, %rem3A, %ne3A_129 : i32
      %and3A = arith.andi %ne3A, %ne3A_130 : i1
      %sub3A = arith.constant 1 : i32
      %sub3A_131 = arith.subi %div3A, %sub3A : i32
      %select_n3A = arith.select %and3A, %sub3A_131, %div3A : i32
      %jit3A_132 = arith.constant 8 : i32
      %eq3A_133 = arith.constant 0 : i32
      %eq3A_134 = arith.cmpi eq, %jit3A_132, %eq3A_133 : i32
      %jit3A_135 = arith.constant 1 : i32
      %select_n3A_136 = arith.select %eq3A_134, %jit3A_135, %jit3A_132 : i32
      %rem3A_137 = arith.remsi %scan3A_115, %select_n3A_136 : i32
      %ne3A_138 = arith.constant 0 : i32
      %ne3A_139 = arith.cmpi ne, %rem3A_137, %ne3A_138 : i32
      %lt3A = arith.constant 0 : i32
      %lt3A_140 = arith.cmpi slt, %rem3A_137, %lt3A : i32
      %lt3A_141 = arith.constant 0 : i32
      %lt3A_142 = arith.cmpi slt, %select_n3A_136, %lt3A_141 : i32
      %ne3A_143 = arith.xori %lt3A_140, %lt3A_142 : i1
      %and3A_144 = arith.andi %ne3A_143, %ne3A_139 : i1
      %add3A_145 = arith.addi %rem3A_137, %select_n3A_136 : i32
      %select_n3A_146 = arith.select %and3A_144, %add3A_145, %rem3A_137 : i32
      %broadcast_in_dim3A = arith.constant 0.000000e+00 : f32
      %broadcast_in_dim3A_147 = vector.broadcast %broadcast_in_dim3A : f32 to vector<16xf32>
      %mul3A_148 = arith.constant 16 : i32
      %mul3A_149 = arith.muli %select_n3A_146, %mul3A_148 : i32
      %swap3A = arith.index_cast %select_n3A : i32 to index
      %swap3A_150 = arith.index_cast %mul3A_149 : i32 to index
      %swap3A_151 = tpu.vector_load %arg6[%swap3A, %swap3A_150] {strides = array<i32>} : memref<80x128xf32, #tpu.memory_space<vmem>>, vector<1x16xf32>,
      %swap3A_152 = vector.shape_cast %swap3A_151 : vector<1x16xf32> to vector<16xf32>
      %swap3A_153 = vector.shape_cast %broadcast_in_dim3A_147 : vector<16xf32> to vector<1x16xf32>
      tpu.vector_store %arg6[%swap3A, %swap3A_150], %swap3A_153 {strides = array<i32>} : memref<80x128xf32, #tpu.memory_space<vmem>>, vector<1x16xf32>,
    }
    %scan3A_54 = arith.constant 640 : i32
    %scan3A_55 = arith.constant 0 : i32
    %scan3A_56 = arith.constant 0 : i32
    %scan3A_57 = arith.constant 8 : i32
    %scan3A_58 = arith.addi %scan3A_56, %scan3A_57 : i32
    %scan3A_59 = arith.constant 1 : i32
    scf.for %scan3A_115 = %scan3A_56 to %scan3A_58 step %scan3A_59  : i32 {
      %mul3A_116 = arith.constant 640 : i32
      %mul3A_117 = arith.muli %arg1, %mul3A_116 : i32
      %mul3A_118 = arith.constant 80 : i32
      %mul3A_119 = arith.muli %scan3A_115, %mul3A_118 : i32
      %add3A_120 = arith.addi %mul3A_117, %mul3A_119 : i32
      %dma_start3A_121 = arith.constant 0 : i32
      %dma_start3A_122 = tpu.memref_slice %arg26[%add3A_120, %dma_start3A_121] : memref<10240x128xf32, #tpu.memory_space<vmem_shared>> -> memref<80x128xf32, #tpu.memory_space<vmem_shared>>
      %dma_start3A_123 = arith.constant 0 : i32
      %dma_start3A_124 = tpu.memref_slice %arg26[%add3A_120, %dma_start3A_123] : memref<10240x128xf32, #tpu.memory_space<vmem_shared>> -> memref<80x128xf32, #tpu.memory_space<vmem_shared>>
      tpu.enqueue_dma source(%arg6 : memref<80x128xf32, #tpu.memory_space<vmem>>) target(%dma_start3A_124 : memref<80x128xf32, #tpu.memory_space<vmem_shared>>) target_semaphore(%arg27 : memref<!tpu.dma_semaphore, #tpu.memory_space<semaphore_mem>>)
    }
    %scan3A_60 = arith.constant 8 : i32
    %scan3A_61 = arith.constant 0 : i32
    %scan3A_62 = arith.constant 0 : i32
    %scan3A_63 = arith.constant 8 : i32
    %scan3A_64 = arith.addi %scan3A_62, %scan3A_63 : i32
    %scan3A_65 = arith.constant 1 : i32
    scf.for %scan3A_115 = %scan3A_62 to %scan3A_64 step %scan3A_65  : i32 {
      %mul3A_116 = arith.constant 640 : i32
      %mul3A_117 = arith.muli %arg1, %mul3A_116 : i32
      %mul3A_118 = arith.constant 80 : i32
      %mul3A_119 = arith.muli %scan3A_115, %mul3A_118 : i32
      %add3A_120 = arith.addi %mul3A_117, %mul3A_119 : i32
      %dma_wait3A_121 = arith.constant 0 : i32
      %dma_wait3A_122 = tpu.memref_slice %arg26[%add3A_120, %dma_wait3A_121] : memref<10240x128xf32, #tpu.memory_space<vmem_shared>> -> memref<80x128xf32, #tpu.memory_space<vmem_shared>>
      %dma_wait3A_123 = arith.constant 0 : i32
      %dma_wait3A_124 = tpu.memref_slice %arg26[%add3A_120, %dma_wait3A_123] : memref<10240x128xf32, #tpu.memory_space<vmem_shared>> -> memref<80x128xf32, #tpu.memory_space<vmem_shared>>
      tpu.wait_dma2 semaphore(%arg27 : memref<!tpu.dma_semaphore, #tpu.memory_space<semaphore_mem>>) src(%arg6 : memref<80x128xf32, #tpu.memory_space<vmem>>) dst(%dma_wait3A_124 : memref<80x128xf32, #tpu.memory_space<vmem_shared>>)
    }
    %scan3A_66 = arith.constant 8 : i32
    %barrier3A = arith.constant 0 : index
    tpu.barrier barrier_id(%barrier3A)
    %add3A_67 = arith.constant 0 : i32
    %add3A_68 = arith.addi %mul3A_2, %add3A_67 : i32
    %dma_wait3A = tpu.memref_slice %arg3[%add3A_68] : memref<320000xi32, #tpu.memory_space<hbm>> -> memref<80xi32, #tpu.memory_space<hbm>>
    %dma_wait3A_69 = tpu.memref_slice %arg3[%add3A_68] : memref<320000xi32, #tpu.memory_space<hbm>> -> memref<80xi32, #tpu.memory_space<hbm>>
    tpu.wait_dma2 semaphore(%arg31 : memref<!tpu.dma_semaphore, #tpu.memory_space<semaphore_mem>>) src(%dma_wait3A_69 : memref<80xi32, #tpu.memory_space<hbm>>) dst(%arg10 : memref<80xi32, #tpu.memory_space<vmem>>)
    %dma_wait3A_70 = tpu.memref_slice %arg4[%add3A_68] : memref<320000xi32, #tpu.memory_space<hbm>> -> memref<80xi32, #tpu.memory_space<hbm>>
    %dma_wait3A_71 = tpu.memref_slice %arg4[%add3A_68] : memref<320000xi32, #tpu.memory_space<hbm>> -> memref<80xi32, #tpu.memory_space<hbm>>
    tpu.wait_dma2 semaphore(%arg39 : memref<!tpu.dma_semaphore, #tpu.memory_space<semaphore_mem>>) src(%dma_wait3A_71 : memref<80xi32, #tpu.memory_space<hbm>>) dst(%arg18 : memref<80xi32, #tpu.memory_space<vmem>>)
    %dma_start3A_72 = arith.constant 0 : i32
    %dma_start3A_73 = arith.constant 0 : i32
    %dma_start3A_74 = tpu.memref_slice %arg2[%dma_start3A_72, %dma_start3A_73] : memref<10000x128xf32, #tpu.memory_space<hbm>> -> memref<10000x128xf32, #tpu.memory_space<hbm>>
    tpu.enqueue_indirect_dma source(%dma_start3A_74 : memref<10000x128xf32, #tpu.memory_space<hbm>>) target(%arg6 : memref<80x128xf32, #tpu.memory_space<vmem>>) offsets(%arg10 : memref<80xi32, #tpu.memory_space<vmem>>) semaphore(%arg27 : memref<!tpu.dma_semaphore, #tpu.memory_space<semaphore_mem>>)
    %add3A_75 = arith.constant 80 : i32
    %add3A_76 = arith.addi %mul3A_2, %add3A_75 : i32
    %dma_wait3A_77 = tpu.memref_slice %arg3[%add3A_76] : memref<320000xi32, #tpu.memory_space<hbm>> -> memref<80xi32, #tpu.memory_space<hbm>>
    %dma_wait3A_78 = tpu.memref_slice %arg3[%add3A_76] : memref<320000xi32, #tpu.memory_space<hbm>> -> memref<80xi32, #tpu.memory_space<hbm>>
    tpu.wait_dma2 semaphore(%arg32 : memref<!tpu.dma_semaphore, #tpu.memory_space<semaphore_mem>>) src(%dma_wait3A_78 : memref<80xi32, #tpu.memory_space<hbm>>) dst(%arg11 : memref<80xi32, #tpu.memory_space<vmem>>)
    %dma_wait3A_79 = tpu.memref_slice %arg4[%add3A_76] : memref<320000xi32, #tpu.memory_space<hbm>> -> memref<80xi32, #tpu.memory_space<hbm>>
    %dma_wait3A_80 = tpu.memref_slice %arg4[%add3A_76] : memref<320000xi32, #tpu.memory_space<hbm>> -> memref<80xi32, #tpu.memory_space<hbm>>
    tpu.wait_dma2 semaphore(%arg40 : memref<!tpu.dma_semaphore, #tpu.memory_space<semaphore_mem>>) src(%dma_wait3A_80 : memref<80xi32, #tpu.memory_space<hbm>>) dst(%arg19 : memref<80xi32, #tpu.memory_space<vmem>>)
    %dma_start3A_81 = arith.constant 0 : i32
    %dma_start3A_82 = arith.constant 0 : i32
    %dma_start3A_83 = tpu.memref_slice %arg2[%dma_start3A_81, %dma_start3A_82] : memref<10000x128xf32, #tpu.memory_space<hbm>> -> memref<10000x128xf32, #tpu.memory_space<hbm>>
    tpu.enqueue_indirect_dma source(%dma_start3A_83 : memref<10000x128xf32, #tpu.memory_space<hbm>>) target(%arg7 : memref<80x128xf32, #tpu.memory_space<vmem>>) offsets(%arg11 : memref<80xi32, #tpu.memory_space<vmem>>) semaphore(%arg28 : memref<!tpu.dma_semaphore, #tpu.memory_space<semaphore_mem>>)
    %add3A_84 = arith.constant 160 : i32
    %add3A_85 = arith.addi %mul3A_2, %add3A_84 : i32
    %dma_wait3A_86 = tpu.memref_slice %arg3[%add3A_85] : memref<320000xi32, #tpu.memory_space<hbm>> -> memref<80xi32, #tpu.memory_space<hbm>>
    %dma_wait3A_87 = tpu.memref_slice %arg3[%add3A_85] : memref<320000xi32, #tpu.memory_space<hbm>> -> memref<80xi32, #tpu.memory_space<hbm>>
    tpu.wait_dma2 semaphore(%arg33 : memref<!tpu.dma_semaphore, #tpu.memory_space<semaphore_mem>>) src(%dma_wait3A_87 : memref<80xi32, #tpu.memory_space<hbm>>) dst(%arg12 : memref<80xi32, #tpu.memory_space<vmem>>)
    %dma_wait3A_88 = tpu.memref_slice %arg4[%add3A_85] : memref<320000xi32, #tpu.memory_space<hbm>> -> memref<80xi32, #tpu.memory_space<hbm>>
    %dma_wait3A_89 = tpu.memref_slice %arg4[%add3A_85] : memref<320000xi32, #tpu.memory_space<hbm>> -> memref<80xi32, #tpu.memory_space<hbm>>
    tpu.wait_dma2 semaphore(%arg41 : memref<!tpu.dma_semaphore, #tpu.memory_space<semaphore_mem>>) src(%dma_wait3A_89 : memref<80xi32, #tpu.memory_space<hbm>>) dst(%arg20 : memref<80xi32, #tpu.memory_space<vmem>>)
    %dma_start3A_90 = arith.constant 0 : i32
    %dma_start3A_91 = arith.constant 0 : i32
    %dma_start3A_92 = tpu.memref_slice %arg2[%dma_start3A_90, %dma_start3A_91] : memref<10000x128xf32, #tpu.memory_space<hbm>> -> memref<10000x128xf32, #tpu.memory_space<hbm>>
    tpu.enqueue_indirect_dma source(%dma_start3A_92 : memref<10000x128xf32, #tpu.memory_space<hbm>>) target(%arg8 : memref<80x128xf32, #tpu.memory_space<vmem>>) offsets(%arg12 : memref<80xi32, #tpu.memory_space<vmem>>) semaphore(%arg29 : memref<!tpu.dma_semaphore, #tpu.memory_space<semaphore_mem>>)
    %add3A_93 = arith.constant 240 : i32
    %add3A_94 = arith.addi %mul3A_2, %add3A_93 : i32
    %dma_wait3A_95 = tpu.memref_slice %arg3[%add3A_94] : memref<320000xi32, #tpu.memory_space<hbm>> -> memref<80xi32, #tpu.memory_space<hbm>>
    %dma_wait3A_96 = tpu.memref_slice %arg3[%add3A_94] : memref<320000xi32, #tpu.memory_space<hbm>> -> memref<80xi32, #tpu.memory_space<hbm>>
    tpu.wait_dma2 semaphore(%arg34 : memref<!tpu.dma_semaphore, #tpu.memory_space<semaphore_mem>>) src(%dma_wait3A_96 : memref<80xi32, #tpu.memory_space<hbm>>) dst(%arg13 : memref<80xi32, #tpu.memory_space<vmem>>)
    %dma_wait3A_97 = tpu.memref_slice %arg4[%add3A_94] : memref<320000xi32, #tpu.memory_space<hbm>> -> memref<80xi32, #tpu.memory_space<hbm>>
    %dma_wait3A_98 = tpu.memref_slice %arg4[%add3A_94] : memref<320000xi32, #tpu.memory_space<hbm>> -> memref<80xi32, #tpu.memory_space<hbm>>
    tpu.wait_dma2 semaphore(%arg42 : memref<!tpu.dma_semaphore, #tpu.memory_space<semaphore_mem>>) src(%dma_wait3A_98 : memref<80xi32, #tpu.memory_space<hbm>>) dst(%arg21 : memref<80xi32, #tpu.memory_space<vmem>>)
    %dma_start3A_99 = arith.constant 0 : i32
    %dma_start3A_100 = arith.constant 0 : i32
    %dma_start3A_101 = tpu.memref_slice %arg2[%dma_start3A_99, %dma_start3A_100] : memref<10000x128xf32, #tpu.memory_space<hbm>> -> memref<10000x128xf32, #tpu.memory_space<hbm>>
    tpu.enqueue_indirect_dma source(%dma_start3A_101 : memref<10000x128xf32, #tpu.memory_space<hbm>>) target(%arg9 : memref<80x128xf32, #tpu.memory_space<vmem>>) offsets(%arg13 : memref<80xi32, #tpu.memory_space<vmem>>) semaphore(%arg30 : memref<!tpu.dma_semaphore, #tpu.memory_space<semaphore_mem>>)
    %scan3A_102 = arith.constant 0 : i32
    %scan3A_103 = arith.constant 0 : i32
    %scan3A_104 = arith.constant 16 : i32
    %scan3A_105 = arith.addi %scan3A_103, %scan3A_104 : i32
    %scan3A_106 = arith.constant 1 : i32
    scf.for %scan3A_115 = %scan3A_103 to %scan3A_105 step %scan3A_106  : i32 {
      %mul3A_116 = arith.constant 8 : i32
      %mul3A_117 = arith.muli %scan3A_115, %mul3A_116 : i32
      %add3A_118 = arith.constant 0 : i32
      %add3A_119 = arith.addi %mul3A_117, %add3A_118 : i32
      %lt3A = arith.constant 125 : i32
      %lt3A_120 = arith.cmpi slt, %add3A_119, %lt3A : i32
      %convert_element_type3A_121 = arith.extui %lt3A_120 : i1 to i32
      %cond3A_122 = arith.constant 0 : i32
      %cond3A_123 = arith.cmpi ne, %convert_element_type3A_121, %cond3A_122 : i32
      scf.if %cond3A_123 {
        %dma_wait3A_187 = arith.constant 0 : i32
        %dma_wait3A_188 = arith.constant 0 : i32
        %dma_wait3A_189 = tpu.memref_slice %arg2[%dma_wait3A_187, %dma_wait3A_188] : memref<10000x128xf32, #tpu.memory_space<hbm>> -> memref<10000x128xf32, #tpu.memory_space<hbm>>
        tpu.wait_indirect_dma semaphore(%arg27 : memref<!tpu.dma_semaphore, #tpu.memory_space<semaphore_mem>>) src(%dma_wait3A_189 : memref<10000x128xf32, #tpu.memory_space<hbm>>) dst(%arg6 : memref<80x128xf32, #tpu.memory_space<vmem>>)
        "tpu.region"() ({
          %run_scoped3A = tpu.sem_alloc : memref<!tpu.dma_semaphore, #tpu.memory_space<semaphore_mem>>
          %dma_start3A_204 = arith.constant 0 : i32
          %dma_start3A_205 = arith.constant 0 : i32
          %dma_start3A_206 = tpu.memref_slice %arg26[%dma_start3A_204, %dma_start3A_205] : memref<10240x128xf32, #tpu.memory_space<vmem_shared>> -> memref<10240x128xf32, #tpu.memory_space<vmem_shared>>
          tpu.enqueue_indirect_dma source(%arg6 : memref<80x128xf32, #tpu.memory_space<vmem>>) target(%dma_start3A_206 : memref<10240x128xf32, #tpu.memory_space<vmem_shared>>) offsets(%arg18 : memref<80xi32, #tpu.memory_space<vmem>>) semaphore(%run_scoped3A : memref<!tpu.dma_semaphore, #tpu.memory_space<semaphore_mem>>) {add = true}
          %dma_wait3A_207 = arith.constant 0 : i32
          %dma_wait3A_208 = arith.constant 0 : i32
          %dma_wait3A_209 = tpu.memref_slice %arg26[%dma_wait3A_207, %dma_wait3A_208] : memref<10240x128xf32, #tpu.memory_space<vmem_shared>> -> memref<10240x128xf32, #tpu.memory_space<vmem_shared>>
          tpu.wait_indirect_dma semaphore(%run_scoped3A : memref<!tpu.dma_semaphore, #tpu.memory_space<semaphore_mem>>) src(%arg6 : memref<80x128xf32, #tpu.memory_space<vmem>>) dst(%dma_wait3A_209 : memref<10240x128xf32, #tpu.memory_space<vmem_shared>>)
          tpu.yield
        }) : () -> ()
        %add3A_190 = arith.constant 8 : i32
        %add3A_191 = arith.addi %add3A_119, %add3A_190 : i32
        %lt3A_192 = arith.constant 125 : i32
        %lt3A_193 = arith.cmpi slt, %add3A_191, %lt3A_192 : i32
        %convert_element_type3A_194 = arith.extui %lt3A_193 : i1 to i32
        %cond3A_195 = arith.constant 0 : i32
        %cond3A_196 = arith.cmpi ne, %convert_element_type3A_194, %cond3A_195 : i32
        scf.if %cond3A_196 {
          %add3A_204 = arith.constant 8 : i32
          %add3A_205 = arith.addi %add3A_119, %add3A_204 : i32
          %mul3A_206 = arith.constant 80 : i32
          %mul3A_207 = arith.muli %add3A_205, %mul3A_206 : i32
          %add3A_208 = arith.addi %mul3A_2, %mul3A_207 : i32
          %dma_start3A_209 = tpu.memref_slice %arg3[%add3A_208] : memref<320000xi32, #tpu.memory_space<hbm>> -> memref<80xi32, #tpu.memory_space<hbm>>
          %dma_start3A_210 = tpu.memref_slice %arg3[%add3A_208] : memref<320000xi32, #tpu.memory_space<hbm>> -> memref<80xi32, #tpu.memory_space<hbm>>
          tpu.enqueue_dma source(%dma_start3A_210 : memref<80xi32, #tpu.memory_space<hbm>>) target(%arg10 : memref<80xi32, #tpu.memory_space<vmem>>) target_semaphore(%arg31 : memref<!tpu.dma_semaphore, #tpu.memory_space<semaphore_mem>>)
          %dma_start3A_211 = tpu.memref_slice %arg4[%add3A_208] : memref<320000xi32, #tpu.memory_space<hbm>> -> memref<80xi32, #tpu.memory_space<hbm>>
          %dma_start3A_212 = tpu.memref_slice %arg4[%add3A_208] : memref<320000xi32, #tpu.memory_space<hbm>> -> memref<80xi32, #tpu.memory_space<hbm>>
          tpu.enqueue_dma source(%dma_start3A_212 : memref<80xi32, #tpu.memory_space<hbm>>) target(%arg18 : memref<80xi32, #tpu.memory_space<vmem>>) target_semaphore(%arg39 : memref<!tpu.dma_semaphore, #tpu.memory_space<semaphore_mem>>)
        } else {
        }
        %add3A_197 = arith.constant 4 : i32
        %add3A_198 = arith.addi %add3A_119, %add3A_197 : i32
        %lt3A_199 = arith.constant 125 : i32
        %lt3A_200 = arith.cmpi slt, %add3A_198, %lt3A_199 : i32
        %convert_element_type3A_201 = arith.extui %lt3A_200 : i1 to i32
        %cond3A_202 = arith.constant 0 : i32
        %cond3A_203 = arith.cmpi ne, %convert_element_type3A_201, %cond3A_202 : i32
        scf.if %cond3A_203 {
          %add3A_204 = arith.constant 4 : i32
          %add3A_205 = arith.addi %add3A_119, %add3A_204 : i32
          %mul3A_206 = arith.constant 80 : i32
          %mul3A_207 = arith.muli %add3A_205, %mul3A_206 : i32
          %add3A_208 = arith.addi %mul3A_2, %mul3A_207 : i32
          %dma_wait3A_209 = tpu.memref_slice %arg3[%add3A_208] : memref<320000xi32, #tpu.memory_space<hbm>> -> memref<80xi32, #tpu.memory_space<hbm>>
          %dma_wait3A_210 = tpu.memref_slice %arg3[%add3A_208] : memref<320000xi32, #tpu.memory_space<hbm>> -> memref<80xi32, #tpu.memory_space<hbm>>
          tpu.wait_dma2 semaphore(%arg35 : memref<!tpu.dma_semaphore, #tpu.memory_space<semaphore_mem>>) src(%dma_wait3A_210 : memref<80xi32, #tpu.memory_space<hbm>>) dst(%arg14 : memref<80xi32, #tpu.memory_space<vmem>>)
          %dma_wait3A_211 = tpu.memref_slice %arg4[%add3A_208] : memref<320000xi32, #tpu.memory_space<hbm>> -> memref<80xi32, #tpu.memory_space<hbm>>
          %dma_wait3A_212 = tpu.memref_slice %arg4[%add3A_208] : memref<320000xi32, #tpu.memory_space<hbm>> -> memref<80xi32, #tpu.memory_space<hbm>>
          tpu.wait_dma2 semaphore(%arg43 : memref<!tpu.dma_semaphore, #tpu.memory_space<semaphore_mem>>) src(%dma_wait3A_212 : memref<80xi32, #tpu.memory_space<hbm>>) dst(%arg22 : memref<80xi32, #tpu.memory_space<vmem>>)
          %dma_start3A_213 = arith.constant 0 : i32
          %dma_start3A_214 = arith.constant 0 : i32
          %dma_start3A_215 = tpu.memref_slice %arg2[%dma_start3A_213, %dma_start3A_214] : memref<10000x128xf32, #tpu.memory_space<hbm>> -> memref<10000x128xf32, #tpu.memory_space<hbm>>
          tpu.enqueue_indirect_dma source(%dma_start3A_215 : memref<10000x128xf32, #tpu.memory_space<hbm>>) target(%arg6 : memref<80x128xf32, #tpu.memory_space<vmem>>) offsets(%arg14 : memref<80xi32, #tpu.memory_space<vmem>>) semaphore(%arg27 : memref<!tpu.dma_semaphore, #tpu.memory_space<semaphore_mem>>)
        } else {
        }
      } else {
      }
      %mul3A_124 = arith.constant 8 : i32
      %mul3A_125 = arith.muli %scan3A_115, %mul3A_124 : i32
      %add3A_126 = arith.constant 1 : i32
      %add3A_127 = arith.addi %mul3A_125, %add3A_126 : i32
      %lt3A_128 = arith.constant 125 : i32
      %lt3A_129 = arith.cmpi slt, %add3A_127, %lt3A_128 : i32
      %convert_element_type3A_130 = arith.extui %lt3A_129 : i1 to i32
      %cond3A_131 = arith.constant 0 : i32
      %cond3A_132 = arith.cmpi ne, %convert_element_type3A_130, %cond3A_131 : i32
      scf.if %cond3A_132 {
        %dma_wait3A_187 = arith.constant 0 : i32
        %dma_wait3A_188 = arith.constant 0 : i32
        %dma_wait3A_189 = tpu.memref_slice %arg2[%dma_wait3A_187, %dma_wait3A_188] : memref<10000x128xf32, #tpu.memory_space<hbm>> -> memref<10000x128xf32, #tpu.memory_space<hbm>>
        tpu.wait_indirect_dma semaphore(%arg28 : memref<!tpu.dma_semaphore, #tpu.memory_space<semaphore_mem>>) src(%dma_wait3A_189 : memref<10000x128xf32, #tpu.memory_space<hbm>>) dst(%arg7 : memref<80x128xf32, #tpu.memory_space<vmem>>)
        "tpu.region"() ({
          %run_scoped3A = tpu.sem_alloc : memref<!tpu.dma_semaphore, #tpu.memory_space<semaphore_mem>>
          %dma_start3A_204 = arith.constant 0 : i32
          %dma_start3A_205 = arith.constant 0 : i32
          %dma_start3A_206 = tpu.memref_slice %arg26[%dma_start3A_204, %dma_start3A_205] : memref<10240x128xf32, #tpu.memory_space<vmem_shared>> -> memref<10240x128xf32, #tpu.memory_space<vmem_shared>>
          tpu.enqueue_indirect_dma source(%arg7 : memref<80x128xf32, #tpu.memory_space<vmem>>) target(%dma_start3A_206 : memref<10240x128xf32, #tpu.memory_space<vmem_shared>>) offsets(%arg19 : memref<80xi32, #tpu.memory_space<vmem>>) semaphore(%run_scoped3A : memref<!tpu.dma_semaphore, #tpu.memory_space<semaphore_mem>>) {add = true}
          %dma_wait3A_207 = arith.constant 0 : i32
          %dma_wait3A_208 = arith.constant 0 : i32
          %dma_wait3A_209 = tpu.memref_slice %arg26[%dma_wait3A_207, %dma_wait3A_208] : memref<10240x128xf32, #tpu.memory_space<vmem_shared>> -> memref<10240x128xf32, #tpu.memory_space<vmem_shared>>
          tpu.wait_indirect_dma semaphore(%run_scoped3A : memref<!tpu.dma_semaphore, #tpu.memory_space<semaphore_mem>>) src(%arg7 : memref<80x128xf32, #tpu.memory_space<vmem>>) dst(%dma_wait3A_209 : memref<10240x128xf32, #tpu.memory_space<vmem_shared>>)
          tpu.yield
        }) : () -> ()
        %add3A_190 = arith.constant 8 : i32
        %add3A_191 = arith.addi %add3A_127, %add3A_190 : i32
        %lt3A_192 = arith.constant 125 : i32
        %lt3A_193 = arith.cmpi slt, %add3A_191, %lt3A_192 : i32
        %convert_element_type3A_194 = arith.extui %lt3A_193 : i1 to i32
        %cond3A_195 = arith.constant 0 : i32
        %cond3A_196 = arith.cmpi ne, %convert_element_type3A_194, %cond3A_195 : i32
        scf.if %cond3A_196 {
          %add3A_204 = arith.constant 8 : i32
          %add3A_205 = arith.addi %add3A_127, %add3A_204 : i32
          %mul3A_206 = arith.constant 80 : i32
          %mul3A_207 = arith.muli %add3A_205, %mul3A_206 : i32
          %add3A_208 = arith.addi %mul3A_2, %mul3A_207 : i32
          %dma_start3A_209 = tpu.memref_slice %arg3[%add3A_208] : memref<320000xi32, #tpu.memory_space<hbm>> -> memref<80xi32, #tpu.memory_space<hbm>>
          %dma_start3A_210 = tpu.memref_slice %arg3[%add3A_208] : memref<320000xi32, #tpu.memory_space<hbm>> -> memref<80xi32, #tpu.memory_space<hbm>>
          tpu.enqueue_dma source(%dma_start3A_210 : memref<80xi32, #tpu.memory_space<hbm>>) target(%arg11 : memref<80xi32, #tpu.memory_space<vmem>>) target_semaphore(%arg32 : memref<!tpu.dma_semaphore, #tpu.memory_space<semaphore_mem>>)
          %dma_start3A_211 = tpu.memref_slice %arg4[%add3A_208] : memref<320000xi32, #tpu.memory_space<hbm>> -> memref<80xi32, #tpu.memory_space<hbm>>
          %dma_start3A_212 = tpu.memref_slice %arg4[%add3A_208] : memref<320000xi32, #tpu.memory_space<hbm>> -> memref<80xi32, #tpu.memory_space<hbm>>
          tpu.enqueue_dma source(%dma_start3A_212 : memref<80xi32, #tpu.memory_space<hbm>>) target(%arg19 : memref<80xi32, #tpu.memory_space<vmem>>) target_semaphore(%arg40 : memref<!tpu.dma_semaphore, #tpu.memory_space<semaphore_mem>>)
        } else {
        }
        %add3A_197 = arith.constant 4 : i32
        %add3A_198 = arith.addi %add3A_127, %add3A_197 : i32
        %lt3A_199 = arith.constant 125 : i32
        %lt3A_200 = arith.cmpi slt, %add3A_198, %lt3A_199 : i32
        %convert_element_type3A_201 = arith.extui %lt3A_200 : i1 to i32
        %cond3A_202 = arith.constant 0 : i32
        %cond3A_203 = arith.cmpi ne, %convert_element_type3A_201, %cond3A_202 : i32
        scf.if %cond3A_203 {
          %add3A_204 = arith.constant 4 : i32
          %add3A_205 = arith.addi %add3A_127, %add3A_204 : i32
          %mul3A_206 = arith.constant 80 : i32
          %mul3A_207 = arith.muli %add3A_205, %mul3A_206 : i32
          %add3A_208 = arith.addi %mul3A_2, %mul3A_207 : i32
          %dma_wait3A_209 = tpu.memref_slice %arg3[%add3A_208] : memref<320000xi32, #tpu.memory_space<hbm>> -> memref<80xi32, #tpu.memory_space<hbm>>
          %dma_wait3A_210 = tpu.memref_slice %arg3[%add3A_208] : memref<320000xi32, #tpu.memory_space<hbm>> -> memref<80xi32, #tpu.memory_space<hbm>>
          tpu.wait_dma2 semaphore(%arg36 : memref<!tpu.dma_semaphore, #tpu.memory_space<semaphore_mem>>) src(%dma_wait3A_210 : memref<80xi32, #tpu.memory_space<hbm>>) dst(%arg15 : memref<80xi32, #tpu.memory_space<vmem>>)
          %dma_wait3A_211 = tpu.memref_slice %arg4[%add3A_208] : memref<320000xi32, #tpu.memory_space<hbm>> -> memref<80xi32, #tpu.memory_space<hbm>>
          %dma_wait3A_212 = tpu.memref_slice %arg4[%add3A_208] : memref<320000xi32, #tpu.memory_space<hbm>> -> memref<80xi32, #tpu.memory_space<hbm>>
          tpu.wait_dma2 semaphore(%arg44 : memref<!tpu.dma_semaphore, #tpu.memory_space<semaphore_mem>>) src(%dma_wait3A_212 : memref<80xi32, #tpu.memory_space<hbm>>) dst(%arg23 : memref<80xi32, #tpu.memory_space<vmem>>)
          %dma_start3A_213 = arith.constant 0 : i32
          %dma_start3A_214 = arith.constant 0 : i32
          %dma_start3A_215 = tpu.memref_slice %arg2[%dma_start3A_213, %dma_start3A_214] : memref<10000x128xf32, #tpu.memory_space<hbm>> -> memref<10000x128xf32, #tpu.memory_space<hbm>>
          tpu.enqueue_indirect_dma source(%dma_start3A_215 : memref<10000x128xf32, #tpu.memory_space<hbm>>) target(%arg7 : memref<80x128xf32, #tpu.memory_space<vmem>>) offsets(%arg15 : memref<80xi32, #tpu.memory_space<vmem>>) semaphore(%arg28 : memref<!tpu.dma_semaphore, #tpu.memory_space<semaphore_mem>>)
        } else {
        }
      } else {
      }
      %mul3A_133 = arith.constant 8 : i32
      %mul3A_134 = arith.muli %scan3A_115, %mul3A_133 : i32
      %add3A_135 = arith.constant 2 : i32
      %add3A_136 = arith.addi %mul3A_134, %add3A_135 : i32
      %lt3A_137 = arith.constant 125 : i32
      %lt3A_138 = arith.cmpi slt, %add3A_136, %lt3A_137 : i32
      %convert_element_type3A_139 = arith.extui %lt3A_138 : i1 to i32
      %cond3A_140 = arith.constant 0 : i32
      %cond3A_141 = arith.cmpi ne, %convert_element_type3A_139, %cond3A_140 : i32
      scf.if %cond3A_141 {
        %dma_wait3A_187 = arith.constant 0 : i32
        %dma_wait3A_188 = arith.constant 0 : i32
        %dma_wait3A_189 = tpu.memref_slice %arg2[%dma_wait3A_187, %dma_wait3A_188] : memref<10000x128xf32, #tpu.memory_space<hbm>> -> memref<10000x128xf32, #tpu.memory_space<hbm>>
        tpu.wait_indirect_dma semaphore(%arg29 : memref<!tpu.dma_semaphore, #tpu.memory_space<semaphore_mem>>) src(%dma_wait3A_189 : memref<10000x128xf32, #tpu.memory_space<hbm>>) dst(%arg8 : memref<80x128xf32, #tpu.memory_space<vmem>>)
        "tpu.region"() ({
          %run_scoped3A = tpu.sem_alloc : memref<!tpu.dma_semaphore, #tpu.memory_space<semaphore_mem>>
          %dma_start3A_204 = arith.constant 0 : i32
          %dma_start3A_205 = arith.constant 0 : i32
          %dma_start3A_206 = tpu.memref_slice %arg26[%dma_start3A_204, %dma_start3A_205] : memref<10240x128xf32, #tpu.memory_space<vmem_shared>> -> memref<10240x128xf32, #tpu.memory_space<vmem_shared>>
          tpu.enqueue_indirect_dma source(%arg8 : memref<80x128xf32, #tpu.memory_space<vmem>>) target(%dma_start3A_206 : memref<10240x128xf32, #tpu.memory_space<vmem_shared>>) offsets(%arg20 : memref<80xi32, #tpu.memory_space<vmem>>) semaphore(%run_scoped3A : memref<!tpu.dma_semaphore, #tpu.memory_space<semaphore_mem>>) {add = true}
          %dma_wait3A_207 = arith.constant 0 : i32
          %dma_wait3A_208 = arith.constant 0 : i32
          %dma_wait3A_209 = tpu.memref_slice %arg26[%dma_wait3A_207, %dma_wait3A_208] : memref<10240x128xf32, #tpu.memory_space<vmem_shared>> -> memref<10240x128xf32, #tpu.memory_space<vmem_shared>>
          tpu.wait_indirect_dma semaphore(%run_scoped3A : memref<!tpu.dma_semaphore, #tpu.memory_space<semaphore_mem>>) src(%arg8 : memref<80x128xf32, #tpu.memory_space<vmem>>) dst(%dma_wait3A_209 : memref<10240x128xf32, #tpu.memory_space<vmem_shared>>)
          tpu.yield
        }) : () -> ()
        %add3A_190 = arith.constant 8 : i32
        %add3A_191 = arith.addi %add3A_136, %add3A_190 : i32
        %lt3A_192 = arith.constant 125 : i32
        %lt3A_193 = arith.cmpi slt, %add3A_191, %lt3A_192 : i32
        %convert_element_type3A_194 = arith.extui %lt3A_193 : i1 to i32
        %cond3A_195 = arith.constant 0 : i32
        %cond3A_196 = arith.cmpi ne, %convert_element_type3A_194, %cond3A_195 : i32
        scf.if %cond3A_196 {
          %add3A_204 = arith.constant 8 : i32
          %add3A_205 = arith.addi %add3A_136, %add3A_204 : i32
          %mul3A_206 = arith.constant 80 : i32
          %mul3A_207 = arith.muli %add3A_205, %mul3A_206 : i32
          %add3A_208 = arith.addi %mul3A_2, %mul3A_207 : i32
          %dma_start3A_209 = tpu.memref_slice %arg3[%add3A_208] : memref<320000xi32, #tpu.memory_space<hbm>> -> memref<80xi32, #tpu.memory_space<hbm>>
          %dma_start3A_210 = tpu.memref_slice %arg3[%add3A_208] : memref<320000xi32, #tpu.memory_space<hbm>> -> memref<80xi32, #tpu.memory_space<hbm>>
          tpu.enqueue_dma source(%dma_start3A_210 : memref<80xi32, #tpu.memory_space<hbm>>) target(%arg12 : memref<80xi32, #tpu.memory_space<vmem>>) target_semaphore(%arg33 : memref<!tpu.dma_semaphore, #tpu.memory_space<semaphore_mem>>)
          %dma_start3A_211 = tpu.memref_slice %arg4[%add3A_208] : memref<320000xi32, #tpu.memory_space<hbm>> -> memref<80xi32, #tpu.memory_space<hbm>>
          %dma_start3A_212 = tpu.memref_slice %arg4[%add3A_208] : memref<320000xi32, #tpu.memory_space<hbm>> -> memref<80xi32, #tpu.memory_space<hbm>>
          tpu.enqueue_dma source(%dma_start3A_212 : memref<80xi32, #tpu.memory_space<hbm>>) target(%arg20 : memref<80xi32, #tpu.memory_space<vmem>>) target_semaphore(%arg41 : memref<!tpu.dma_semaphore, #tpu.memory_space<semaphore_mem>>)
        } else {
        }
        %add3A_197 = arith.constant 4 : i32
        %add3A_198 = arith.addi %add3A_136, %add3A_197 : i32
        %lt3A_199 = arith.constant 125 : i32
        %lt3A_200 = arith.cmpi slt, %add3A_198, %lt3A_199 : i32
        %convert_element_type3A_201 = arith.extui %lt3A_200 : i1 to i32
        %cond3A_202 = arith.constant 0 : i32
        %cond3A_203 = arith.cmpi ne, %convert_element_type3A_201, %cond3A_202 : i32
        scf.if %cond3A_203 {
          %add3A_204 = arith.constant 4 : i32
          %add3A_205 = arith.addi %add3A_136, %add3A_204 : i32
          %mul3A_206 = arith.constant 80 : i32
          %mul3A_207 = arith.muli %add3A_205, %mul3A_206 : i32
          %add3A_208 = arith.addi %mul3A_2, %mul3A_207 : i32
          %dma_wait3A_209 = tpu.memref_slice %arg3[%add3A_208] : memref<320000xi32, #tpu.memory_space<hbm>> -> memref<80xi32, #tpu.memory_space<hbm>>
          %dma_wait3A_210 = tpu.memref_slice %arg3[%add3A_208] : memref<320000xi32, #tpu.memory_space<hbm>> -> memref<80xi32, #tpu.memory_space<hbm>>
          tpu.wait_dma2 semaphore(%arg37 : memref<!tpu.dma_semaphore, #tpu.memory_space<semaphore_mem>>) src(%dma_wait3A_210 : memref<80xi32, #tpu.memory_space<hbm>>) dst(%arg16 : memref<80xi32, #tpu.memory_space<vmem>>)
          %dma_wait3A_211 = tpu.memref_slice %arg4[%add3A_208] : memref<320000xi32, #tpu.memory_space<hbm>> -> memref<80xi32, #tpu.memory_space<hbm>>
          %dma_wait3A_212 = tpu.memref_slice %arg4[%add3A_208] : memref<320000xi32, #tpu.memory_space<hbm>> -> memref<80xi32, #tpu.memory_space<hbm>>
          tpu.wait_dma2 semaphore(%arg45 : memref<!tpu.dma_semaphore, #tpu.memory_space<semaphore_mem>>) src(%dma_wait3A_212 : memref<80xi32, #tpu.memory_space<hbm>>) dst(%arg24 : memref<80xi32, #tpu.memory_space<vmem>>)
          %dma_start3A_213 = arith.constant 0 : i32
          %dma_start3A_214 = arith.constant 0 : i32
          %dma_start3A_215 = tpu.memref_slice %arg2[%dma_start3A_213, %dma_start3A_214] : memref<10000x128xf32, #tpu.memory_space<hbm>> -> memref<10000x128xf32, #tpu.memory_space<hbm>>
          tpu.enqueue_indirect_dma source(%dma_start3A_215 : memref<10000x128xf32, #tpu.memory_space<hbm>>) target(%arg8 : memref<80x128xf32, #tpu.memory_space<vmem>>) offsets(%arg16 : memref<80xi32, #tpu.memory_space<vmem>>) semaphore(%arg29 : memref<!tpu.dma_semaphore, #tpu.memory_space<semaphore_mem>>)
        } else {
        }
      } else {
      }
      %mul3A_142 = arith.constant 8 : i32
      %mul3A_143 = arith.muli %scan3A_115, %mul3A_142 : i32
      %add3A_144 = arith.constant 3 : i32
      %add3A_145 = arith.addi %mul3A_143, %add3A_144 : i32
      %lt3A_146 = arith.constant 125 : i32
      %lt3A_147 = arith.cmpi slt, %add3A_145, %lt3A_146 : i32
      %convert_element_type3A_148 = arith.extui %lt3A_147 : i1 to i32
      %cond3A_149 = arith.constant 0 : i32
      %cond3A_150 = arith.cmpi ne, %convert_element_type3A_148, %cond3A_149 : i32
      scf.if %cond3A_150 {
        %dma_wait3A_187 = arith.constant 0 : i32
        %dma_wait3A_188 = arith.constant 0 : i32
        %dma_wait3A_189 = tpu.memref_slice %arg2[%dma_wait3A_187, %dma_wait3A_188] : memref<10000x128xf32, #tpu.memory_space<hbm>> -> memref<10000x128xf32, #tpu.memory_space<hbm>>
        tpu.wait_indirect_dma semaphore(%arg30 : memref<!tpu.dma_semaphore, #tpu.memory_space<semaphore_mem>>) src(%dma_wait3A_189 : memref<10000x128xf32, #tpu.memory_space<hbm>>) dst(%arg9 : memref<80x128xf32, #tpu.memory_space<vmem>>)
        "tpu.region"() ({
          %run_scoped3A = tpu.sem_alloc : memref<!tpu.dma_semaphore, #tpu.memory_space<semaphore_mem>>
          %dma_start3A_204 = arith.constant 0 : i32
          %dma_start3A_205 = arith.constant 0 : i32
          %dma_start3A_206 = tpu.memref_slice %arg26[%dma_start3A_204, %dma_start3A_205] : memref<10240x128xf32, #tpu.memory_space<vmem_shared>> -> memref<10240x128xf32, #tpu.memory_space<vmem_shared>>
          tpu.enqueue_indirect_dma source(%arg9 : memref<80x128xf32, #tpu.memory_space<vmem>>) target(%dma_start3A_206 : memref<10240x128xf32, #tpu.memory_space<vmem_shared>>) offsets(%arg21 : memref<80xi32, #tpu.memory_space<vmem>>) semaphore(%run_scoped3A : memref<!tpu.dma_semaphore, #tpu.memory_space<semaphore_mem>>) {add = true}
          %dma_wait3A_207 = arith.constant 0 : i32
          %dma_wait3A_208 = arith.constant 0 : i32
          %dma_wait3A_209 = tpu.memref_slice %arg26[%dma_wait3A_207, %dma_wait3A_208] : memref<10240x128xf32, #tpu.memory_space<vmem_shared>> -> memref<10240x128xf32, #tpu.memory_space<vmem_shared>>
          tpu.wait_indirect_dma semaphore(%run_scoped3A : memref<!tpu.dma_semaphore, #tpu.memory_space<semaphore_mem>>) src(%arg9 : memref<80x128xf32, #tpu.memory_space<vmem>>) dst(%dma_wait3A_209 : memref<10240x128xf32, #tpu.memory_space<vmem_shared>>)
          tpu.yield
        }) : () -> ()
        %add3A_190 = arith.constant 8 : i32
        %add3A_191 = arith.addi %add3A_145, %add3A_190 : i32
        %lt3A_192 = arith.constant 125 : i32
        %lt3A_193 = arith.cmpi slt, %add3A_191, %lt3A_192 : i32
        %convert_element_type3A_194 = arith.extui %lt3A_193 : i1 to i32
        %cond3A_195 = arith.constant 0 : i32
        %cond3A_196 = arith.cmpi ne, %convert_element_type3A_194, %cond3A_195 : i32
        scf.if %cond3A_196 {
          %add3A_204 = arith.constant 8 : i32
          %add3A_205 = arith.addi %add3A_145, %add3A_204 : i32
          %mul3A_206 = arith.constant 80 : i32
          %mul3A_207 = arith.muli %add3A_205, %mul3A_206 : i32
          %add3A_208 = arith.addi %mul3A_2, %mul3A_207 : i32
          %dma_start3A_209 = tpu.memref_slice %arg3[%add3A_208] : memref<320000xi32, #tpu.memory_space<hbm>> -> memref<80xi32, #tpu.memory_space<hbm>>
          %dma_start3A_210 = tpu.memref_slice %arg3[%add3A_208] : memref<320000xi32, #tpu.memory_space<hbm>> -> memref<80xi32, #tpu.memory_space<hbm>>
          tpu.enqueue_dma source(%dma_start3A_210 : memref<80xi32, #tpu.memory_space<hbm>>) target(%arg13 : memref<80xi32, #tpu.memory_space<vmem>>) target_semaphore(%arg34 : memref<!tpu.dma_semaphore, #tpu.memory_space<semaphore_mem>>)
          %dma_start3A_211 = tpu.memref_slice %arg4[%add3A_208] : memref<320000xi32, #tpu.memory_space<hbm>> -> memref<80xi32, #tpu.memory_space<hbm>>
          %dma_start3A_212 = tpu.memref_slice %arg4[%add3A_208] : memref<320000xi32, #tpu.memory_space<hbm>> -> memref<80xi32, #tpu.memory_space<hbm>>
          tpu.enqueue_dma source(%dma_start3A_212 : memref<80xi32, #tpu.memory_space<hbm>>) target(%arg21 : memref<80xi32, #tpu.memory_space<vmem>>) target_semaphore(%arg42 : memref<!tpu.dma_semaphore, #tpu.memory_space<semaphore_mem>>)
        } else {
        }
        %add3A_197 = arith.constant 4 : i32
        %add3A_198 = arith.addi %add3A_145, %add3A_197 : i32
        %lt3A_199 = arith.constant 125 : i32
        %lt3A_200 = arith.cmpi slt, %add3A_198, %lt3A_199 : i32
        %convert_element_type3A_201 = arith.extui %lt3A_200 : i1 to i32
        %cond3A_202 = arith.constant 0 : i32
        %cond3A_203 = arith.cmpi ne, %convert_element_type3A_201, %cond3A_202 : i32
        scf.if %cond3A_203 {
          %add3A_204 = arith.constant 4 : i32
          %add3A_205 = arith.addi %add3A_145, %add3A_204 : i32
          %mul3A_206 = arith.constant 80 : i32
          %mul3A_207 = arith.muli %add3A_205, %mul3A_206 : i32
          %add3A_208 = arith.addi %mul3A_2, %mul3A_207 : i32
          %dma_wait3A_209 = tpu.memref_slice %arg3[%add3A_208] : memref<320000xi32, #tpu.memory_space<hbm>> -> memref<80xi32, #tpu.memory_space<hbm>>
          %dma_wait3A_210 = tpu.memref_slice %arg3[%add3A_208] : memref<320000xi32, #tpu.memory_space<hbm>> -> memref<80xi32, #tpu.memory_space<hbm>>
          tpu.wait_dma2 semaphore(%arg38 : memref<!tpu.dma_semaphore, #tpu.memory_space<semaphore_mem>>) src(%dma_wait3A_210 : memref<80xi32, #tpu.memory_space<hbm>>) dst(%arg17 : memref<80xi32, #tpu.memory_space<vmem>>)
          %dma_wait3A_211 = tpu.memref_slice %arg4[%add3A_208] : memref<320000xi32, #tpu.memory_space<hbm>> -> memref<80xi32, #tpu.memory_space<hbm>>
          %dma_wait3A_212 = tpu.memref_slice %arg4[%add3A_208] : memref<320000xi32, #tpu.memory_space<hbm>> -> memref<80xi32, #tpu.memory_space<hbm>>
          tpu.wait_dma2 semaphore(%arg46 : memref<!tpu.dma_semaphore, #tpu.memory_space<semaphore_mem>>) src(%dma_wait3A_212 : memref<80xi32, #tpu.memory_space<hbm>>) dst(%arg25 : memref<80xi32, #tpu.memory_space<vmem>>)
          %dma_start3A_213 = arith.constant 0 : i32
          %dma_start3A_214 = arith.constant 0 : i32
          %dma_start3A_215 = tpu.memref_slice %arg2[%dma_start3A_213, %dma_start3A_214] : memref<10000x128xf32, #tpu.memory_space<hbm>> -> memref<10000x128xf32, #tpu.memory_space<hbm>>
          tpu.enqueue_indirect_dma source(%dma_start3A_215 : memref<10000x128xf32, #tpu.memory_space<hbm>>) target(%arg9 : memref<80x128xf32, #tpu.memory_space<vmem>>) offsets(%arg17 : memref<80xi32, #tpu.memory_space<vmem>>) semaphore(%arg30 : memref<!tpu.dma_semaphore, #tpu.memory_space<semaphore_mem>>)
        } else {
        }
      } else {
      }
      %mul3A_151 = arith.constant 8 : i32
      %mul3A_152 = arith.muli %scan3A_115, %mul3A_151 : i32
      %add3A_153 = arith.constant 4 : i32
      %add3A_154 = arith.addi %mul3A_152, %add3A_153 : i32
      %lt3A_155 = arith.constant 125 : i32
      %lt3A_156 = arith.cmpi slt, %add3A_154, %lt3A_155 : i32
      %convert_element_type3A_157 = arith.extui %lt3A_156 : i1 to i32
      %cond3A_158 = arith.constant 0 : i32
      %cond3A_159 = arith.cmpi ne, %convert_element_type3A_157, %cond3A_158 : i32
      scf.if %cond3A_159 {
        %dma_wait3A_187 = arith.constant 0 : i32
        %dma_wait3A_188 = arith.constant 0 : i32
        %dma_wait3A_189 = tpu.memref_slice %arg2[%dma_wait3A_187, %dma_wait3A_188] : memref<10000x128xf32, #tpu.memory_space<hbm>> -> memref<10000x128xf32, #tpu.memory_space<hbm>>
        tpu.wait_indirect_dma semaphore(%arg27 : memref<!tpu.dma_semaphore, #tpu.memory_space<semaphore_mem>>) src(%dma_wait3A_189 : memref<10000x128xf32, #tpu.memory_space<hbm>>) dst(%arg6 : memref<80x128xf32, #tpu.memory_space<vmem>>)
        "tpu.region"() ({
          %run_scoped3A = tpu.sem_alloc : memref<!tpu.dma_semaphore, #tpu.memory_space<semaphore_mem>>
          %dma_start3A_204 = arith.constant 0 : i32
          %dma_start3A_205 = arith.constant 0 : i32
          %dma_start3A_206 = tpu.memref_slice %arg26[%dma_start3A_204, %dma_start3A_205] : memref<10240x128xf32, #tpu.memory_space<vmem_shared>> -> memref<10240x128xf32, #tpu.memory_space<vmem_shared>>
          tpu.enqueue_indirect_dma source(%arg6 : memref<80x128xf32, #tpu.memory_space<vmem>>) target(%dma_start3A_206 : memref<10240x128xf32, #tpu.memory_space<vmem_shared>>) offsets(%arg22 : memref<80xi32, #tpu.memory_space<vmem>>) semaphore(%run_scoped3A : memref<!tpu.dma_semaphore, #tpu.memory_space<semaphore_mem>>) {add = true}
          %dma_wait3A_207 = arith.constant 0 : i32
          %dma_wait3A_208 = arith.constant 0 : i32
          %dma_wait3A_209 = tpu.memref_slice %arg26[%dma_wait3A_207, %dma_wait3A_208] : memref<10240x128xf32, #tpu.memory_space<vmem_shared>> -> memref<10240x128xf32, #tpu.memory_space<vmem_shared>>
          tpu.wait_indirect_dma semaphore(%run_scoped3A : memref<!tpu.dma_semaphore, #tpu.memory_space<semaphore_mem>>) src(%arg6 : memref<80x128xf32, #tpu.memory_space<vmem>>) dst(%dma_wait3A_209 : memref<10240x128xf32, #tpu.memory_space<vmem_shared>>)
          tpu.yield
        }) : () -> ()
        %add3A_190 = arith.constant 8 : i32
        %add3A_191 = arith.addi %add3A_154, %add3A_190 : i32
        %lt3A_192 = arith.constant 125 : i32
        %lt3A_193 = arith.cmpi slt, %add3A_191, %lt3A_192 : i32
        %convert_element_type3A_194 = arith.extui %lt3A_193 : i1 to i32
        %cond3A_195 = arith.constant 0 : i32
        %cond3A_196 = arith.cmpi ne, %convert_element_type3A_194, %cond3A_195 : i32
        scf.if %cond3A_196 {
          %add3A_204 = arith.constant 8 : i32
          %add3A_205 = arith.addi %add3A_154, %add3A_204 : i32
          %mul3A_206 = arith.constant 80 : i32
          %mul3A_207 = arith.muli %add3A_205, %mul3A_206 : i32
          %add3A_208 = arith.addi %mul3A_2, %mul3A_207 : i32
          %dma_start3A_209 = tpu.memref_slice %arg3[%add3A_208] : memref<320000xi32, #tpu.memory_space<hbm>> -> memref<80xi32, #tpu.memory_space<hbm>>
          %dma_start3A_210 = tpu.memref_slice %arg3[%add3A_208] : memref<320000xi32, #tpu.memory_space<hbm>> -> memref<80xi32, #tpu.memory_space<hbm>>
          tpu.enqueue_dma source(%dma_start3A_210 : memref<80xi32, #tpu.memory_space<hbm>>) target(%arg14 : memref<80xi32, #tpu.memory_space<vmem>>) target_semaphore(%arg35 : memref<!tpu.dma_semaphore, #tpu.memory_space<semaphore_mem>>)
          %dma_start3A_211 = tpu.memref_slice %arg4[%add3A_208] : memref<320000xi32, #tpu.memory_space<hbm>> -> memref<80xi32, #tpu.memory_space<hbm>>
          %dma_start3A_212 = tpu.memref_slice %arg4[%add3A_208] : memref<320000xi32, #tpu.memory_space<hbm>> -> memref<80xi32, #tpu.memory_space<hbm>>
          tpu.enqueue_dma source(%dma_start3A_212 : memref<80xi32, #tpu.memory_space<hbm>>) target(%arg22 : memref<80xi32, #tpu.memory_space<vmem>>) target_semaphore(%arg43 : memref<!tpu.dma_semaphore, #tpu.memory_space<semaphore_mem>>)
        } else {
        }
        %add3A_197 = arith.constant 4 : i32
        %add3A_198 = arith.addi %add3A_154, %add3A_197 : i32
        %lt3A_199 = arith.constant 125 : i32
        %lt3A_200 = arith.cmpi slt, %add3A_198, %lt3A_199 : i32
        %convert_element_type3A_201 = arith.extui %lt3A_200 : i1 to i32
        %cond3A_202 = arith.constant 0 : i32
        %cond3A_203 = arith.cmpi ne, %convert_element_type3A_201, %cond3A_202 : i32
        scf.if %cond3A_203 {
          %add3A_204 = arith.constant 4 : i32
          %add3A_205 = arith.addi %add3A_154, %add3A_204 : i32
          %mul3A_206 = arith.constant 80 : i32
          %mul3A_207 = arith.muli %add3A_205, %mul3A_206 : i32
          %add3A_208 = arith.addi %mul3A_2, %mul3A_207 : i32
          %dma_wait3A_209 = tpu.memref_slice %arg3[%add3A_208] : memref<320000xi32, #tpu.memory_space<hbm>> -> memref<80xi32, #tpu.memory_space<hbm>>
          %dma_wait3A_210 = tpu.memref_slice %arg3[%add3A_208] : memref<320000xi32, #tpu.memory_space<hbm>> -> memref<80xi32, #tpu.memory_space<hbm>>
          tpu.wait_dma2 semaphore(%arg31 : memref<!tpu.dma_semaphore, #tpu.memory_space<semaphore_mem>>) src(%dma_wait3A_210 : memref<80xi32, #tpu.memory_space<hbm>>) dst(%arg10 : memref<80xi32, #tpu.memory_space<vmem>>)
          %dma_wait3A_211 = tpu.memref_slice %arg4[%add3A_208] : memref<320000xi32, #tpu.memory_space<hbm>> -> memref<80xi32, #tpu.memory_space<hbm>>
          %dma_wait3A_212 = tpu.memref_slice %arg4[%add3A_208] : memref<320000xi32, #tpu.memory_space<hbm>> -> memref<80xi32, #tpu.memory_space<hbm>>
          tpu.wait_dma2 semaphore(%arg39 : memref<!tpu.dma_semaphore, #tpu.memory_space<semaphore_mem>>) src(%dma_wait3A_212 : memref<80xi32, #tpu.memory_space<hbm>>) dst(%arg18 : memref<80xi32, #tpu.memory_space<vmem>>)
          %dma_start3A_213 = arith.constant 0 : i32
          %dma_start3A_214 = arith.constant 0 : i32
          %dma_start3A_215 = tpu.memref_slice %arg2[%dma_start3A_213, %dma_start3A_214] : memref<10000x128xf32, #tpu.memory_space<hbm>> -> memref<10000x128xf32, #tpu.memory_space<hbm>>
          tpu.enqueue_indirect_dma source(%dma_start3A_215 : memref<10000x128xf32, #tpu.memory_space<hbm>>) target(%arg6 : memref<80x128xf32, #tpu.memory_space<vmem>>) offsets(%arg10 : memref<80xi32, #tpu.memory_space<vmem>>) semaphore(%arg27 : memref<!tpu.dma_semaphore, #tpu.memory_space<semaphore_mem>>)
        } else {
        }
      } else {
      }
      %mul3A_160 = arith.constant 8 : i32
      %mul3A_161 = arith.muli %scan3A_115, %mul3A_160 : i32
      %add3A_162 = arith.constant 5 : i32
      %add3A_163 = arith.addi %mul3A_161, %add3A_162 : i32
      %lt3A_164 = arith.constant 125 : i32
      %lt3A_165 = arith.cmpi slt, %add3A_163, %lt3A_164 : i32
      %convert_element_type3A_166 = arith.extui %lt3A_165 : i1 to i32
      %cond3A_167 = arith.constant 0 : i32
      %cond3A_168 = arith.cmpi ne, %convert_element_type3A_166, %cond3A_167 : i32
      scf.if %cond3A_168 {
        %dma_wait3A_187 = arith.constant 0 : i32
        %dma_wait3A_188 = arith.constant 0 : i32
        %dma_wait3A_189 = tpu.memref_slice %arg2[%dma_wait3A_187, %dma_wait3A_188] : memref<10000x128xf32, #tpu.memory_space<hbm>> -> memref<10000x128xf32, #tpu.memory_space<hbm>>
        tpu.wait_indirect_dma semaphore(%arg28 : memref<!tpu.dma_semaphore, #tpu.memory_space<semaphore_mem>>) src(%dma_wait3A_189 : memref<10000x128xf32, #tpu.memory_space<hbm>>) dst(%arg7 : memref<80x128xf32, #tpu.memory_space<vmem>>)
        "tpu.region"() ({
          %run_scoped3A = tpu.sem_alloc : memref<!tpu.dma_semaphore, #tpu.memory_space<semaphore_mem>>
          %dma_start3A_204 = arith.constant 0 : i32
          %dma_start3A_205 = arith.constant 0 : i32
          %dma_start3A_206 = tpu.memref_slice %arg26[%dma_start3A_204, %dma_start3A_205] : memref<10240x128xf32, #tpu.memory_space<vmem_shared>> -> memref<10240x128xf32, #tpu.memory_space<vmem_shared>>
          tpu.enqueue_indirect_dma source(%arg7 : memref<80x128xf32, #tpu.memory_space<vmem>>) target(%dma_start3A_206 : memref<10240x128xf32, #tpu.memory_space<vmem_shared>>) offsets(%arg23 : memref<80xi32, #tpu.memory_space<vmem>>) semaphore(%run_scoped3A : memref<!tpu.dma_semaphore, #tpu.memory_space<semaphore_mem>>) {add = true}
          %dma_wait3A_207 = arith.constant 0 : i32
          %dma_wait3A_208 = arith.constant 0 : i32
          %dma_wait3A_209 = tpu.memref_slice %arg26[%dma_wait3A_207, %dma_wait3A_208] : memref<10240x128xf32, #tpu.memory_space<vmem_shared>> -> memref<10240x128xf32, #tpu.memory_space<vmem_shared>>
          tpu.wait_indirect_dma semaphore(%run_scoped3A : memref<!tpu.dma_semaphore, #tpu.memory_space<semaphore_mem>>) src(%arg7 : memref<80x128xf32, #tpu.memory_space<vmem>>) dst(%dma_wait3A_209 : memref<10240x128xf32, #tpu.memory_space<vmem_shared>>)
          tpu.yield
        }) : () -> ()
        %add3A_190 = arith.constant 8 : i32
        %add3A_191 = arith.addi %add3A_163, %add3A_190 : i32
        %lt3A_192 = arith.constant 125 : i32
        %lt3A_193 = arith.cmpi slt, %add3A_191, %lt3A_192 : i32
        %convert_element_type3A_194 = arith.extui %lt3A_193 : i1 to i32
        %cond3A_195 = arith.constant 0 : i32
        %cond3A_196 = arith.cmpi ne, %convert_element_type3A_194, %cond3A_195 : i32
        scf.if %cond3A_196 {
          %add3A_204 = arith.constant 8 : i32
          %add3A_205 = arith.addi %add3A_163, %add3A_204 : i32
          %mul3A_206 = arith.constant 80 : i32
          %mul3A_207 = arith.muli %add3A_205, %mul3A_206 : i32
          %add3A_208 = arith.addi %mul3A_2, %mul3A_207 : i32
          %dma_start3A_209 = tpu.memref_slice %arg3[%add3A_208] : memref<320000xi32, #tpu.memory_space<hbm>> -> memref<80xi32, #tpu.memory_space<hbm>>
          %dma_start3A_210 = tpu.memref_slice %arg3[%add3A_208] : memref<320000xi32, #tpu.memory_space<hbm>> -> memref<80xi32, #tpu.memory_space<hbm>>
          tpu.enqueue_dma source(%dma_start3A_210 : memref<80xi32, #tpu.memory_space<hbm>>) target(%arg15 : memref<80xi32, #tpu.memory_space<vmem>>) target_semaphore(%arg36 : memref<!tpu.dma_semaphore, #tpu.memory_space<semaphore_mem>>)
          %dma_start3A_211 = tpu.memref_slice %arg4[%add3A_208] : memref<320000xi32, #tpu.memory_space<hbm>> -> memref<80xi32, #tpu.memory_space<hbm>>
          %dma_start3A_212 = tpu.memref_slice %arg4[%add3A_208] : memref<320000xi32, #tpu.memory_space<hbm>> -> memref<80xi32, #tpu.memory_space<hbm>>
          tpu.enqueue_dma source(%dma_start3A_212 : memref<80xi32, #tpu.memory_space<hbm>>) target(%arg23 : memref<80xi32, #tpu.memory_space<vmem>>) target_semaphore(%arg44 : memref<!tpu.dma_semaphore, #tpu.memory_space<semaphore_mem>>)
        } else {
        }
        %add3A_197 = arith.constant 4 : i32
        %add3A_198 = arith.addi %add3A_163, %add3A_197 : i32
        %lt3A_199 = arith.constant 125 : i32
        %lt3A_200 = arith.cmpi slt, %add3A_198, %lt3A_199 : i32
        %convert_element_type3A_201 = arith.extui %lt3A_200 : i1 to i32
        %cond3A_202 = arith.constant 0 : i32
        %cond3A_203 = arith.cmpi ne, %convert_element_type3A_201, %cond3A_202 : i32
        scf.if %cond3A_203 {
          %add3A_204 = arith.constant 4 : i32
          %add3A_205 = arith.addi %add3A_163, %add3A_204 : i32
          %mul3A_206 = arith.constant 80 : i32
          %mul3A_207 = arith.muli %add3A_205, %mul3A_206 : i32
          %add3A_208 = arith.addi %mul3A_2, %mul3A_207 : i32
          %dma_wait3A_209 = tpu.memref_slice %arg3[%add3A_208] : memref<320000xi32, #tpu.memory_space<hbm>> -> memref<80xi32, #tpu.memory_space<hbm>>
          %dma_wait3A_210 = tpu.memref_slice %arg3[%add3A_208] : memref<320000xi32, #tpu.memory_space<hbm>> -> memref<80xi32, #tpu.memory_space<hbm>>
          tpu.wait_dma2 semaphore(%arg32 : memref<!tpu.dma_semaphore, #tpu.memory_space<semaphore_mem>>) src(%dma_wait3A_210 : memref<80xi32, #tpu.memory_space<hbm>>) dst(%arg11 : memref<80xi32, #tpu.memory_space<vmem>>)
          %dma_wait3A_211 = tpu.memref_slice %arg4[%add3A_208] : memref<320000xi32, #tpu.memory_space<hbm>> -> memref<80xi32, #tpu.memory_space<hbm>>
          %dma_wait3A_212 = tpu.memref_slice %arg4[%add3A_208] : memref<320000xi32, #tpu.memory_space<hbm>> -> memref<80xi32, #tpu.memory_space<hbm>>
          tpu.wait_dma2 semaphore(%arg40 : memref<!tpu.dma_semaphore, #tpu.memory_space<semaphore_mem>>) src(%dma_wait3A_212 : memref<80xi32, #tpu.memory_space<hbm>>) dst(%arg19 : memref<80xi32, #tpu.memory_space<vmem>>)
          %dma_start3A_213 = arith.constant 0 : i32
          %dma_start3A_214 = arith.constant 0 : i32
          %dma_start3A_215 = tpu.memref_slice %arg2[%dma_start3A_213, %dma_start3A_214] : memref<10000x128xf32, #tpu.memory_space<hbm>> -> memref<10000x128xf32, #tpu.memory_space<hbm>>
          tpu.enqueue_indirect_dma source(%dma_start3A_215 : memref<10000x128xf32, #tpu.memory_space<hbm>>) target(%arg7 : memref<80x128xf32, #tpu.memory_space<vmem>>) offsets(%arg11 : memref<80xi32, #tpu.memory_space<vmem>>) semaphore(%arg28 : memref<!tpu.dma_semaphore, #tpu.memory_space<semaphore_mem>>)
        } else {
        }
      } else {
      }
      %mul3A_169 = arith.constant 8 : i32
      %mul3A_170 = arith.muli %scan3A_115, %mul3A_169 : i32
      %add3A_171 = arith.constant 6 : i32
      %add3A_172 = arith.addi %mul3A_170, %add3A_171 : i32
      %lt3A_173 = arith.constant 125 : i32
      %lt3A_174 = arith.cmpi slt, %add3A_172, %lt3A_173 : i32
      %convert_element_type3A_175 = arith.extui %lt3A_174 : i1 to i32
      %cond3A_176 = arith.constant 0 : i32
      %cond3A_177 = arith.cmpi ne, %convert_element_type3A_175, %cond3A_176 : i32
      scf.if %cond3A_177 {
        %dma_wait3A_187 = arith.constant 0 : i32
        %dma_wait3A_188 = arith.constant 0 : i32
        %dma_wait3A_189 = tpu.memref_slice %arg2[%dma_wait3A_187, %dma_wait3A_188] : memref<10000x128xf32, #tpu.memory_space<hbm>> -> memref<10000x128xf32, #tpu.memory_space<hbm>>
        tpu.wait_indirect_dma semaphore(%arg29 : memref<!tpu.dma_semaphore, #tpu.memory_space<semaphore_mem>>) src(%dma_wait3A_189 : memref<10000x128xf32, #tpu.memory_space<hbm>>) dst(%arg8 : memref<80x128xf32, #tpu.memory_space<vmem>>)
        "tpu.region"() ({
          %run_scoped3A = tpu.sem_alloc : memref<!tpu.dma_semaphore, #tpu.memory_space<semaphore_mem>>
          %dma_start3A_204 = arith.constant 0 : i32
          %dma_start3A_205 = arith.constant 0 : i32
          %dma_start3A_206 = tpu.memref_slice %arg26[%dma_start3A_204, %dma_start3A_205] : memref<10240x128xf32, #tpu.memory_space<vmem_shared>> -> memref<10240x128xf32, #tpu.memory_space<vmem_shared>>
          tpu.enqueue_indirect_dma source(%arg8 : memref<80x128xf32, #tpu.memory_space<vmem>>) target(%dma_start3A_206 : memref<10240x128xf32, #tpu.memory_space<vmem_shared>>) offsets(%arg24 : memref<80xi32, #tpu.memory_space<vmem>>) semaphore(%run_scoped3A : memref<!tpu.dma_semaphore, #tpu.memory_space<semaphore_mem>>) {add = true}
          %dma_wait3A_207 = arith.constant 0 : i32
          %dma_wait3A_208 = arith.constant 0 : i32
          %dma_wait3A_209 = tpu.memref_slice %arg26[%dma_wait3A_207, %dma_wait3A_208] : memref<10240x128xf32, #tpu.memory_space<vmem_shared>> -> memref<10240x128xf32, #tpu.memory_space<vmem_shared>>
          tpu.wait_indirect_dma semaphore(%run_scoped3A : memref<!tpu.dma_semaphore, #tpu.memory_space<semaphore_mem>>) src(%arg8 : memref<80x128xf32, #tpu.memory_space<vmem>>) dst(%dma_wait3A_209 : memref<10240x128xf32, #tpu.memory_space<vmem_shared>>)
          tpu.yield
        }) : () -> ()
        %add3A_190 = arith.constant 8 : i32
        %add3A_191 = arith.addi %add3A_172, %add3A_190 : i32
        %lt3A_192 = arith.constant 125 : i32
        %lt3A_193 = arith.cmpi slt, %add3A_191, %lt3A_192 : i32
        %convert_element_type3A_194 = arith.extui %lt3A_193 : i1 to i32
        %cond3A_195 = arith.constant 0 : i32
        %cond3A_196 = arith.cmpi ne, %convert_element_type3A_194, %cond3A_195 : i32
        scf.if %cond3A_196 {
          %add3A_204 = arith.constant 8 : i32
          %add3A_205 = arith.addi %add3A_172, %add3A_204 : i32
          %mul3A_206 = arith.constant 80 : i32
          %mul3A_207 = arith.muli %add3A_205, %mul3A_206 : i32
          %add3A_208 = arith.addi %mul3A_2, %mul3A_207 : i32
          %dma_start3A_209 = tpu.memref_slice %arg3[%add3A_208] : memref<320000xi32, #tpu.memory_space<hbm>> -> memref<80xi32, #tpu.memory_space<hbm>>
          %dma_start3A_210 = tpu.memref_slice %arg3[%add3A_208] : memref<320000xi32, #tpu.memory_space<hbm>> -> memref<80xi32, #tpu.memory_space<hbm>>
          tpu.enqueue_dma source(%dma_start3A_210 : memref<80xi32, #tpu.memory_space<hbm>>) target(%arg16 : memref<80xi32, #tpu.memory_space<vmem>>) target_semaphore(%arg37 : memref<!tpu.dma_semaphore, #tpu.memory_space<semaphore_mem>>)
          %dma_start3A_211 = tpu.memref_slice %arg4[%add3A_208] : memref<320000xi32, #tpu.memory_space<hbm>> -> memref<80xi32, #tpu.memory_space<hbm>>
          %dma_start3A_212 = tpu.memref_slice %arg4[%add3A_208] : memref<320000xi32, #tpu.memory_space<hbm>> -> memref<80xi32, #tpu.memory_space<hbm>>
          tpu.enqueue_dma source(%dma_start3A_212 : memref<80xi32, #tpu.memory_space<hbm>>) target(%arg24 : memref<80xi32, #tpu.memory_space<vmem>>) target_semaphore(%arg45 : memref<!tpu.dma_semaphore, #tpu.memory_space<semaphore_mem>>)
        } else {
        }
        %add3A_197 = arith.constant 4 : i32
        %add3A_198 = arith.addi %add3A_172, %add3A_197 : i32
        %lt3A_199 = arith.constant 125 : i32
        %lt3A_200 = arith.cmpi slt, %add3A_198, %lt3A_199 : i32
        %convert_element_type3A_201 = arith.extui %lt3A_200 : i1 to i32
        %cond3A_202 = arith.constant 0 : i32
        %cond3A_203 = arith.cmpi ne, %convert_element_type3A_201, %cond3A_202 : i32
        scf.if %cond3A_203 {
          %add3A_204 = arith.constant 4 : i32
          %add3A_205 = arith.addi %add3A_172, %add3A_204 : i32
          %mul3A_206 = arith.constant 80 : i32
          %mul3A_207 = arith.muli %add3A_205, %mul3A_206 : i32
          %add3A_208 = arith.addi %mul3A_2, %mul3A_207 : i32
          %dma_wait3A_209 = tpu.memref_slice %arg3[%add3A_208] : memref<320000xi32, #tpu.memory_space<hbm>> -> memref<80xi32, #tpu.memory_space<hbm>>
          %dma_wait3A_210 = tpu.memref_slice %arg3[%add3A_208] : memref<320000xi32, #tpu.memory_space<hbm>> -> memref<80xi32, #tpu.memory_space<hbm>>
          tpu.wait_dma2 semaphore(%arg33 : memref<!tpu.dma_semaphore, #tpu.memory_space<semaphore_mem>>) src(%dma_wait3A_210 : memref<80xi32, #tpu.memory_space<hbm>>) dst(%arg12 : memref<80xi32, #tpu.memory_space<vmem>>)
          %dma_wait3A_211 = tpu.memref_slice %arg4[%add3A_208] : memref<320000xi32, #tpu.memory_space<hbm>> -> memref<80xi32, #tpu.memory_space<hbm>>
          %dma_wait3A_212 = tpu.memref_slice %arg4[%add3A_208] : memref<320000xi32, #tpu.memory_space<hbm>> -> memref<80xi32, #tpu.memory_space<hbm>>
          tpu.wait_dma2 semaphore(%arg41 : memref<!tpu.dma_semaphore, #tpu.memory_space<semaphore_mem>>) src(%dma_wait3A_212 : memref<80xi32, #tpu.memory_space<hbm>>) dst(%arg20 : memref<80xi32, #tpu.memory_space<vmem>>)
          %dma_start3A_213 = arith.constant 0 : i32
          %dma_start3A_214 = arith.constant 0 : i32
          %dma_start3A_215 = tpu.memref_slice %arg2[%dma_start3A_213, %dma_start3A_214] : memref<10000x128xf32, #tpu.memory_space<hbm>> -> memref<10000x128xf32, #tpu.memory_space<hbm>>
          tpu.enqueue_indirect_dma source(%dma_start3A_215 : memref<10000x128xf32, #tpu.memory_space<hbm>>) target(%arg8 : memref<80x128xf32, #tpu.memory_space<vmem>>) offsets(%arg12 : memref<80xi32, #tpu.memory_space<vmem>>) semaphore(%arg29 : memref<!tpu.dma_semaphore, #tpu.memory_space<semaphore_mem>>)
        } else {
        }
      } else {
      }
      %mul3A_178 = arith.constant 8 : i32
      %mul3A_179 = arith.muli %scan3A_115, %mul3A_178 : i32
      %add3A_180 = arith.constant 7 : i32
      %add3A_181 = arith.addi %mul3A_179, %add3A_180 : i32
      %lt3A_182 = arith.constant 125 : i32
      %lt3A_183 = arith.cmpi slt, %add3A_181, %lt3A_182 : i32
      %convert_element_type3A_184 = arith.extui %lt3A_183 : i1 to i32
      %cond3A_185 = arith.constant 0 : i32
      %cond3A_186 = arith.cmpi ne, %convert_element_type3A_184, %cond3A_185 : i32
      scf.if %cond3A_186 {
        %dma_wait3A_187 = arith.constant 0 : i32
        %dma_wait3A_188 = arith.constant 0 : i32
        %dma_wait3A_189 = tpu.memref_slice %arg2[%dma_wait3A_187, %dma_wait3A_188] : memref<10000x128xf32, #tpu.memory_space<hbm>> -> memref<10000x128xf32, #tpu.memory_space<hbm>>
        tpu.wait_indirect_dma semaphore(%arg30 : memref<!tpu.dma_semaphore, #tpu.memory_space<semaphore_mem>>) src(%dma_wait3A_189 : memref<10000x128xf32, #tpu.memory_space<hbm>>) dst(%arg9 : memref<80x128xf32, #tpu.memory_space<vmem>>)
        "tpu.region"() ({
          %run_scoped3A = tpu.sem_alloc : memref<!tpu.dma_semaphore, #tpu.memory_space<semaphore_mem>>
          %dma_start3A_204 = arith.constant 0 : i32
          %dma_start3A_205 = arith.constant 0 : i32
          %dma_start3A_206 = tpu.memref_slice %arg26[%dma_start3A_204, %dma_start3A_205] : memref<10240x128xf32, #tpu.memory_space<vmem_shared>> -> memref<10240x128xf32, #tpu.memory_space<vmem_shared>>
          tpu.enqueue_indirect_dma source(%arg9 : memref<80x128xf32, #tpu.memory_space<vmem>>) target(%dma_start3A_206 : memref<10240x128xf32, #tpu.memory_space<vmem_shared>>) offsets(%arg25 : memref<80xi32, #tpu.memory_space<vmem>>) semaphore(%run_scoped3A : memref<!tpu.dma_semaphore, #tpu.memory_space<semaphore_mem>>) {add = true}
          %dma_wait3A_207 = arith.constant 0 : i32
          %dma_wait3A_208 = arith.constant 0 : i32
          %dma_wait3A_209 = tpu.memref_slice %arg26[%dma_wait3A_207, %dma_wait3A_208] : memref<10240x128xf32, #tpu.memory_space<vmem_shared>> -> memref<10240x128xf32, #tpu.memory_space<vmem_shared>>
          tpu.wait_indirect_dma semaphore(%run_scoped3A : memref<!tpu.dma_semaphore, #tpu.memory_space<semaphore_mem>>) src(%arg9 : memref<80x128xf32, #tpu.memory_space<vmem>>) dst(%dma_wait3A_209 : memref<10240x128xf32, #tpu.memory_space<vmem_shared>>)
          tpu.yield
        }) : () -> ()
        %add3A_190 = arith.constant 8 : i32
        %add3A_191 = arith.addi %add3A_181, %add3A_190 : i32
        %lt3A_192 = arith.constant 125 : i32
        %lt3A_193 = arith.cmpi slt, %add3A_191, %lt3A_192 : i32
        %convert_element_type3A_194 = arith.extui %lt3A_193 : i1 to i32
        %cond3A_195 = arith.constant 0 : i32
        %cond3A_196 = arith.cmpi ne, %convert_element_type3A_194, %cond3A_195 : i32
        scf.if %cond3A_196 {
          %add3A_204 = arith.constant 8 : i32
          %add3A_205 = arith.addi %add3A_181, %add3A_204 : i32
          %mul3A_206 = arith.constant 80 : i32
          %mul3A_207 = arith.muli %add3A_205, %mul3A_206 : i32
          %add3A_208 = arith.addi %mul3A_2, %mul3A_207 : i32
          %dma_start3A_209 = tpu.memref_slice %arg3[%add3A_208] : memref<320000xi32, #tpu.memory_space<hbm>> -> memref<80xi32, #tpu.memory_space<hbm>>
          %dma_start3A_210 = tpu.memref_slice %arg3[%add3A_208] : memref<320000xi32, #tpu.memory_space<hbm>> -> memref<80xi32, #tpu.memory_space<hbm>>
          tpu.enqueue_dma source(%dma_start3A_210 : memref<80xi32, #tpu.memory_space<hbm>>) target(%arg17 : memref<80xi32, #tpu.memory_space<vmem>>) target_semaphore(%arg38 : memref<!tpu.dma_semaphore, #tpu.memory_space<semaphore_mem>>)
          %dma_start3A_211 = tpu.memref_slice %arg4[%add3A_208] : memref<320000xi32, #tpu.memory_space<hbm>> -> memref<80xi32, #tpu.memory_space<hbm>>
          %dma_start3A_212 = tpu.memref_slice %arg4[%add3A_208] : memref<320000xi32, #tpu.memory_space<hbm>> -> memref<80xi32, #tpu.memory_space<hbm>>
          tpu.enqueue_dma source(%dma_start3A_212 : memref<80xi32, #tpu.memory_space<hbm>>) target(%arg25 : memref<80xi32, #tpu.memory_space<vmem>>) target_semaphore(%arg46 : memref<!tpu.dma_semaphore, #tpu.memory_space<semaphore_mem>>)
        } else {
        }
        %add3A_197 = arith.constant 4 : i32
        %add3A_198 = arith.addi %add3A_181, %add3A_197 : i32
        %lt3A_199 = arith.constant 125 : i32
        %lt3A_200 = arith.cmpi slt, %add3A_198, %lt3A_199 : i32
        %convert_element_type3A_201 = arith.extui %lt3A_200 : i1 to i32
        %cond3A_202 = arith.constant 0 : i32
        %cond3A_203 = arith.cmpi ne, %convert_element_type3A_201, %cond3A_202 : i32
        scf.if %cond3A_203 {
          %add3A_204 = arith.constant 4 : i32
          %add3A_205 = arith.addi %add3A_181, %add3A_204 : i32
          %mul3A_206 = arith.constant 80 : i32
          %mul3A_207 = arith.muli %add3A_205, %mul3A_206 : i32
          %add3A_208 = arith.addi %mul3A_2, %mul3A_207 : i32
          %dma_wait3A_209 = tpu.memref_slice %arg3[%add3A_208] : memref<320000xi32, #tpu.memory_space<hbm>> -> memref<80xi32, #tpu.memory_space<hbm>>
          %dma_wait3A_210 = tpu.memref_slice %arg3[%add3A_208] : memref<320000xi32, #tpu.memory_space<hbm>> -> memref<80xi32, #tpu.memory_space<hbm>>
          tpu.wait_dma2 semaphore(%arg34 : memref<!tpu.dma_semaphore, #tpu.memory_space<semaphore_mem>>) src(%dma_wait3A_210 : memref<80xi32, #tpu.memory_space<hbm>>) dst(%arg13 : memref<80xi32, #tpu.memory_space<vmem>>)
          %dma_wait3A_211 = tpu.memref_slice %arg4[%add3A_208] : memref<320000xi32, #tpu.memory_space<hbm>> -> memref<80xi32, #tpu.memory_space<hbm>>
          %dma_wait3A_212 = tpu.memref_slice %arg4[%add3A_208] : memref<320000xi32, #tpu.memory_space<hbm>> -> memref<80xi32, #tpu.memory_space<hbm>>
          tpu.wait_dma2 semaphore(%arg42 : memref<!tpu.dma_semaphore, #tpu.memory_space<semaphore_mem>>) src(%dma_wait3A_212 : memref<80xi32, #tpu.memory_space<hbm>>) dst(%arg21 : memref<80xi32, #tpu.memory_space<vmem>>)
          %dma_start3A_213 = arith.constant 0 : i32
          %dma_start3A_214 = arith.constant 0 : i32
          %dma_start3A_215 = tpu.memref_slice %arg2[%dma_start3A_213, %dma_start3A_214] : memref<10000x128xf32, #tpu.memory_space<hbm>> -> memref<10000x128xf32, #tpu.memory_space<hbm>>
          tpu.enqueue_indirect_dma source(%dma_start3A_215 : memref<10000x128xf32, #tpu.memory_space<hbm>>) target(%arg9 : memref<80x128xf32, #tpu.memory_space<vmem>>) offsets(%arg13 : memref<80xi32, #tpu.memory_space<vmem>>) semaphore(%arg30 : memref<!tpu.dma_semaphore, #tpu.memory_space<semaphore_mem>>)
        } else {
        }
      } else {
      }
    }
    %scan3A_107 = arith.constant 16 : i32
    %barrier3A_108 = arith.constant 0 : index
    tpu.barrier barrier_id(%barrier3A_108)
    %mul3A_109 = arith.constant 624 : i32
    %mul3A_110 = arith.muli %arg1, %mul3A_109 : i32
    %mul3A_111 = arith.constant 624 : i32
    %mul3A_112 = arith.muli %arg1, %mul3A_111 : i32
    "tpu.region"() ({
      %run_scoped3A = tpu.sem_alloc : memref<!tpu.dma_semaphore, #tpu.memory_space<semaphore_mem>>
      %dma_start3A_115 = arith.constant 0 : i32
      %dma_start3A_116 = tpu.memref_slice %arg5[%arg0, %mul3A_112, %dma_start3A_115] : memref<2x10000x128xf32, #tpu.memory_space<hbm>> -> memref<1x624x128xf32, #tpu.memory_space<hbm>>
      %dma_start3A_117 = tpu.memref_squeeze %dma_start3A_116 : memref<1x624x128xf32, #tpu.memory_space<hbm>> -> memref<624x128xf32, #tpu.memory_space<hbm>>
      %dma_start3A_118 = arith.constant 0 : i32
      %dma_start3A_119 = tpu.memref_slice %arg26[%mul3A_110, %dma_start3A_118] : memref<10240x128xf32, #tpu.memory_space<vmem_shared>> -> memref<624x128xf32, #tpu.memory_space<vmem_shared>>
      tpu.enqueue_dma source(%dma_start3A_119 : memref<624x128xf32, #tpu.memory_space<vmem_shared>>) target(%dma_start3A_117 : memref<624x128xf32, #tpu.memory_space<hbm>>) target_semaphore(%run_scoped3A : memref<!tpu.dma_semaphore, #tpu.memory_space<semaphore_mem>>)
      %dma_wait3A_120 = arith.constant 0 : i32
      %dma_wait3A_121 = tpu.memref_slice %arg5[%arg0, %mul3A_112, %dma_wait3A_120] : memref<2x10000x128xf32, #tpu.memory_space<hbm>> -> memref<1x624x128xf32, #tpu.memory_space<hbm>>
      %dma_wait3A_122 = tpu.memref_squeeze %dma_wait3A_121 : memref<1x624x128xf32, #tpu.memory_space<hbm>> -> memref<624x128xf32, #tpu.memory_space<hbm>>
      %dma_wait3A_123 = arith.constant 0 : i32
      %dma_wait3A_124 = tpu.memref_slice %arg26[%mul3A_110, %dma_wait3A_123] : memref<10240x128xf32, #tpu.memory_space<vmem_shared>> -> memref<624x128xf32, #tpu.memory_space<vmem_shared>>
      tpu.wait_dma2 semaphore(%run_scoped3A : memref<!tpu.dma_semaphore, #tpu.memory_space<semaphore_mem>>) src(%dma_wait3A_124 : memref<624x128xf32, #tpu.memory_space<vmem_shared>>) dst(%dma_wait3A_122 : memref<624x128xf32, #tpu.memory_space<hbm>>)
      tpu.yield
    }) : () -> ()
    %eq3A = arith.constant 15 : i32
    %eq3A_113 = arith.cmpi eq, %arg1, %eq3A : i32
    %convert_element_type3A = arith.extui %eq3A_113 : i1 to i32
    %cond3A = arith.constant 0 : i32
    %cond3A_114 = arith.cmpi ne, %convert_element_type3A, %cond3A : i32
    scf.if %cond3A_114 {
      "tpu.region"() ({
        %run_scoped3A = tpu.sem_alloc : memref<!tpu.dma_semaphore, #tpu.memory_space<semaphore_mem>>
        %dma_start3A_115 = arith.constant 9984 : i32
        %dma_start3A_116 = arith.constant 0 : i32
        %dma_start3A_117 = tpu.memref_slice %arg5[%arg0, %dma_start3A_115, %dma_start3A_116] : memref<2x10000x128xf32, #tpu.memory_space<hbm>> -> memref<1x16x128xf32, #tpu.memory_space<hbm>>
        %dma_start3A_118 = tpu.memref_squeeze %dma_start3A_117 : memref<1x16x128xf32, #tpu.memory_space<hbm>> -> memref<16x128xf32, #tpu.memory_space<hbm>>
        %dma_start3A_119 = arith.constant 9984 : i32
        %dma_start3A_120 = arith.constant 0 : i32
        %dma_start3A_121 = tpu.memref_slice %arg26[%dma_start3A_119, %dma_start3A_120] : memref<10240x128xf32, #tpu.memory_space<vmem_shared>> -> memref<16x128xf32, #tpu.memory_space<vmem_shared>>
        tpu.enqueue_dma source(%dma_start3A_121 : memref<16x128xf32, #tpu.memory_space<vmem_shared>>) target(%dma_start3A_118 : memref<16x128xf32, #tpu.memory_space<hbm>>) target_semaphore(%run_scoped3A : memref<!tpu.dma_semaphore, #tpu.memory_space<semaphore_mem>>)
        %dma_wait3A_122 = arith.constant 9984 : i32
        %dma_wait3A_123 = arith.constant 0 : i32
        %dma_wait3A_124 = tpu.memref_slice %arg5[%arg0, %dma_wait3A_122, %dma_wait3A_123] : memref<2x10000x128xf32, #tpu.memory_space<hbm>> -> memref<1x16x128xf32, #tpu.memory_space<hbm>>
        %dma_wait3A_125 = tpu.memref_squeeze %dma_wait3A_124 : memref<1x16x128xf32, #tpu.memory_space<hbm>> -> memref<16x128xf32, #tpu.memory_space<hbm>>
        %dma_wait3A_126 = arith.constant 9984 : i32
        %dma_wait3A_127 = arith.constant 0 : i32
        %dma_wait3A_128 = tpu.memref_slice %arg26[%dma_wait3A_126, %dma_wait3A_127] : memref<10240x128xf32, #tpu.memory_space<vmem_shared>> -> memref<16x128xf32, #tpu.memory_space<vmem_shared>>
        tpu.wait_dma2 semaphore(%run_scoped3A : memref<!tpu.dma_semaphore, #tpu.memory_space<semaphore_mem>>) src(%dma_wait3A_128 : memref<16x128xf32, #tpu.memory_space<vmem_shared>>) dst(%dma_wait3A_125 : memref<16x128xf32, #tpu.memory_space<hbm>>)
        tpu.yield
      }) : () -> ()
    } else {
    }
    return
  }
}

#map = affine_map<(d0, d1) -> (0, 0)>
#map1 = affine_map<(d0, d1) -> (0)>
#map2 = affine_map<(d0, d1) -> (0, 0, 0)>
module attributes {stable_mosaic.version = 14 : i64} {
  func.func @_seg_sum_body(%arg0: i32, %arg1: i32, %arg2: memref<10000x128xf32, #tpu.memory_space<hbm>>, %arg3: memref<320000xi32, #tpu.memory_space<hbm>>, %arg4: memref<320000xi32, #tpu.memory_space<hbm>>, %arg5: memref<2x10000x128xf32, #tpu.memory_space<hbm>>, %arg6: memref<80x128xf32, #tpu.memory_space<vmem>>, %arg7: memref<80x128xf32, #tpu.memory_space<vmem>>, %arg8: memref<80x128xf32, #tpu.memory_space<vmem>>, %arg9: memref<80x128xf32, #tpu.memory_space<vmem>>, %arg10: memref<80xi32, #tpu.memory_space<vmem>>, %arg11: memref<80xi32, #tpu.memory_space<vmem>>, %arg12: memref<80xi32, #tpu.memory_space<vmem>>, %arg13: memref<80xi32, #tpu.memory_space<vmem>>, %arg14: memref<80xi32, #tpu.memory_space<vmem>>, %arg15: memref<80xi32, #tpu.memory_space<vmem>>, %arg16: memref<80xi32, #tpu.memory_space<vmem>>, %arg17: memref<80xi32, #tpu.memory_space<vmem>>, %arg18: memref<80xi32, #tpu.memory_space<vmem>>, %arg19: memref<80xi32, #tpu.memory_space<vmem>>, %arg20: memref<80xi32, #tpu.memory_space<vmem>>, %arg21: memref<80xi32, #tpu.memory_space<vmem>>, %arg22: memref<80xi32, #tpu.memory_space<vmem>>, %arg23: memref<80xi32, #tpu.memory_space<vmem>>, %arg24: memref<80xi32, #tpu.memory_space<vmem>>, %arg25: memref<80xi32, #tpu.memory_space<vmem>>, %arg26: memref<10240x128xf32, #tpu.memory_space<vmem_shared>>, %arg27: memref<!tpu.dma_semaphore, #tpu.memory_space<semaphore_mem>>, %arg28: memref<!tpu.dma_semaphore, #tpu.memory_space<semaphore_mem>>, %arg29: memref<!tpu.dma_semaphore, #tpu.memory_space<semaphore_mem>>, %arg30: memref<!tpu.dma_semaphore, #tpu.memory_space<semaphore_mem>>, %arg31: memref<!tpu.dma_semaphore, #tpu.memory_space<semaphore_mem>>, %arg32: memref<!tpu.dma_semaphore, #tpu.memory_space<semaphore_mem>>, %arg33: memref<!tpu.dma_semaphore, #tpu.memory_space<semaphore_mem>>, %arg34: memref<!tpu.dma_semaphore, #tpu.memory_space<semaphore_mem>>, %arg35: memref<!tpu.dma_semaphore, #tpu.memory_space<semaphore_mem>>, %arg36: memref<!tpu.dma_semaphore, #tpu.memory_space<semaphore_mem>>, %arg37: memref<!tpu.dma_semaphore, #tpu.memory_space<semaphore_mem>>, %arg38: memref<!tpu.dma_semaphore, #tpu.memory_space<semaphore_mem>>, %arg39: memref<!tpu.dma_semaphore, #tpu.memory_space<semaphore_mem>>, %arg40: memref<!tpu.dma_semaphore, #tpu.memory_space<semaphore_mem>>, %arg41: memref<!tpu.dma_semaphore, #tpu.memory_space<semaphore_mem>>, %arg42: memref<!tpu.dma_semaphore, #tpu.memory_space<semaphore_mem>>, %arg43: memref<!tpu.dma_semaphore, #tpu.memory_space<semaphore_mem>>, %arg44: memref<!tpu.dma_semaphore, #tpu.memory_space<semaphore_mem>>, %arg45: memref<!tpu.dma_semaphore, #tpu.memory_space<semaphore_mem>>, %arg46: memref<!tpu.dma_semaphore, #tpu.memory_space<semaphore_mem>>) attributes {dimension_semantics = [#tpu.dimension_semantics<core_parallel>, #tpu.dimension_semantics<subcore_parallel>], iteration_bounds = array<i64: 2, 16>, scalar_prefetch = 0 : i64, scratch_operands = 41 : i64, tpu.core_type = #tpu.core_type<sc_vector_subcore>, window_params = [{transform_indices = #map}, {transform_indices = #map1}, {transform_indices = #map1}, {transform_indices = #map2}]} {
    %mul3A = arith.constant 2 : i32
    %mul3A_0 = arith.muli %arg1, %mul3A : i32
    %add3A = arith.addi %mul3A_0, %arg0 : i32
    %mul3A_1 = arith.constant 10000 : i32
    %mul3A_2 = arith.muli %add3A, %mul3A_1 : i32
    %add3A_3 = arith.constant 0 : i32
    %add3A_4 = arith.addi %mul3A_2, %add3A_3 : i32
    %dma_start3A = tpu.memref_slice %arg3[%add3A_4] : memref<320000xi32, #tpu.memory_space<hbm>> -> memref<80xi32, #tpu.memory_space<hbm>>
    %dma_start3A_5 = tpu.memref_slice %arg3[%add3A_4] : memref<320000xi32, #tpu.memory_space<hbm>> -> memref<80xi32, #tpu.memory_space<hbm>>
    tpu.enqueue_dma source(%dma_start3A_5 : memref<80xi32, #tpu.memory_space<hbm>>) target(%arg10 : memref<80xi32, #tpu.memory_space<vmem>>) target_semaphore(%arg31 : memref<!tpu.dma_semaphore, #tpu.memory_space<semaphore_mem>>)
    %dma_start3A_6 = tpu.memref_slice %arg4[%add3A_4] : memref<320000xi32, #tpu.memory_space<hbm>> -> memref<80xi32, #tpu.memory_space<hbm>>
    %dma_start3A_7 = tpu.memref_slice %arg4[%add3A_4] : memref<320000xi32, #tpu.memory_space<hbm>> -> memref<80xi32, #tpu.memory_space<hbm>>
    tpu.enqueue_dma source(%dma_start3A_7 : memref<80xi32, #tpu.memory_space<hbm>>) target(%arg18 : memref<80xi32, #tpu.memory_space<vmem>>) target_semaphore(%arg39 : memref<!tpu.dma_semaphore, #tpu.memory_space<semaphore_mem>>)
    %add3A_8 = arith.constant 80 : i32
    %add3A_9 = arith.addi %mul3A_2, %add3A_8 : i32
    %dma_start3A_10 = tpu.memref_slice %arg3[%add3A_9] : memref<320000xi32, #tpu.memory_space<hbm>> -> memref<80xi32, #tpu.memory_space<hbm>>
    %dma_start3A_11 = tpu.memref_slice %arg3[%add3A_9] : memref<320000xi32, #tpu.memory_space<hbm>> -> memref<80xi32, #tpu.memory_space<hbm>>
    tpu.enqueue_dma source(%dma_start3A_11 : memref<80xi32, #tpu.memory_space<hbm>>) target(%arg11 : memref<80xi32, #tpu.memory_space<vmem>>) target_semaphore(%arg32 : memref<!tpu.dma_semaphore, #tpu.memory_space<semaphore_mem>>)
    %dma_start3A_12 = tpu.memref_slice %arg4[%add3A_9] : memref<320000xi32, #tpu.memory_space<hbm>> -> memref<80xi32, #tpu.memory_space<hbm>>
    %dma_start3A_13 = tpu.memref_slice %arg4[%add3A_9] : memref<320000xi32, #tpu.memory_space<hbm>> -> memref<80xi32, #tpu.memory_space<hbm>>
    tpu.enqueue_dma source(%dma_start3A_13 : memref<80xi32, #tpu.memory_space<hbm>>) target(%arg19 : memref<80xi32, #tpu.memory_space<vmem>>) target_semaphore(%arg40 : memref<!tpu.dma_semaphore, #tpu.memory_space<semaphore_mem>>)
    %add3A_14 = arith.constant 160 : i32
    %add3A_15 = arith.addi %mul3A_2, %add3A_14 : i32
    %dma_start3A_16 = tpu.memref_slice %arg3[%add3A_15] : memref<320000xi32, #tpu.memory_space<hbm>> -> memref<80xi32, #tpu.memory_space<hbm>>
    %dma_start3A_17 = tpu.memref_slice %arg3[%add3A_15] : memref<320000xi32, #tpu.memory_space<hbm>> -> memref<80xi32, #tpu.memory_space<hbm>>
    tpu.enqueue_dma source(%dma_start3A_17 : memref<80xi32, #tpu.memory_space<hbm>>) target(%arg12 : memref<80xi32, #tpu.memory_space<vmem>>) target_semaphore(%arg33 : memref<!tpu.dma_semaphore, #tpu.memory_space<semaphore_mem>>)
    %dma_start3A_18 = tpu.memref_slice %arg4[%add3A_15] : memref<320000xi32, #tpu.memory_space<hbm>> -> memref<80xi32, #tpu.memory_space<hbm>>
    %dma_start3A_19 = tpu.memref_slice %arg4[%add3A_15] : memref<320000xi32, #tpu.memory_space<hbm>> -> memref<80xi32, #tpu.memory_space<hbm>>
    tpu.enqueue_dma source(%dma_start3A_19 : memref<80xi32, #tpu.memory_space<hbm>>) target(%arg20 : memref<80xi32, #tpu.memory_space<vmem>>) target_semaphore(%arg41 : memref<!tpu.dma_semaphore, #tpu.memory_space<semaphore_mem>>)
    %add3A_20 = arith.constant 240 : i32
    %add3A_21 = arith.addi %mul3A_2, %add3A_20 : i32
    %dma_start3A_22 = tpu.memref_slice %arg3[%add3A_21] : memref<320000xi32, #tpu.memory_space<hbm>> -> memref<80xi32, #tpu.memory_space<hbm>>
    %dma_start3A_23 = tpu.memref_slice %arg3[%add3A_21] : memref<320000xi32, #tpu.memory_space<hbm>> -> memref<80xi32, #tpu.memory_space<hbm>>
    tpu.enqueue_dma source(%dma_start3A_23 : memref<80xi32, #tpu.memory_space<hbm>>) target(%arg13 : memref<80xi32, #tpu.memory_space<vmem>>) target_semaphore(%arg34 : memref<!tpu.dma_semaphore, #tpu.memory_space<semaphore_mem>>)
    %dma_start3A_24 = tpu.memref_slice %arg4[%add3A_21] : memref<320000xi32, #tpu.memory_space<hbm>> -> memref<80xi32, #tpu.memory_space<hbm>>
    %dma_start3A_25 = tpu.memref_slice %arg4[%add3A_21] : memref<320000xi32, #tpu.memory_space<hbm>> -> memref<80xi32, #tpu.memory_space<hbm>>
    tpu.enqueue_dma source(%dma_start3A_25 : memref<80xi32, #tpu.memory_space<hbm>>) target(%arg21 : memref<80xi32, #tpu.memory_space<vmem>>) target_semaphore(%arg42 : memref<!tpu.dma_semaphore, #tpu.memory_space<semaphore_mem>>)
    %add3A_26 = arith.constant 320 : i32
    %add3A_27 = arith.addi %mul3A_2, %add3A_26 : i32
    %dma_start3A_28 = tpu.memref_slice %arg3[%add3A_27] : memref<320000xi32, #tpu.memory_space<hbm>> -> memref<80xi32, #tpu.memory_space<hbm>>
    %dma_start3A_29 = tpu.memref_slice %arg3[%add3A_27] : memref<320000xi32, #tpu.memory_space<hbm>> -> memref<80xi32, #tpu.memory_space<hbm>>
    tpu.enqueue_dma source(%dma_start3A_29 : memref<80xi32, #tpu.memory_space<hbm>>) target(%arg14 : memref<80xi32, #tpu.memory_space<vmem>>) target_semaphore(%arg35 : memref<!tpu.dma_semaphore, #tpu.memory_space<semaphore_mem>>)
    %dma_start3A_30 = tpu.memref_slice %arg4[%add3A_27] : memref<320000xi32, #tpu.memory_space<hbm>> -> memref<80xi32, #tpu.memory_space<hbm>>
    %dma_start3A_31 = tpu.memref_slice %arg4[%add3A_27] : memref<320000xi32, #tpu.memory_space<hbm>> -> memref<80xi32, #tpu.memory_space<hbm>>
    tpu.enqueue_dma source(%dma_start3A_31 : memref<80xi32, #tpu.memory_space<hbm>>) target(%arg22 : memref<80xi32, #tpu.memory_space<vmem>>) target_semaphore(%arg43 : memref<!tpu.dma_semaphore, #tpu.memory_space<semaphore_mem>>)
    %add3A_32 = arith.constant 400 : i32
    %add3A_33 = arith.addi %mul3A_2, %add3A_32 : i32
    %dma_start3A_34 = tpu.memref_slice %arg3[%add3A_33] : memref<320000xi32, #tpu.memory_space<hbm>> -> memref<80xi32, #tpu.memory_space<hbm>>
    %dma_start3A_35 = tpu.memref_slice %arg3[%add3A_33] : memref<320000xi32, #tpu.memory_space<hbm>> -> memref<80xi32, #tpu.memory_space<hbm>>
    tpu.enqueue_dma source(%dma_start3A_35 : memref<80xi32, #tpu.memory_space<hbm>>) target(%arg15 : memref<80xi32, #tpu.memory_space<vmem>>) target_semaphore(%arg36 : memref<!tpu.dma_semaphore, #tpu.memory_space<semaphore_mem>>)
    %dma_start3A_36 = tpu.memref_slice %arg4[%add3A_33] : memref<320000xi32, #tpu.memory_space<hbm>> -> memref<80xi32, #tpu.memory_space<hbm>>
    %dma_start3A_37 = tpu.memref_slice %arg4[%add3A_33] : memref<320000xi32, #tpu.memory_space<hbm>> -> memref<80xi32, #tpu.memory_space<hbm>>
    tpu.enqueue_dma source(%dma_start3A_37 : memref<80xi32, #tpu.memory_space<hbm>>) target(%arg23 : memref<80xi32, #tpu.memory_space<vmem>>) target_semaphore(%arg44 : memref<!tpu.dma_semaphore, #tpu.memory_space<semaphore_mem>>)
    %add3A_38 = arith.constant 480 : i32
    %add3A_39 = arith.addi %mul3A_2, %add3A_38 : i32
    %dma_start3A_40 = tpu.memref_slice %arg3[%add3A_39] : memref<320000xi32, #tpu.memory_space<hbm>> -> memref<80xi32, #tpu.memory_space<hbm>>
    %dma_start3A_41 = tpu.memref_slice %arg3[%add3A_39] : memref<320000xi32, #tpu.memory_space<hbm>> -> memref<80xi32, #tpu.memory_space<hbm>>
    tpu.enqueue_dma source(%dma_start3A_41 : memref<80xi32, #tpu.memory_space<hbm>>) target(%arg16 : memref<80xi32, #tpu.memory_space<vmem>>) target_semaphore(%arg37 : memref<!tpu.dma_semaphore, #tpu.memory_space<semaphore_mem>>)
    %dma_start3A_42 = tpu.memref_slice %arg4[%add3A_39] : memref<320000xi32, #tpu.memory_space<hbm>> -> memref<80xi32, #tpu.memory_space<hbm>>
    %dma_start3A_43 = tpu.memref_slice %arg4[%add3A_39] : memref<320000xi32, #tpu.memory_space<hbm>> -> memref<80xi32, #tpu.memory_space<hbm>>
    tpu.enqueue_dma source(%dma_start3A_43 : memref<80xi32, #tpu.memory_space<hbm>>) target(%arg24 : memref<80xi32, #tpu.memory_space<vmem>>) target_semaphore(%arg45 : memref<!tpu.dma_semaphore, #tpu.memory_space<semaphore_mem>>)
    %add3A_44 = arith.constant 560 : i32
    %add3A_45 = arith.addi %mul3A_2, %add3A_44 : i32
    %dma_start3A_46 = tpu.memref_slice %arg3[%add3A_45] : memref<320000xi32, #tpu.memory_space<hbm>> -> memref<80xi32, #tpu.memory_space<hbm>>
    %dma_start3A_47 = tpu.memref_slice %arg3[%add3A_45] : memref<320000xi32, #tpu.memory_space<hbm>> -> memref<80xi32, #tpu.memory_space<hbm>>
    tpu.enqueue_dma source(%dma_start3A_47 : memref<80xi32, #tpu.memory_space<hbm>>) target(%arg17 : memref<80xi32, #tpu.memory_space<vmem>>) target_semaphore(%arg38 : memref<!tpu.dma_semaphore, #tpu.memory_space<semaphore_mem>>)
    %dma_start3A_48 = tpu.memref_slice %arg4[%add3A_45] : memref<320000xi32, #tpu.memory_space<hbm>> -> memref<80xi32, #tpu.memory_space<hbm>>
    %dma_start3A_49 = tpu.memref_slice %arg4[%add3A_45] : memref<320000xi32, #tpu.memory_space<hbm>> -> memref<80xi32, #tpu.memory_space<hbm>>
    tpu.enqueue_dma source(%dma_start3A_49 : memref<80xi32, #tpu.memory_space<hbm>>) target(%arg25 : memref<80xi32, #tpu.memory_space<vmem>>) target_semaphore(%arg46 : memref<!tpu.dma_semaphore, #tpu.memory_space<semaphore_mem>>)
    %scan3A = arith.constant 0 : i32
    %scan3A_50 = arith.constant 0 : i32
    %scan3A_51 = arith.constant 640 : i32
    %scan3A_52 = arith.addi %scan3A_50, %scan3A_51 : i32
    %scan3A_53 = arith.constant 1 : i32
    scf.for %scan3A_115 = %scan3A_50 to %scan3A_52 step %scan3A_53  : i32 {
      %jit3A = arith.constant 8 : i32
      %div3A = arith.divsi %scan3A_115, %jit3A : i32
      %sign3A = arith.constant 0 : i32
      %sign3A_116 = arith.cmpi sgt, %scan3A_115, %sign3A : i32
      %sign3A_117 = arith.extui %sign3A_116 : i1 to i32
      %sign3A_118 = arith.constant 0 : i32
      %sign3A_119 = arith.cmpi slt, %scan3A_115, %sign3A_118 : i32
      %sign3A_120 = arith.extui %sign3A_119 : i1 to i32
      %sign3A_121 = arith.subi %sign3A_117, %sign3A_120 : i32
      %sign3A_122 = arith.constant 0 : i32
      %sign3A_123 = arith.cmpi sgt, %jit3A, %sign3A_122 : i32
      %sign3A_124 = arith.extui %sign3A_123 : i1 to i32
      %sign3A_125 = arith.constant 0 : i32
      %sign3A_126 = arith.cmpi slt, %jit3A, %sign3A_125 : i32
      %sign3A_127 = arith.extui %sign3A_126 : i1 to i32
      %sign3A_128 = arith.subi %sign3A_124, %sign3A_127 : i32
      %ne3A = arith.cmpi ne, %sign3A_121, %sign3A_128 : i32
      %rem3A = arith.remsi %scan3A_115, %jit3A : i32
      %ne3A_129 = arith.constant 0 : i32
      %ne3A_130 = arith.cmpi ne, %rem3A, %ne3A_129 : i32
      %and3A = arith.andi %ne3A, %ne3A_130 : i1
      %sub3A = arith.constant 1 : i32
      %sub3A_131 = arith.subi %div3A, %sub3A : i32
      %select_n3A = arith.select %and3A, %sub3A_131, %div3A : i32
      %jit3A_132 = arith.constant 8 : i32
      %eq3A_133 = arith.constant 0 : i32
      %eq3A_134 = arith.cmpi eq, %jit3A_132, %eq3A_133 : i32
      %jit3A_135 = arith.constant 1 : i32
      %select_n3A_136 = arith.select %eq3A_134, %jit3A_135, %jit3A_132 : i32
      %rem3A_137 = arith.remsi %scan3A_115, %select_n3A_136 : i32
      %ne3A_138 = arith.constant 0 : i32
      %ne3A_139 = arith.cmpi ne, %rem3A_137, %ne3A_138 : i32
      %lt3A = arith.constant 0 : i32
      %lt3A_140 = arith.cmpi slt, %rem3A_137, %lt3A : i32
      %lt3A_141 = arith.constant 0 : i32
      %lt3A_142 = arith.cmpi slt, %select_n3A_136, %lt3A_141 : i32
      %ne3A_143 = arith.xori %lt3A_140, %lt3A_142 : i1
      %and3A_144 = arith.andi %ne3A_143, %ne3A_139 : i1
      %add3A_145 = arith.addi %rem3A_137, %select_n3A_136 : i32
      %select_n3A_146 = arith.select %and3A_144, %add3A_145, %rem3A_137 : i32
      %broadcast_in_dim3A = arith.constant 0.000000e+00 : f32
      %broadcast_in_dim3A_147 = vector.broadcast %broadcast_in_dim3A : f32 to vector<16xf32>
      %mul3A_148 = arith.constant 16 : i32
      %mul3A_149 = arith.muli %select_n3A_146, %mul3A_148 : i32
      %swap3A = arith.index_cast %select_n3A : i32 to index
      %swap3A_150 = arith.index_cast %mul3A_149 : i32 to index
      %swap3A_151 = tpu.vector_load %arg6[%swap3A, %swap3A_150] {strides = array<i32>} : memref<80x128xf32, #tpu.memory_space<vmem>>, vector<1x16xf32>,
      %swap3A_152 = vector.shape_cast %swap3A_151 : vector<1x16xf32> to vector<16xf32>
      %swap3A_153 = vector.shape_cast %broadcast_in_dim3A_147 : vector<16xf32> to vector<1x16xf32>
      tpu.vector_store %arg6[%swap3A, %swap3A_150], %swap3A_153 {strides = array<i32>} : memref<80x128xf32, #tpu.memory_space<vmem>>, vector<1x16xf32>,
    }
    %scan3A_54 = arith.constant 640 : i32
    %scan3A_55 = arith.constant 0 : i32
    %scan3A_56 = arith.constant 0 : i32
    %scan3A_57 = arith.constant 8 : i32
    %scan3A_58 = arith.addi %scan3A_56, %scan3A_57 : i32
    %scan3A_59 = arith.constant 1 : i32
    scf.for %scan3A_115 = %scan3A_56 to %scan3A_58 step %scan3A_59  : i32 {
      %mul3A_116 = arith.constant 640 : i32
      %mul3A_117 = arith.muli %arg1, %mul3A_116 : i32
      %mul3A_118 = arith.constant 80 : i32
      %mul3A_119 = arith.muli %scan3A_115, %mul3A_118 : i32
      %add3A_120 = arith.addi %mul3A_117, %mul3A_119 : i32
      %dma_start3A_121 = arith.constant 0 : i32
      %dma_start3A_122 = tpu.memref_slice %arg26[%add3A_120, %dma_start3A_121] : memref<10240x128xf32, #tpu.memory_space<vmem_shared>> -> memref<80x128xf32, #tpu.memory_space<vmem_shared>>
      %dma_start3A_123 = arith.constant 0 : i32
      %dma_start3A_124 = tpu.memref_slice %arg26[%add3A_120, %dma_start3A_123] : memref<10240x128xf32, #tpu.memory_space<vmem_shared>> -> memref<80x128xf32, #tpu.memory_space<vmem_shared>>
      tpu.enqueue_dma source(%arg6 : memref<80x128xf32, #tpu.memory_space<vmem>>) target(%dma_start3A_124 : memref<80x128xf32, #tpu.memory_space<vmem_shared>>) target_semaphore(%arg27 : memref<!tpu.dma_semaphore, #tpu.memory_space<semaphore_mem>>)
    }
    %scan3A_60 = arith.constant 8 : i32
    %scan3A_61 = arith.constant 0 : i32
    %scan3A_62 = arith.constant 0 : i32
    %scan3A_63 = arith.constant 8 : i32
    %scan3A_64 = arith.addi %scan3A_62, %scan3A_63 : i32
    %scan3A_65 = arith.constant 1 : i32
    scf.for %scan3A_115 = %scan3A_62 to %scan3A_64 step %scan3A_65  : i32 {
      %mul3A_116 = arith.constant 640 : i32
      %mul3A_117 = arith.muli %arg1, %mul3A_116 : i32
      %mul3A_118 = arith.constant 80 : i32
      %mul3A_119 = arith.muli %scan3A_115, %mul3A_118 : i32
      %add3A_120 = arith.addi %mul3A_117, %mul3A_119 : i32
      %dma_wait3A_121 = arith.constant 0 : i32
      %dma_wait3A_122 = tpu.memref_slice %arg26[%add3A_120, %dma_wait3A_121] : memref<10240x128xf32, #tpu.memory_space<vmem_shared>> -> memref<80x128xf32, #tpu.memory_space<vmem_shared>>
      %dma_wait3A_123 = arith.constant 0 : i32
      %dma_wait3A_124 = tpu.memref_slice %arg26[%add3A_120, %dma_wait3A_123] : memref<10240x128xf32, #tpu.memory_space<vmem_shared>> -> memref<80x128xf32, #tpu.memory_space<vmem_shared>>
      tpu.wait_dma2 semaphore(%arg27 : memref<!tpu.dma_semaphore, #tpu.memory_space<semaphore_mem>>) src(%arg6 : memref<80x128xf32, #tpu.memory_space<vmem>>) dst(%dma_wait3A_124 : memref<80x128xf32, #tpu.memory_space<vmem_shared>>)
    }
    %scan3A_66 = arith.constant 8 : i32
    %barrier3A = arith.constant 0 : index
    tpu.barrier barrier_id(%barrier3A)
    %add3A_67 = arith.constant 0 : i32
    %add3A_68 = arith.addi %mul3A_2, %add3A_67 : i32
    %dma_wait3A = tpu.memref_slice %arg3[%add3A_68] : memref<320000xi32, #tpu.memory_space<hbm>> -> memref<80xi32, #tpu.memory_space<hbm>>
    %dma_wait3A_69 = tpu.memref_slice %arg3[%add3A_68] : memref<320000xi32, #tpu.memory_space<hbm>> -> memref<80xi32, #tpu.memory_space<hbm>>
    tpu.wait_dma2 semaphore(%arg31 : memref<!tpu.dma_semaphore, #tpu.memory_space<semaphore_mem>>) src(%dma_wait3A_69 : memref<80xi32, #tpu.memory_space<hbm>>) dst(%arg10 : memref<80xi32, #tpu.memory_space<vmem>>)
    %dma_wait3A_70 = tpu.memref_slice %arg4[%add3A_68] : memref<320000xi32, #tpu.memory_space<hbm>> -> memref<80xi32, #tpu.memory_space<hbm>>
    %dma_wait3A_71 = tpu.memref_slice %arg4[%add3A_68] : memref<320000xi32, #tpu.memory_space<hbm>> -> memref<80xi32, #tpu.memory_space<hbm>>
    tpu.wait_dma2 semaphore(%arg39 : memref<!tpu.dma_semaphore, #tpu.memory_space<semaphore_mem>>) src(%dma_wait3A_71 : memref<80xi32, #tpu.memory_space<hbm>>) dst(%arg18 : memref<80xi32, #tpu.memory_space<vmem>>)
    %dma_start3A_72 = arith.constant 0 : i32
    %dma_start3A_73 = arith.constant 0 : i32
    %dma_start3A_74 = tpu.memref_slice %arg2[%dma_start3A_72, %dma_start3A_73] : memref<10000x128xf32, #tpu.memory_space<hbm>> -> memref<10000x128xf32, #tpu.memory_space<hbm>>
    tpu.enqueue_indirect_dma source(%dma_start3A_74 : memref<10000x128xf32, #tpu.memory_space<hbm>>) target(%arg6 : memref<80x128xf32, #tpu.memory_space<vmem>>) offsets(%arg10 : memref<80xi32, #tpu.memory_space<vmem>>) semaphore(%arg27 : memref<!tpu.dma_semaphore, #tpu.memory_space<semaphore_mem>>)
    %add3A_75 = arith.constant 80 : i32
    %add3A_76 = arith.addi %mul3A_2, %add3A_75 : i32
    %dma_wait3A_77 = tpu.memref_slice %arg3[%add3A_76] : memref<320000xi32, #tpu.memory_space<hbm>> -> memref<80xi32, #tpu.memory_space<hbm>>
    %dma_wait3A_78 = tpu.memref_slice %arg3[%add3A_76] : memref<320000xi32, #tpu.memory_space<hbm>> -> memref<80xi32, #tpu.memory_space<hbm>>
    tpu.wait_dma2 semaphore(%arg32 : memref<!tpu.dma_semaphore, #tpu.memory_space<semaphore_mem>>) src(%dma_wait3A_78 : memref<80xi32, #tpu.memory_space<hbm>>) dst(%arg11 : memref<80xi32, #tpu.memory_space<vmem>>)
    %dma_wait3A_79 = tpu.memref_slice %arg4[%add3A_76] : memref<320000xi32, #tpu.memory_space<hbm>> -> memref<80xi32, #tpu.memory_space<hbm>>
    %dma_wait3A_80 = tpu.memref_slice %arg4[%add3A_76] : memref<320000xi32, #tpu.memory_space<hbm>> -> memref<80xi32, #tpu.memory_space<hbm>>
    tpu.wait_dma2 semaphore(%arg40 : memref<!tpu.dma_semaphore, #tpu.memory_space<semaphore_mem>>) src(%dma_wait3A_80 : memref<80xi32, #tpu.memory_space<hbm>>) dst(%arg19 : memref<80xi32, #tpu.memory_space<vmem>>)
    %dma_start3A_81 = arith.constant 0 : i32
    %dma_start3A_82 = arith.constant 0 : i32
    %dma_start3A_83 = tpu.memref_slice %arg2[%dma_start3A_81, %dma_start3A_82] : memref<10000x128xf32, #tpu.memory_space<hbm>> -> memref<10000x128xf32, #tpu.memory_space<hbm>>
    tpu.enqueue_indirect_dma source(%dma_start3A_83 : memref<10000x128xf32, #tpu.memory_space<hbm>>) target(%arg7 : memref<80x128xf32, #tpu.memory_space<vmem>>) offsets(%arg11 : memref<80xi32, #tpu.memory_space<vmem>>) semaphore(%arg28 : memref<!tpu.dma_semaphore, #tpu.memory_space<semaphore_mem>>)
    %add3A_84 = arith.constant 160 : i32
    %add3A_85 = arith.addi %mul3A_2, %add3A_84 : i32
    %dma_wait3A_86 = tpu.memref_slice %arg3[%add3A_85] : memref<320000xi32, #tpu.memory_space<hbm>> -> memref<80xi32, #tpu.memory_space<hbm>>
    %dma_wait3A_87 = tpu.memref_slice %arg3[%add3A_85] : memref<320000xi32, #tpu.memory_space<hbm>> -> memref<80xi32, #tpu.memory_space<hbm>>
    tpu.wait_dma2 semaphore(%arg33 : memref<!tpu.dma_semaphore, #tpu.memory_space<semaphore_mem>>) src(%dma_wait3A_87 : memref<80xi32, #tpu.memory_space<hbm>>) dst(%arg12 : memref<80xi32, #tpu.memory_space<vmem>>)
    %dma_wait3A_88 = tpu.memref_slice %arg4[%add3A_85] : memref<320000xi32, #tpu.memory_space<hbm>> -> memref<80xi32, #tpu.memory_space<hbm>>
    %dma_wait3A_89 = tpu.memref_slice %arg4[%add3A_85] : memref<320000xi32, #tpu.memory_space<hbm>> -> memref<80xi32, #tpu.memory_space<hbm>>
    tpu.wait_dma2 semaphore(%arg41 : memref<!tpu.dma_semaphore, #tpu.memory_space<semaphore_mem>>) src(%dma_wait3A_89 : memref<80xi32, #tpu.memory_space<hbm>>) dst(%arg20 : memref<80xi32, #tpu.memory_space<vmem>>)
    %dma_start3A_90 = arith.constant 0 : i32
    %dma_start3A_91 = arith.constant 0 : i32
    %dma_start3A_92 = tpu.memref_slice %arg2[%dma_start3A_90, %dma_start3A_91] : memref<10000x128xf32, #tpu.memory_space<hbm>> -> memref<10000x128xf32, #tpu.memory_space<hbm>>
    tpu.enqueue_indirect_dma source(%dma_start3A_92 : memref<10000x128xf32, #tpu.memory_space<hbm>>) target(%arg8 : memref<80x128xf32, #tpu.memory_space<vmem>>) offsets(%arg12 : memref<80xi32, #tpu.memory_space<vmem>>) semaphore(%arg29 : memref<!tpu.dma_semaphore, #tpu.memory_space<semaphore_mem>>)
    %add3A_93 = arith.constant 240 : i32
    %add3A_94 = arith.addi %mul3A_2, %add3A_93 : i32
    %dma_wait3A_95 = tpu.memref_slice %arg3[%add3A_94] : memref<320000xi32, #tpu.memory_space<hbm>> -> memref<80xi32, #tpu.memory_space<hbm>>
    %dma_wait3A_96 = tpu.memref_slice %arg3[%add3A_94] : memref<320000xi32, #tpu.memory_space<hbm>> -> memref<80xi32, #tpu.memory_space<hbm>>
    tpu.wait_dma2 semaphore(%arg34 : memref<!tpu.dma_semaphore, #tpu.memory_space<semaphore_mem>>) src(%dma_wait3A_96 : memref<80xi32, #tpu.memory_space<hbm>>) dst(%arg13 : memref<80xi32, #tpu.memory_space<vmem>>)
    %dma_wait3A_97 = tpu.memref_slice %arg4[%add3A_94] : memref<320000xi32, #tpu.memory_space<hbm>> -> memref<80xi32, #tpu.memory_space<hbm>>
    %dma_wait3A_98 = tpu.memref_slice %arg4[%add3A_94] : memref<320000xi32, #tpu.memory_space<hbm>> -> memref<80xi32, #tpu.memory_space<hbm>>
    tpu.wait_dma2 semaphore(%arg42 : memref<!tpu.dma_semaphore, #tpu.memory_space<semaphore_mem>>) src(%dma_wait3A_98 : memref<80xi32, #tpu.memory_space<hbm>>) dst(%arg21 : memref<80xi32, #tpu.memory_space<vmem>>)
    %dma_start3A_99 = arith.constant 0 : i32
    %dma_start3A_100 = arith.constant 0 : i32
    %dma_start3A_101 = tpu.memref_slice %arg2[%dma_start3A_99, %dma_start3A_100] : memref<10000x128xf32, #tpu.memory_space<hbm>> -> memref<10000x128xf32, #tpu.memory_space<hbm>>
    tpu.enqueue_indirect_dma source(%dma_start3A_101 : memref<10000x128xf32, #tpu.memory_space<hbm>>) target(%arg9 : memref<80x128xf32, #tpu.memory_space<vmem>>) offsets(%arg13 : memref<80xi32, #tpu.memory_space<vmem>>) semaphore(%arg30 : memref<!tpu.dma_semaphore, #tpu.memory_space<semaphore_mem>>)
    %scan3A_102 = arith.constant 0 : i32
    %scan3A_103 = arith.constant 0 : i32
    %scan3A_104 = arith.constant 16 : i32
    %scan3A_105 = arith.addi %scan3A_103, %scan3A_104 : i32
    %scan3A_106 = arith.constant 1 : i32
    scf.for %scan3A_115 = %scan3A_103 to %scan3A_105 step %scan3A_106  : i32 {
      %mul3A_116 = arith.constant 8 : i32
      %mul3A_117 = arith.muli %scan3A_115, %mul3A_116 : i32
      %add3A_118 = arith.constant 0 : i32
      %add3A_119 = arith.addi %mul3A_117, %add3A_118 : i32
      %lt3A = arith.constant 125 : i32
      %lt3A_120 = arith.cmpi slt, %add3A_119, %lt3A : i32
      %convert_element_type3A_121 = arith.extui %lt3A_120 : i1 to i32
      %cond3A_122 = arith.constant 0 : i32
      %cond3A_123 = arith.cmpi ne, %convert_element_type3A_121, %cond3A_122 : i32
      scf.if %cond3A_123 {
        %dma_wait3A_187 = arith.constant 0 : i32
        %dma_wait3A_188 = arith.constant 0 : i32
        %dma_wait3A_189 = tpu.memref_slice %arg2[%dma_wait3A_187, %dma_wait3A_188] : memref<10000x128xf32, #tpu.memory_space<hbm>> -> memref<10000x128xf32, #tpu.memory_space<hbm>>
        tpu.wait_indirect_dma semaphore(%arg27 : memref<!tpu.dma_semaphore, #tpu.memory_space<semaphore_mem>>) src(%dma_wait3A_189 : memref<10000x128xf32, #tpu.memory_space<hbm>>) dst(%arg6 : memref<80x128xf32, #tpu.memory_space<vmem>>)
        "tpu.region"() ({
          %run_scoped3A = tpu.sem_alloc : memref<!tpu.dma_semaphore, #tpu.memory_space<semaphore_mem>>
          %dma_start3A_204 = arith.constant 0 : i32
          %dma_start3A_205 = arith.constant 0 : i32
          %dma_start3A_206 = tpu.memref_slice %arg26[%dma_start3A_204, %dma_start3A_205] : memref<10240x128xf32, #tpu.memory_space<vmem_shared>> -> memref<10240x128xf32, #tpu.memory_space<vmem_shared>>
          tpu.enqueue_indirect_dma source(%arg6 : memref<80x128xf32, #tpu.memory_space<vmem>>) target(%dma_start3A_206 : memref<10240x128xf32, #tpu.memory_space<vmem_shared>>) offsets(%arg18 : memref<80xi32, #tpu.memory_space<vmem>>) semaphore(%run_scoped3A : memref<!tpu.dma_semaphore, #tpu.memory_space<semaphore_mem>>) {add = true}
          %dma_wait3A_207 = arith.constant 0 : i32
          %dma_wait3A_208 = arith.constant 0 : i32
          %dma_wait3A_209 = tpu.memref_slice %arg26[%dma_wait3A_207, %dma_wait3A_208] : memref<10240x128xf32, #tpu.memory_space<vmem_shared>> -> memref<10240x128xf32, #tpu.memory_space<vmem_shared>>
          tpu.wait_indirect_dma semaphore(%run_scoped3A : memref<!tpu.dma_semaphore, #tpu.memory_space<semaphore_mem>>) src(%arg6 : memref<80x128xf32, #tpu.memory_space<vmem>>) dst(%dma_wait3A_209 : memref<10240x128xf32, #tpu.memory_space<vmem_shared>>)
          tpu.yield
        }) : () -> ()
        %add3A_190 = arith.constant 8 : i32
        %add3A_191 = arith.addi %add3A_119, %add3A_190 : i32
        %lt3A_192 = arith.constant 125 : i32
        %lt3A_193 = arith.cmpi slt, %add3A_191, %lt3A_192 : i32
        %convert_element_type3A_194 = arith.extui %lt3A_193 : i1 to i32
        %cond3A_195 = arith.constant 0 : i32
        %cond3A_196 = arith.cmpi ne, %convert_element_type3A_194, %cond3A_195 : i32
        scf.if %cond3A_196 {
          %add3A_204 = arith.constant 8 : i32
          %add3A_205 = arith.addi %add3A_119, %add3A_204 : i32
          %mul3A_206 = arith.constant 80 : i32
          %mul3A_207 = arith.muli %add3A_205, %mul3A_206 : i32
          %add3A_208 = arith.addi %mul3A_2, %mul3A_207 : i32
          %dma_start3A_209 = tpu.memref_slice %arg3[%add3A_208] : memref<320000xi32, #tpu.memory_space<hbm>> -> memref<80xi32, #tpu.memory_space<hbm>>
          %dma_start3A_210 = tpu.memref_slice %arg3[%add3A_208] : memref<320000xi32, #tpu.memory_space<hbm>> -> memref<80xi32, #tpu.memory_space<hbm>>
          tpu.enqueue_dma source(%dma_start3A_210 : memref<80xi32, #tpu.memory_space<hbm>>) target(%arg10 : memref<80xi32, #tpu.memory_space<vmem>>) target_semaphore(%arg31 : memref<!tpu.dma_semaphore, #tpu.memory_space<semaphore_mem>>)
          %dma_start3A_211 = tpu.memref_slice %arg4[%add3A_208] : memref<320000xi32, #tpu.memory_space<hbm>> -> memref<80xi32, #tpu.memory_space<hbm>>
          %dma_start3A_212 = tpu.memref_slice %arg4[%add3A_208] : memref<320000xi32, #tpu.memory_space<hbm>> -> memref<80xi32, #tpu.memory_space<hbm>>
          tpu.enqueue_dma source(%dma_start3A_212 : memref<80xi32, #tpu.memory_space<hbm>>) target(%arg18 : memref<80xi32, #tpu.memory_space<vmem>>) target_semaphore(%arg39 : memref<!tpu.dma_semaphore, #tpu.memory_space<semaphore_mem>>)
        } else {
        }
        %add3A_197 = arith.constant 4 : i32
        %add3A_198 = arith.addi %add3A_119, %add3A_197 : i32
        %lt3A_199 = arith.constant 125 : i32
        %lt3A_200 = arith.cmpi slt, %add3A_198, %lt3A_199 : i32
        %convert_element_type3A_201 = arith.extui %lt3A_200 : i1 to i32
        %cond3A_202 = arith.constant 0 : i32
        %cond3A_203 = arith.cmpi ne, %convert_element_type3A_201, %cond3A_202 : i32
        scf.if %cond3A_203 {
          %add3A_204 = arith.constant 4 : i32
          %add3A_205 = arith.addi %add3A_119, %add3A_204 : i32
          %mul3A_206 = arith.constant 80 : i32
          %mul3A_207 = arith.muli %add3A_205, %mul3A_206 : i32
          %add3A_208 = arith.addi %mul3A_2, %mul3A_207 : i32
          %dma_wait3A_209 = tpu.memref_slice %arg3[%add3A_208] : memref<320000xi32, #tpu.memory_space<hbm>> -> memref<80xi32, #tpu.memory_space<hbm>>
          %dma_wait3A_210 = tpu.memref_slice %arg3[%add3A_208] : memref<320000xi32, #tpu.memory_space<hbm>> -> memref<80xi32, #tpu.memory_space<hbm>>
          tpu.wait_dma2 semaphore(%arg35 : memref<!tpu.dma_semaphore, #tpu.memory_space<semaphore_mem>>) src(%dma_wait3A_210 : memref<80xi32, #tpu.memory_space<hbm>>) dst(%arg14 : memref<80xi32, #tpu.memory_space<vmem>>)
          %dma_wait3A_211 = tpu.memref_slice %arg4[%add3A_208] : memref<320000xi32, #tpu.memory_space<hbm>> -> memref<80xi32, #tpu.memory_space<hbm>>
          %dma_wait3A_212 = tpu.memref_slice %arg4[%add3A_208] : memref<320000xi32, #tpu.memory_space<hbm>> -> memref<80xi32, #tpu.memory_space<hbm>>
          tpu.wait_dma2 semaphore(%arg43 : memref<!tpu.dma_semaphore, #tpu.memory_space<semaphore_mem>>) src(%dma_wait3A_212 : memref<80xi32, #tpu.memory_space<hbm>>) dst(%arg22 : memref<80xi32, #tpu.memory_space<vmem>>)
          %dma_start3A_213 = arith.constant 0 : i32
          %dma_start3A_214 = arith.constant 0 : i32
          %dma_start3A_215 = tpu.memref_slice %arg2[%dma_start3A_213, %dma_start3A_214] : memref<10000x128xf32, #tpu.memory_space<hbm>> -> memref<10000x128xf32, #tpu.memory_space<hbm>>
          tpu.enqueue_indirect_dma source(%dma_start3A_215 : memref<10000x128xf32, #tpu.memory_space<hbm>>) target(%arg6 : memref<80x128xf32, #tpu.memory_space<vmem>>) offsets(%arg14 : memref<80xi32, #tpu.memory_space<vmem>>) semaphore(%arg27 : memref<!tpu.dma_semaphore, #tpu.memory_space<semaphore_mem>>)
        } else {
        }
      } else {
      }
      %mul3A_124 = arith.constant 8 : i32
      %mul3A_125 = arith.muli %scan3A_115, %mul3A_124 : i32
      %add3A_126 = arith.constant 1 : i32
      %add3A_127 = arith.addi %mul3A_125, %add3A_126 : i32
      %lt3A_128 = arith.constant 125 : i32
      %lt3A_129 = arith.cmpi slt, %add3A_127, %lt3A_128 : i32
      %convert_element_type3A_130 = arith.extui %lt3A_129 : i1 to i32
      %cond3A_131 = arith.constant 0 : i32
      %cond3A_132 = arith.cmpi ne, %convert_element_type3A_130, %cond3A_131 : i32
      scf.if %cond3A_132 {
        %dma_wait3A_187 = arith.constant 0 : i32
        %dma_wait3A_188 = arith.constant 0 : i32
        %dma_wait3A_189 = tpu.memref_slice %arg2[%dma_wait3A_187, %dma_wait3A_188] : memref<10000x128xf32, #tpu.memory_space<hbm>> -> memref<10000x128xf32, #tpu.memory_space<hbm>>
        tpu.wait_indirect_dma semaphore(%arg28 : memref<!tpu.dma_semaphore, #tpu.memory_space<semaphore_mem>>) src(%dma_wait3A_189 : memref<10000x128xf32, #tpu.memory_space<hbm>>) dst(%arg7 : memref<80x128xf32, #tpu.memory_space<vmem>>)
        "tpu.region"() ({
          %run_scoped3A = tpu.sem_alloc : memref<!tpu.dma_semaphore, #tpu.memory_space<semaphore_mem>>
          %dma_start3A_204 = arith.constant 0 : i32
          %dma_start3A_205 = arith.constant 0 : i32
          %dma_start3A_206 = tpu.memref_slice %arg26[%dma_start3A_204, %dma_start3A_205] : memref<10240x128xf32, #tpu.memory_space<vmem_shared>> -> memref<10240x128xf32, #tpu.memory_space<vmem_shared>>
          tpu.enqueue_indirect_dma source(%arg7 : memref<80x128xf32, #tpu.memory_space<vmem>>) target(%dma_start3A_206 : memref<10240x128xf32, #tpu.memory_space<vmem_shared>>) offsets(%arg19 : memref<80xi32, #tpu.memory_space<vmem>>) semaphore(%run_scoped3A : memref<!tpu.dma_semaphore, #tpu.memory_space<semaphore_mem>>) {add = true}
          %dma_wait3A_207 = arith.constant 0 : i32
          %dma_wait3A_208 = arith.constant 0 : i32
          %dma_wait3A_209 = tpu.memref_slice %arg26[%dma_wait3A_207, %dma_wait3A_208] : memref<10240x128xf32, #tpu.memory_space<vmem_shared>> -> memref<10240x128xf32, #tpu.memory_space<vmem_shared>>
          tpu.wait_indirect_dma semaphore(%run_scoped3A : memref<!tpu.dma_semaphore, #tpu.memory_space<semaphore_mem>>) src(%arg7 : memref<80x128xf32, #tpu.memory_space<vmem>>) dst(%dma_wait3A_209 : memref<10240x128xf32, #tpu.memory_space<vmem_shared>>)
          tpu.yield
        }) : () -> ()
        %add3A_190 = arith.constant 8 : i32
        %add3A_191 = arith.addi %add3A_127, %add3A_190 : i32
        %lt3A_192 = arith.constant 125 : i32
        %lt3A_193 = arith.cmpi slt, %add3A_191, %lt3A_192 : i32
        %convert_element_type3A_194 = arith.extui %lt3A_193 : i1 to i32
        %cond3A_195 = arith.constant 0 : i32
        %cond3A_196 = arith.cmpi ne, %convert_element_type3A_194, %cond3A_195 : i32
        scf.if %cond3A_196 {
          %add3A_204 = arith.constant 8 : i32
          %add3A_205 = arith.addi %add3A_127, %add3A_204 : i32
          %mul3A_206 = arith.constant 80 : i32
          %mul3A_207 = arith.muli %add3A_205, %mul3A_206 : i32
          %add3A_208 = arith.addi %mul3A_2, %mul3A_207 : i32
          %dma_start3A_209 = tpu.memref_slice %arg3[%add3A_208] : memref<320000xi32, #tpu.memory_space<hbm>> -> memref<80xi32, #tpu.memory_space<hbm>>
          %dma_start3A_210 = tpu.memref_slice %arg3[%add3A_208] : memref<320000xi32, #tpu.memory_space<hbm>> -> memref<80xi32, #tpu.memory_space<hbm>>
          tpu.enqueue_dma source(%dma_start3A_210 : memref<80xi32, #tpu.memory_space<hbm>>) target(%arg11 : memref<80xi32, #tpu.memory_space<vmem>>) target_semaphore(%arg32 : memref<!tpu.dma_semaphore, #tpu.memory_space<semaphore_mem>>)
          %dma_start3A_211 = tpu.memref_slice %arg4[%add3A_208] : memref<320000xi32, #tpu.memory_space<hbm>> -> memref<80xi32, #tpu.memory_space<hbm>>
          %dma_start3A_212 = tpu.memref_slice %arg4[%add3A_208] : memref<320000xi32, #tpu.memory_space<hbm>> -> memref<80xi32, #tpu.memory_space<hbm>>
          tpu.enqueue_dma source(%dma_start3A_212 : memref<80xi32, #tpu.memory_space<hbm>>) target(%arg19 : memref<80xi32, #tpu.memory_space<vmem>>) target_semaphore(%arg40 : memref<!tpu.dma_semaphore, #tpu.memory_space<semaphore_mem>>)
        } else {
        }
        %add3A_197 = arith.constant 4 : i32
        %add3A_198 = arith.addi %add3A_127, %add3A_197 : i32
        %lt3A_199 = arith.constant 125 : i32
        %lt3A_200 = arith.cmpi slt, %add3A_198, %lt3A_199 : i32
        %convert_element_type3A_201 = arith.extui %lt3A_200 : i1 to i32
        %cond3A_202 = arith.constant 0 : i32
        %cond3A_203 = arith.cmpi ne, %convert_element_type3A_201, %cond3A_202 : i32
        scf.if %cond3A_203 {
          %add3A_204 = arith.constant 4 : i32
          %add3A_205 = arith.addi %add3A_127, %add3A_204 : i32
          %mul3A_206 = arith.constant 80 : i32
          %mul3A_207 = arith.muli %add3A_205, %mul3A_206 : i32
          %add3A_208 = arith.addi %mul3A_2, %mul3A_207 : i32
          %dma_wait3A_209 = tpu.memref_slice %arg3[%add3A_208] : memref<320000xi32, #tpu.memory_space<hbm>> -> memref<80xi32, #tpu.memory_space<hbm>>
          %dma_wait3A_210 = tpu.memref_slice %arg3[%add3A_208] : memref<320000xi32, #tpu.memory_space<hbm>> -> memref<80xi32, #tpu.memory_space<hbm>>
          tpu.wait_dma2 semaphore(%arg36 : memref<!tpu.dma_semaphore, #tpu.memory_space<semaphore_mem>>) src(%dma_wait3A_210 : memref<80xi32, #tpu.memory_space<hbm>>) dst(%arg15 : memref<80xi32, #tpu.memory_space<vmem>>)
          %dma_wait3A_211 = tpu.memref_slice %arg4[%add3A_208] : memref<320000xi32, #tpu.memory_space<hbm>> -> memref<80xi32, #tpu.memory_space<hbm>>
          %dma_wait3A_212 = tpu.memref_slice %arg4[%add3A_208] : memref<320000xi32, #tpu.memory_space<hbm>> -> memref<80xi32, #tpu.memory_space<hbm>>
          tpu.wait_dma2 semaphore(%arg44 : memref<!tpu.dma_semaphore, #tpu.memory_space<semaphore_mem>>) src(%dma_wait3A_212 : memref<80xi32, #tpu.memory_space<hbm>>) dst(%arg23 : memref<80xi32, #tpu.memory_space<vmem>>)
          %dma_start3A_213 = arith.constant 0 : i32
          %dma_start3A_214 = arith.constant 0 : i32
          %dma_start3A_215 = tpu.memref_slice %arg2[%dma_start3A_213, %dma_start3A_214] : memref<10000x128xf32, #tpu.memory_space<hbm>> -> memref<10000x128xf32, #tpu.memory_space<hbm>>
          tpu.enqueue_indirect_dma source(%dma_start3A_215 : memref<10000x128xf32, #tpu.memory_space<hbm>>) target(%arg7 : memref<80x128xf32, #tpu.memory_space<vmem>>) offsets(%arg15 : memref<80xi32, #tpu.memory_space<vmem>>) semaphore(%arg28 : memref<!tpu.dma_semaphore, #tpu.memory_space<semaphore_mem>>)
        } else {
        }
      } else {
      }
      %mul3A_133 = arith.constant 8 : i32
      %mul3A_134 = arith.muli %scan3A_115, %mul3A_133 : i32
      %add3A_135 = arith.constant 2 : i32
      %add3A_136 = arith.addi %mul3A_134, %add3A_135 : i32
      %lt3A_137 = arith.constant 125 : i32
      %lt3A_138 = arith.cmpi slt, %add3A_136, %lt3A_137 : i32
      %convert_element_type3A_139 = arith.extui %lt3A_138 : i1 to i32
      %cond3A_140 = arith.constant 0 : i32
      %cond3A_141 = arith.cmpi ne, %convert_element_type3A_139, %cond3A_140 : i32
      scf.if %cond3A_141 {
        %dma_wait3A_187 = arith.constant 0 : i32
        %dma_wait3A_188 = arith.constant 0 : i32
        %dma_wait3A_189 = tpu.memref_slice %arg2[%dma_wait3A_187, %dma_wait3A_188] : memref<10000x128xf32, #tpu.memory_space<hbm>> -> memref<10000x128xf32, #tpu.memory_space<hbm>>
        tpu.wait_indirect_dma semaphore(%arg29 : memref<!tpu.dma_semaphore, #tpu.memory_space<semaphore_mem>>) src(%dma_wait3A_189 : memref<10000x128xf32, #tpu.memory_space<hbm>>) dst(%arg8 : memref<80x128xf32, #tpu.memory_space<vmem>>)
        "tpu.region"() ({
          %run_scoped3A = tpu.sem_alloc : memref<!tpu.dma_semaphore, #tpu.memory_space<semaphore_mem>>
          %dma_start3A_204 = arith.constant 0 : i32
          %dma_start3A_205 = arith.constant 0 : i32
          %dma_start3A_206 = tpu.memref_slice %arg26[%dma_start3A_204, %dma_start3A_205] : memref<10240x128xf32, #tpu.memory_space<vmem_shared>> -> memref<10240x128xf32, #tpu.memory_space<vmem_shared>>
          tpu.enqueue_indirect_dma source(%arg8 : memref<80x128xf32, #tpu.memory_space<vmem>>) target(%dma_start3A_206 : memref<10240x128xf32, #tpu.memory_space<vmem_shared>>) offsets(%arg20 : memref<80xi32, #tpu.memory_space<vmem>>) semaphore(%run_scoped3A : memref<!tpu.dma_semaphore, #tpu.memory_space<semaphore_mem>>) {add = true}
          %dma_wait3A_207 = arith.constant 0 : i32
          %dma_wait3A_208 = arith.constant 0 : i32
          %dma_wait3A_209 = tpu.memref_slice %arg26[%dma_wait3A_207, %dma_wait3A_208] : memref<10240x128xf32, #tpu.memory_space<vmem_shared>> -> memref<10240x128xf32, #tpu.memory_space<vmem_shared>>
          tpu.wait_indirect_dma semaphore(%run_scoped3A : memref<!tpu.dma_semaphore, #tpu.memory_space<semaphore_mem>>) src(%arg8 : memref<80x128xf32, #tpu.memory_space<vmem>>) dst(%dma_wait3A_209 : memref<10240x128xf32, #tpu.memory_space<vmem_shared>>)
          tpu.yield
        }) : () -> ()
        %add3A_190 = arith.constant 8 : i32
        %add3A_191 = arith.addi %add3A_136, %add3A_190 : i32
        %lt3A_192 = arith.constant 125 : i32
        %lt3A_193 = arith.cmpi slt, %add3A_191, %lt3A_192 : i32
        %convert_element_type3A_194 = arith.extui %lt3A_193 : i1 to i32
        %cond3A_195 = arith.constant 0 : i32
        %cond3A_196 = arith.cmpi ne, %convert_element_type3A_194, %cond3A_195 : i32
        scf.if %cond3A_196 {
          %add3A_204 = arith.constant 8 : i32
          %add3A_205 = arith.addi %add3A_136, %add3A_204 : i32
          %mul3A_206 = arith.constant 80 : i32
          %mul3A_207 = arith.muli %add3A_205, %mul3A_206 : i32
          %add3A_208 = arith.addi %mul3A_2, %mul3A_207 : i32
          %dma_start3A_209 = tpu.memref_slice %arg3[%add3A_208] : memref<320000xi32, #tpu.memory_space<hbm>> -> memref<80xi32, #tpu.memory_space<hbm>>
          %dma_start3A_210 = tpu.memref_slice %arg3[%add3A_208] : memref<320000xi32, #tpu.memory_space<hbm>> -> memref<80xi32, #tpu.memory_space<hbm>>
          tpu.enqueue_dma source(%dma_start3A_210 : memref<80xi32, #tpu.memory_space<hbm>>) target(%arg12 : memref<80xi32, #tpu.memory_space<vmem>>) target_semaphore(%arg33 : memref<!tpu.dma_semaphore, #tpu.memory_space<semaphore_mem>>)
          %dma_start3A_211 = tpu.memref_slice %arg4[%add3A_208] : memref<320000xi32, #tpu.memory_space<hbm>> -> memref<80xi32, #tpu.memory_space<hbm>>
          %dma_start3A_212 = tpu.memref_slice %arg4[%add3A_208] : memref<320000xi32, #tpu.memory_space<hbm>> -> memref<80xi32, #tpu.memory_space<hbm>>
          tpu.enqueue_dma source(%dma_start3A_212 : memref<80xi32, #tpu.memory_space<hbm>>) target(%arg20 : memref<80xi32, #tpu.memory_space<vmem>>) target_semaphore(%arg41 : memref<!tpu.dma_semaphore, #tpu.memory_space<semaphore_mem>>)
        } else {
        }
        %add3A_197 = arith.constant 4 : i32
        %add3A_198 = arith.addi %add3A_136, %add3A_197 : i32
        %lt3A_199 = arith.constant 125 : i32
        %lt3A_200 = arith.cmpi slt, %add3A_198, %lt3A_199 : i32
        %convert_element_type3A_201 = arith.extui %lt3A_200 : i1 to i32
        %cond3A_202 = arith.constant 0 : i32
        %cond3A_203 = arith.cmpi ne, %convert_element_type3A_201, %cond3A_202 : i32
        scf.if %cond3A_203 {
          %add3A_204 = arith.constant 4 : i32
          %add3A_205 = arith.addi %add3A_136, %add3A_204 : i32
          %mul3A_206 = arith.constant 80 : i32
          %mul3A_207 = arith.muli %add3A_205, %mul3A_206 : i32
          %add3A_208 = arith.addi %mul3A_2, %mul3A_207 : i32
          %dma_wait3A_209 = tpu.memref_slice %arg3[%add3A_208] : memref<320000xi32, #tpu.memory_space<hbm>> -> memref<80xi32, #tpu.memory_space<hbm>>
          %dma_wait3A_210 = tpu.memref_slice %arg3[%add3A_208] : memref<320000xi32, #tpu.memory_space<hbm>> -> memref<80xi32, #tpu.memory_space<hbm>>
          tpu.wait_dma2 semaphore(%arg37 : memref<!tpu.dma_semaphore, #tpu.memory_space<semaphore_mem>>) src(%dma_wait3A_210 : memref<80xi32, #tpu.memory_space<hbm>>) dst(%arg16 : memref<80xi32, #tpu.memory_space<vmem>>)
          %dma_wait3A_211 = tpu.memref_slice %arg4[%add3A_208] : memref<320000xi32, #tpu.memory_space<hbm>> -> memref<80xi32, #tpu.memory_space<hbm>>
          %dma_wait3A_212 = tpu.memref_slice %arg4[%add3A_208] : memref<320000xi32, #tpu.memory_space<hbm>> -> memref<80xi32, #tpu.memory_space<hbm>>
          tpu.wait_dma2 semaphore(%arg45 : memref<!tpu.dma_semaphore, #tpu.memory_space<semaphore_mem>>) src(%dma_wait3A_212 : memref<80xi32, #tpu.memory_space<hbm>>) dst(%arg24 : memref<80xi32, #tpu.memory_space<vmem>>)
          %dma_start3A_213 = arith.constant 0 : i32
          %dma_start3A_214 = arith.constant 0 : i32
          %dma_start3A_215 = tpu.memref_slice %arg2[%dma_start3A_213, %dma_start3A_214] : memref<10000x128xf32, #tpu.memory_space<hbm>> -> memref<10000x128xf32, #tpu.memory_space<hbm>>
          tpu.enqueue_indirect_dma source(%dma_start3A_215 : memref<10000x128xf32, #tpu.memory_space<hbm>>) target(%arg8 : memref<80x128xf32, #tpu.memory_space<vmem>>) offsets(%arg16 : memref<80xi32, #tpu.memory_space<vmem>>) semaphore(%arg29 : memref<!tpu.dma_semaphore, #tpu.memory_space<semaphore_mem>>)
        } else {
        }
      } else {
      }
      %mul3A_142 = arith.constant 8 : i32
      %mul3A_143 = arith.muli %scan3A_115, %mul3A_142 : i32
      %add3A_144 = arith.constant 3 : i32
      %add3A_145 = arith.addi %mul3A_143, %add3A_144 : i32
      %lt3A_146 = arith.constant 125 : i32
      %lt3A_147 = arith.cmpi slt, %add3A_145, %lt3A_146 : i32
      %convert_element_type3A_148 = arith.extui %lt3A_147 : i1 to i32
      %cond3A_149 = arith.constant 0 : i32
      %cond3A_150 = arith.cmpi ne, %convert_element_type3A_148, %cond3A_149 : i32
      scf.if %cond3A_150 {
        %dma_wait3A_187 = arith.constant 0 : i32
        %dma_wait3A_188 = arith.constant 0 : i32
        %dma_wait3A_189 = tpu.memref_slice %arg2[%dma_wait3A_187, %dma_wait3A_188] : memref<10000x128xf32, #tpu.memory_space<hbm>> -> memref<10000x128xf32, #tpu.memory_space<hbm>>
        tpu.wait_indirect_dma semaphore(%arg30 : memref<!tpu.dma_semaphore, #tpu.memory_space<semaphore_mem>>) src(%dma_wait3A_189 : memref<10000x128xf32, #tpu.memory_space<hbm>>) dst(%arg9 : memref<80x128xf32, #tpu.memory_space<vmem>>)
        "tpu.region"() ({
          %run_scoped3A = tpu.sem_alloc : memref<!tpu.dma_semaphore, #tpu.memory_space<semaphore_mem>>
          %dma_start3A_204 = arith.constant 0 : i32
          %dma_start3A_205 = arith.constant 0 : i32
          %dma_start3A_206 = tpu.memref_slice %arg26[%dma_start3A_204, %dma_start3A_205] : memref<10240x128xf32, #tpu.memory_space<vmem_shared>> -> memref<10240x128xf32, #tpu.memory_space<vmem_shared>>
          tpu.enqueue_indirect_dma source(%arg9 : memref<80x128xf32, #tpu.memory_space<vmem>>) target(%dma_start3A_206 : memref<10240x128xf32, #tpu.memory_space<vmem_shared>>) offsets(%arg21 : memref<80xi32, #tpu.memory_space<vmem>>) semaphore(%run_scoped3A : memref<!tpu.dma_semaphore, #tpu.memory_space<semaphore_mem>>) {add = true}
          %dma_wait3A_207 = arith.constant 0 : i32
          %dma_wait3A_208 = arith.constant 0 : i32
          %dma_wait3A_209 = tpu.memref_slice %arg26[%dma_wait3A_207, %dma_wait3A_208] : memref<10240x128xf32, #tpu.memory_space<vmem_shared>> -> memref<10240x128xf32, #tpu.memory_space<vmem_shared>>
          tpu.wait_indirect_dma semaphore(%run_scoped3A : memref<!tpu.dma_semaphore, #tpu.memory_space<semaphore_mem>>) src(%arg9 : memref<80x128xf32, #tpu.memory_space<vmem>>) dst(%dma_wait3A_209 : memref<10240x128xf32, #tpu.memory_space<vmem_shared>>)
          tpu.yield
        }) : () -> ()
        %add3A_190 = arith.constant 8 : i32
        %add3A_191 = arith.addi %add3A_145, %add3A_190 : i32
        %lt3A_192 = arith.constant 125 : i32
        %lt3A_193 = arith.cmpi slt, %add3A_191, %lt3A_192 : i32
        %convert_element_type3A_194 = arith.extui %lt3A_193 : i1 to i32
        %cond3A_195 = arith.constant 0 : i32
        %cond3A_196 = arith.cmpi ne, %convert_element_type3A_194, %cond3A_195 : i32
        scf.if %cond3A_196 {
          %add3A_204 = arith.constant 8 : i32
          %add3A_205 = arith.addi %add3A_145, %add3A_204 : i32
          %mul3A_206 = arith.constant 80 : i32
          %mul3A_207 = arith.muli %add3A_205, %mul3A_206 : i32
          %add3A_208 = arith.addi %mul3A_2, %mul3A_207 : i32
          %dma_start3A_209 = tpu.memref_slice %arg3[%add3A_208] : memref<320000xi32, #tpu.memory_space<hbm>> -> memref<80xi32, #tpu.memory_space<hbm>>
          %dma_start3A_210 = tpu.memref_slice %arg3[%add3A_208] : memref<320000xi32, #tpu.memory_space<hbm>> -> memref<80xi32, #tpu.memory_space<hbm>>
          tpu.enqueue_dma source(%dma_start3A_210 : memref<80xi32, #tpu.memory_space<hbm>>) target(%arg13 : memref<80xi32, #tpu.memory_space<vmem>>) target_semaphore(%arg34 : memref<!tpu.dma_semaphore, #tpu.memory_space<semaphore_mem>>)
          %dma_start3A_211 = tpu.memref_slice %arg4[%add3A_208] : memref<320000xi32, #tpu.memory_space<hbm>> -> memref<80xi32, #tpu.memory_space<hbm>>
          %dma_start3A_212 = tpu.memref_slice %arg4[%add3A_208] : memref<320000xi32, #tpu.memory_space<hbm>> -> memref<80xi32, #tpu.memory_space<hbm>>
          tpu.enqueue_dma source(%dma_start3A_212 : memref<80xi32, #tpu.memory_space<hbm>>) target(%arg21 : memref<80xi32, #tpu.memory_space<vmem>>) target_semaphore(%arg42 : memref<!tpu.dma_semaphore, #tpu.memory_space<semaphore_mem>>)
        } else {
        }
        %add3A_197 = arith.constant 4 : i32
        %add3A_198 = arith.addi %add3A_145, %add3A_197 : i32
        %lt3A_199 = arith.constant 125 : i32
        %lt3A_200 = arith.cmpi slt, %add3A_198, %lt3A_199 : i32
        %convert_element_type3A_201 = arith.extui %lt3A_200 : i1 to i32
        %cond3A_202 = arith.constant 0 : i32
        %cond3A_203 = arith.cmpi ne, %convert_element_type3A_201, %cond3A_202 : i32
        scf.if %cond3A_203 {
          %add3A_204 = arith.constant 4 : i32
          %add3A_205 = arith.addi %add3A_145, %add3A_204 : i32
          %mul3A_206 = arith.constant 80 : i32
          %mul3A_207 = arith.muli %add3A_205, %mul3A_206 : i32
          %add3A_208 = arith.addi %mul3A_2, %mul3A_207 : i32
          %dma_wait3A_209 = tpu.memref_slice %arg3[%add3A_208] : memref<320000xi32, #tpu.memory_space<hbm>> -> memref<80xi32, #tpu.memory_space<hbm>>
          %dma_wait3A_210 = tpu.memref_slice %arg3[%add3A_208] : memref<320000xi32, #tpu.memory_space<hbm>> -> memref<80xi32, #tpu.memory_space<hbm>>
          tpu.wait_dma2 semaphore(%arg38 : memref<!tpu.dma_semaphore, #tpu.memory_space<semaphore_mem>>) src(%dma_wait3A_210 : memref<80xi32, #tpu.memory_space<hbm>>) dst(%arg17 : memref<80xi32, #tpu.memory_space<vmem>>)
          %dma_wait3A_211 = tpu.memref_slice %arg4[%add3A_208] : memref<320000xi32, #tpu.memory_space<hbm>> -> memref<80xi32, #tpu.memory_space<hbm>>
          %dma_wait3A_212 = tpu.memref_slice %arg4[%add3A_208] : memref<320000xi32, #tpu.memory_space<hbm>> -> memref<80xi32, #tpu.memory_space<hbm>>
          tpu.wait_dma2 semaphore(%arg46 : memref<!tpu.dma_semaphore, #tpu.memory_space<semaphore_mem>>) src(%dma_wait3A_212 : memref<80xi32, #tpu.memory_space<hbm>>) dst(%arg25 : memref<80xi32, #tpu.memory_space<vmem>>)
          %dma_start3A_213 = arith.constant 0 : i32
          %dma_start3A_214 = arith.constant 0 : i32
          %dma_start3A_215 = tpu.memref_slice %arg2[%dma_start3A_213, %dma_start3A_214] : memref<10000x128xf32, #tpu.memory_space<hbm>> -> memref<10000x128xf32, #tpu.memory_space<hbm>>
          tpu.enqueue_indirect_dma source(%dma_start3A_215 : memref<10000x128xf32, #tpu.memory_space<hbm>>) target(%arg9 : memref<80x128xf32, #tpu.memory_space<vmem>>) offsets(%arg17 : memref<80xi32, #tpu.memory_space<vmem>>) semaphore(%arg30 : memref<!tpu.dma_semaphore, #tpu.memory_space<semaphore_mem>>)
        } else {
        }
      } else {
      }
      %mul3A_151 = arith.constant 8 : i32
      %mul3A_152 = arith.muli %scan3A_115, %mul3A_151 : i32
      %add3A_153 = arith.constant 4 : i32
      %add3A_154 = arith.addi %mul3A_152, %add3A_153 : i32
      %lt3A_155 = arith.constant 125 : i32
      %lt3A_156 = arith.cmpi slt, %add3A_154, %lt3A_155 : i32
      %convert_element_type3A_157 = arith.extui %lt3A_156 : i1 to i32
      %cond3A_158 = arith.constant 0 : i32
      %cond3A_159 = arith.cmpi ne, %convert_element_type3A_157, %cond3A_158 : i32
      scf.if %cond3A_159 {
        %dma_wait3A_187 = arith.constant 0 : i32
        %dma_wait3A_188 = arith.constant 0 : i32
        %dma_wait3A_189 = tpu.memref_slice %arg2[%dma_wait3A_187, %dma_wait3A_188] : memref<10000x128xf32, #tpu.memory_space<hbm>> -> memref<10000x128xf32, #tpu.memory_space<hbm>>
        tpu.wait_indirect_dma semaphore(%arg27 : memref<!tpu.dma_semaphore, #tpu.memory_space<semaphore_mem>>) src(%dma_wait3A_189 : memref<10000x128xf32, #tpu.memory_space<hbm>>) dst(%arg6 : memref<80x128xf32, #tpu.memory_space<vmem>>)
        "tpu.region"() ({
          %run_scoped3A = tpu.sem_alloc : memref<!tpu.dma_semaphore, #tpu.memory_space<semaphore_mem>>
          %dma_start3A_204 = arith.constant 0 : i32
          %dma_start3A_205 = arith.constant 0 : i32
          %dma_start3A_206 = tpu.memref_slice %arg26[%dma_start3A_204, %dma_start3A_205] : memref<10240x128xf32, #tpu.memory_space<vmem_shared>> -> memref<10240x128xf32, #tpu.memory_space<vmem_shared>>
          tpu.enqueue_indirect_dma source(%arg6 : memref<80x128xf32, #tpu.memory_space<vmem>>) target(%dma_start3A_206 : memref<10240x128xf32, #tpu.memory_space<vmem_shared>>) offsets(%arg22 : memref<80xi32, #tpu.memory_space<vmem>>) semaphore(%run_scoped3A : memref<!tpu.dma_semaphore, #tpu.memory_space<semaphore_mem>>) {add = true}
          %dma_wait3A_207 = arith.constant 0 : i32
          %dma_wait3A_208 = arith.constant 0 : i32
          %dma_wait3A_209 = tpu.memref_slice %arg26[%dma_wait3A_207, %dma_wait3A_208] : memref<10240x128xf32, #tpu.memory_space<vmem_shared>> -> memref<10240x128xf32, #tpu.memory_space<vmem_shared>>
          tpu.wait_indirect_dma semaphore(%run_scoped3A : memref<!tpu.dma_semaphore, #tpu.memory_space<semaphore_mem>>) src(%arg6 : memref<80x128xf32, #tpu.memory_space<vmem>>) dst(%dma_wait3A_209 : memref<10240x128xf32, #tpu.memory_space<vmem_shared>>)
          tpu.yield
        }) : () -> ()
        %add3A_190 = arith.constant 8 : i32
        %add3A_191 = arith.addi %add3A_154, %add3A_190 : i32
        %lt3A_192 = arith.constant 125 : i32
        %lt3A_193 = arith.cmpi slt, %add3A_191, %lt3A_192 : i32
        %convert_element_type3A_194 = arith.extui %lt3A_193 : i1 to i32
        %cond3A_195 = arith.constant 0 : i32
        %cond3A_196 = arith.cmpi ne, %convert_element_type3A_194, %cond3A_195 : i32
        scf.if %cond3A_196 {
          %add3A_204 = arith.constant 8 : i32
          %add3A_205 = arith.addi %add3A_154, %add3A_204 : i32
          %mul3A_206 = arith.constant 80 : i32
          %mul3A_207 = arith.muli %add3A_205, %mul3A_206 : i32
          %add3A_208 = arith.addi %mul3A_2, %mul3A_207 : i32
          %dma_start3A_209 = tpu.memref_slice %arg3[%add3A_208] : memref<320000xi32, #tpu.memory_space<hbm>> -> memref<80xi32, #tpu.memory_space<hbm>>
          %dma_start3A_210 = tpu.memref_slice %arg3[%add3A_208] : memref<320000xi32, #tpu.memory_space<hbm>> -> memref<80xi32, #tpu.memory_space<hbm>>
          tpu.enqueue_dma source(%dma_start3A_210 : memref<80xi32, #tpu.memory_space<hbm>>) target(%arg14 : memref<80xi32, #tpu.memory_space<vmem>>) target_semaphore(%arg35 : memref<!tpu.dma_semaphore, #tpu.memory_space<semaphore_mem>>)
          %dma_start3A_211 = tpu.memref_slice %arg4[%add3A_208] : memref<320000xi32, #tpu.memory_space<hbm>> -> memref<80xi32, #tpu.memory_space<hbm>>
          %dma_start3A_212 = tpu.memref_slice %arg4[%add3A_208] : memref<320000xi32, #tpu.memory_space<hbm>> -> memref<80xi32, #tpu.memory_space<hbm>>
          tpu.enqueue_dma source(%dma_start3A_212 : memref<80xi32, #tpu.memory_space<hbm>>) target(%arg22 : memref<80xi32, #tpu.memory_space<vmem>>) target_semaphore(%arg43 : memref<!tpu.dma_semaphore, #tpu.memory_space<semaphore_mem>>)
        } else {
        }
        %add3A_197 = arith.constant 4 : i32
        %add3A_198 = arith.addi %add3A_154, %add3A_197 : i32
        %lt3A_199 = arith.constant 125 : i32
        %lt3A_200 = arith.cmpi slt, %add3A_198, %lt3A_199 : i32
        %convert_element_type3A_201 = arith.extui %lt3A_200 : i1 to i32
        %cond3A_202 = arith.constant 0 : i32
        %cond3A_203 = arith.cmpi ne, %convert_element_type3A_201, %cond3A_202 : i32
        scf.if %cond3A_203 {
          %add3A_204 = arith.constant 4 : i32
          %add3A_205 = arith.addi %add3A_154, %add3A_204 : i32
          %mul3A_206 = arith.constant 80 : i32
          %mul3A_207 = arith.muli %add3A_205, %mul3A_206 : i32
          %add3A_208 = arith.addi %mul3A_2, %mul3A_207 : i32
          %dma_wait3A_209 = tpu.memref_slice %arg3[%add3A_208] : memref<320000xi32, #tpu.memory_space<hbm>> -> memref<80xi32, #tpu.memory_space<hbm>>
          %dma_wait3A_210 = tpu.memref_slice %arg3[%add3A_208] : memref<320000xi32, #tpu.memory_space<hbm>> -> memref<80xi32, #tpu.memory_space<hbm>>
          tpu.wait_dma2 semaphore(%arg31 : memref<!tpu.dma_semaphore, #tpu.memory_space<semaphore_mem>>) src(%dma_wait3A_210 : memref<80xi32, #tpu.memory_space<hbm>>) dst(%arg10 : memref<80xi32, #tpu.memory_space<vmem>>)
          %dma_wait3A_211 = tpu.memref_slice %arg4[%add3A_208] : memref<320000xi32, #tpu.memory_space<hbm>> -> memref<80xi32, #tpu.memory_space<hbm>>
          %dma_wait3A_212 = tpu.memref_slice %arg4[%add3A_208] : memref<320000xi32, #tpu.memory_space<hbm>> -> memref<80xi32, #tpu.memory_space<hbm>>
          tpu.wait_dma2 semaphore(%arg39 : memref<!tpu.dma_semaphore, #tpu.memory_space<semaphore_mem>>) src(%dma_wait3A_212 : memref<80xi32, #tpu.memory_space<hbm>>) dst(%arg18 : memref<80xi32, #tpu.memory_space<vmem>>)
          %dma_start3A_213 = arith.constant 0 : i32
          %dma_start3A_214 = arith.constant 0 : i32
          %dma_start3A_215 = tpu.memref_slice %arg2[%dma_start3A_213, %dma_start3A_214] : memref<10000x128xf32, #tpu.memory_space<hbm>> -> memref<10000x128xf32, #tpu.memory_space<hbm>>
          tpu.enqueue_indirect_dma source(%dma_start3A_215 : memref<10000x128xf32, #tpu.memory_space<hbm>>) target(%arg6 : memref<80x128xf32, #tpu.memory_space<vmem>>) offsets(%arg10 : memref<80xi32, #tpu.memory_space<vmem>>) semaphore(%arg27 : memref<!tpu.dma_semaphore, #tpu.memory_space<semaphore_mem>>)
        } else {
        }
      } else {
      }
      %mul3A_160 = arith.constant 8 : i32
      %mul3A_161 = arith.muli %scan3A_115, %mul3A_160 : i32
      %add3A_162 = arith.constant 5 : i32
      %add3A_163 = arith.addi %mul3A_161, %add3A_162 : i32
      %lt3A_164 = arith.constant 125 : i32
      %lt3A_165 = arith.cmpi slt, %add3A_163, %lt3A_164 : i32
      %convert_element_type3A_166 = arith.extui %lt3A_165 : i1 to i32
      %cond3A_167 = arith.constant 0 : i32
      %cond3A_168 = arith.cmpi ne, %convert_element_type3A_166, %cond3A_167 : i32
      scf.if %cond3A_168 {
        %dma_wait3A_187 = arith.constant 0 : i32
        %dma_wait3A_188 = arith.constant 0 : i32
        %dma_wait3A_189 = tpu.memref_slice %arg2[%dma_wait3A_187, %dma_wait3A_188] : memref<10000x128xf32, #tpu.memory_space<hbm>> -> memref<10000x128xf32, #tpu.memory_space<hbm>>
        tpu.wait_indirect_dma semaphore(%arg28 : memref<!tpu.dma_semaphore, #tpu.memory_space<semaphore_mem>>) src(%dma_wait3A_189 : memref<10000x128xf32, #tpu.memory_space<hbm>>) dst(%arg7 : memref<80x128xf32, #tpu.memory_space<vmem>>)
        "tpu.region"() ({
          %run_scoped3A = tpu.sem_alloc : memref<!tpu.dma_semaphore, #tpu.memory_space<semaphore_mem>>
          %dma_start3A_204 = arith.constant 0 : i32
          %dma_start3A_205 = arith.constant 0 : i32
          %dma_start3A_206 = tpu.memref_slice %arg26[%dma_start3A_204, %dma_start3A_205] : memref<10240x128xf32, #tpu.memory_space<vmem_shared>> -> memref<10240x128xf32, #tpu.memory_space<vmem_shared>>
          tpu.enqueue_indirect_dma source(%arg7 : memref<80x128xf32, #tpu.memory_space<vmem>>) target(%dma_start3A_206 : memref<10240x128xf32, #tpu.memory_space<vmem_shared>>) offsets(%arg23 : memref<80xi32, #tpu.memory_space<vmem>>) semaphore(%run_scoped3A : memref<!tpu.dma_semaphore, #tpu.memory_space<semaphore_mem>>) {add = true}
          %dma_wait3A_207 = arith.constant 0 : i32
          %dma_wait3A_208 = arith.constant 0 : i32
          %dma_wait3A_209 = tpu.memref_slice %arg26[%dma_wait3A_207, %dma_wait3A_208] : memref<10240x128xf32, #tpu.memory_space<vmem_shared>> -> memref<10240x128xf32, #tpu.memory_space<vmem_shared>>
          tpu.wait_indirect_dma semaphore(%run_scoped3A : memref<!tpu.dma_semaphore, #tpu.memory_space<semaphore_mem>>) src(%arg7 : memref<80x128xf32, #tpu.memory_space<vmem>>) dst(%dma_wait3A_209 : memref<10240x128xf32, #tpu.memory_space<vmem_shared>>)
          tpu.yield
        }) : () -> ()
        %add3A_190 = arith.constant 8 : i32
        %add3A_191 = arith.addi %add3A_163, %add3A_190 : i32
        %lt3A_192 = arith.constant 125 : i32
        %lt3A_193 = arith.cmpi slt, %add3A_191, %lt3A_192 : i32
        %convert_element_type3A_194 = arith.extui %lt3A_193 : i1 to i32
        %cond3A_195 = arith.constant 0 : i32
        %cond3A_196 = arith.cmpi ne, %convert_element_type3A_194, %cond3A_195 : i32
        scf.if %cond3A_196 {
          %add3A_204 = arith.constant 8 : i32
          %add3A_205 = arith.addi %add3A_163, %add3A_204 : i32
          %mul3A_206 = arith.constant 80 : i32
          %mul3A_207 = arith.muli %add3A_205, %mul3A_206 : i32
          %add3A_208 = arith.addi %mul3A_2, %mul3A_207 : i32
          %dma_start3A_209 = tpu.memref_slice %arg3[%add3A_208] : memref<320000xi32, #tpu.memory_space<hbm>> -> memref<80xi32, #tpu.memory_space<hbm>>
          %dma_start3A_210 = tpu.memref_slice %arg3[%add3A_208] : memref<320000xi32, #tpu.memory_space<hbm>> -> memref<80xi32, #tpu.memory_space<hbm>>
          tpu.enqueue_dma source(%dma_start3A_210 : memref<80xi32, #tpu.memory_space<hbm>>) target(%arg15 : memref<80xi32, #tpu.memory_space<vmem>>) target_semaphore(%arg36 : memref<!tpu.dma_semaphore, #tpu.memory_space<semaphore_mem>>)
          %dma_start3A_211 = tpu.memref_slice %arg4[%add3A_208] : memref<320000xi32, #tpu.memory_space<hbm>> -> memref<80xi32, #tpu.memory_space<hbm>>
          %dma_start3A_212 = tpu.memref_slice %arg4[%add3A_208] : memref<320000xi32, #tpu.memory_space<hbm>> -> memref<80xi32, #tpu.memory_space<hbm>>
          tpu.enqueue_dma source(%dma_start3A_212 : memref<80xi32, #tpu.memory_space<hbm>>) target(%arg23 : memref<80xi32, #tpu.memory_space<vmem>>) target_semaphore(%arg44 : memref<!tpu.dma_semaphore, #tpu.memory_space<semaphore_mem>>)
        } else {
        }
        %add3A_197 = arith.constant 4 : i32
        %add3A_198 = arith.addi %add3A_163, %add3A_197 : i32
        %lt3A_199 = arith.constant 125 : i32
        %lt3A_200 = arith.cmpi slt, %add3A_198, %lt3A_199 : i32
        %convert_element_type3A_201 = arith.extui %lt3A_200 : i1 to i32
        %cond3A_202 = arith.constant 0 : i32
        %cond3A_203 = arith.cmpi ne, %convert_element_type3A_201, %cond3A_202 : i32
        scf.if %cond3A_203 {
          %add3A_204 = arith.constant 4 : i32
          %add3A_205 = arith.addi %add3A_163, %add3A_204 : i32
          %mul3A_206 = arith.constant 80 : i32
          %mul3A_207 = arith.muli %add3A_205, %mul3A_206 : i32
          %add3A_208 = arith.addi %mul3A_2, %mul3A_207 : i32
          %dma_wait3A_209 = tpu.memref_slice %arg3[%add3A_208] : memref<320000xi32, #tpu.memory_space<hbm>> -> memref<80xi32, #tpu.memory_space<hbm>>
          %dma_wait3A_210 = tpu.memref_slice %arg3[%add3A_208] : memref<320000xi32, #tpu.memory_space<hbm>> -> memref<80xi32, #tpu.memory_space<hbm>>
          tpu.wait_dma2 semaphore(%arg32 : memref<!tpu.dma_semaphore, #tpu.memory_space<semaphore_mem>>) src(%dma_wait3A_210 : memref<80xi32, #tpu.memory_space<hbm>>) dst(%arg11 : memref<80xi32, #tpu.memory_space<vmem>>)
          %dma_wait3A_211 = tpu.memref_slice %arg4[%add3A_208] : memref<320000xi32, #tpu.memory_space<hbm>> -> memref<80xi32, #tpu.memory_space<hbm>>
          %dma_wait3A_212 = tpu.memref_slice %arg4[%add3A_208] : memref<320000xi32, #tpu.memory_space<hbm>> -> memref<80xi32, #tpu.memory_space<hbm>>
          tpu.wait_dma2 semaphore(%arg40 : memref<!tpu.dma_semaphore, #tpu.memory_space<semaphore_mem>>) src(%dma_wait3A_212 : memref<80xi32, #tpu.memory_space<hbm>>) dst(%arg19 : memref<80xi32, #tpu.memory_space<vmem>>)
          %dma_start3A_213 = arith.constant 0 : i32
          %dma_start3A_214 = arith.constant 0 : i32
          %dma_start3A_215 = tpu.memref_slice %arg2[%dma_start3A_213, %dma_start3A_214] : memref<10000x128xf32, #tpu.memory_space<hbm>> -> memref<10000x128xf32, #tpu.memory_space<hbm>>
          tpu.enqueue_indirect_dma source(%dma_start3A_215 : memref<10000x128xf32, #tpu.memory_space<hbm>>) target(%arg7 : memref<80x128xf32, #tpu.memory_space<vmem>>) offsets(%arg11 : memref<80xi32, #tpu.memory_space<vmem>>) semaphore(%arg28 : memref<!tpu.dma_semaphore, #tpu.memory_space<semaphore_mem>>)
        } else {
        }
      } else {
      }
      %mul3A_169 = arith.constant 8 : i32
      %mul3A_170 = arith.muli %scan3A_115, %mul3A_169 : i32
      %add3A_171 = arith.constant 6 : i32
      %add3A_172 = arith.addi %mul3A_170, %add3A_171 : i32
      %lt3A_173 = arith.constant 125 : i32
      %lt3A_174 = arith.cmpi slt, %add3A_172, %lt3A_173 : i32
      %convert_element_type3A_175 = arith.extui %lt3A_174 : i1 to i32
      %cond3A_176 = arith.constant 0 : i32
      %cond3A_177 = arith.cmpi ne, %convert_element_type3A_175, %cond3A_176 : i32
      scf.if %cond3A_177 {
        %dma_wait3A_187 = arith.constant 0 : i32
        %dma_wait3A_188 = arith.constant 0 : i32
        %dma_wait3A_189 = tpu.memref_slice %arg2[%dma_wait3A_187, %dma_wait3A_188] : memref<10000x128xf32, #tpu.memory_space<hbm>> -> memref<10000x128xf32, #tpu.memory_space<hbm>>
        tpu.wait_indirect_dma semaphore(%arg29 : memref<!tpu.dma_semaphore, #tpu.memory_space<semaphore_mem>>) src(%dma_wait3A_189 : memref<10000x128xf32, #tpu.memory_space<hbm>>) dst(%arg8 : memref<80x128xf32, #tpu.memory_space<vmem>>)
        "tpu.region"() ({
          %run_scoped3A = tpu.sem_alloc : memref<!tpu.dma_semaphore, #tpu.memory_space<semaphore_mem>>
          %dma_start3A_204 = arith.constant 0 : i32
          %dma_start3A_205 = arith.constant 0 : i32
          %dma_start3A_206 = tpu.memref_slice %arg26[%dma_start3A_204, %dma_start3A_205] : memref<10240x128xf32, #tpu.memory_space<vmem_shared>> -> memref<10240x128xf32, #tpu.memory_space<vmem_shared>>
          tpu.enqueue_indirect_dma source(%arg8 : memref<80x128xf32, #tpu.memory_space<vmem>>) target(%dma_start3A_206 : memref<10240x128xf32, #tpu.memory_space<vmem_shared>>) offsets(%arg24 : memref<80xi32, #tpu.memory_space<vmem>>) semaphore(%run_scoped3A : memref<!tpu.dma_semaphore, #tpu.memory_space<semaphore_mem>>) {add = true}
          %dma_wait3A_207 = arith.constant 0 : i32
          %dma_wait3A_208 = arith.constant 0 : i32
          %dma_wait3A_209 = tpu.memref_slice %arg26[%dma_wait3A_207, %dma_wait3A_208] : memref<10240x128xf32, #tpu.memory_space<vmem_shared>> -> memref<10240x128xf32, #tpu.memory_space<vmem_shared>>
          tpu.wait_indirect_dma semaphore(%run_scoped3A : memref<!tpu.dma_semaphore, #tpu.memory_space<semaphore_mem>>) src(%arg8 : memref<80x128xf32, #tpu.memory_space<vmem>>) dst(%dma_wait3A_209 : memref<10240x128xf32, #tpu.memory_space<vmem_shared>>)
          tpu.yield
        }) : () -> ()
        %add3A_190 = arith.constant 8 : i32
        %add3A_191 = arith.addi %add3A_172, %add3A_190 : i32
        %lt3A_192 = arith.constant 125 : i32
        %lt3A_193 = arith.cmpi slt, %add3A_191, %lt3A_192 : i32
        %convert_element_type3A_194 = arith.extui %lt3A_193 : i1 to i32
        %cond3A_195 = arith.constant 0 : i32
        %cond3A_196 = arith.cmpi ne, %convert_element_type3A_194, %cond3A_195 : i32
        scf.if %cond3A_196 {
          %add3A_204 = arith.constant 8 : i32
          %add3A_205 = arith.addi %add3A_172, %add3A_204 : i32
          %mul3A_206 = arith.constant 80 : i32
          %mul3A_207 = arith.muli %add3A_205, %mul3A_206 : i32
          %add3A_208 = arith.addi %mul3A_2, %mul3A_207 : i32
          %dma_start3A_209 = tpu.memref_slice %arg3[%add3A_208] : memref<320000xi32, #tpu.memory_space<hbm>> -> memref<80xi32, #tpu.memory_space<hbm>>
          %dma_start3A_210 = tpu.memref_slice %arg3[%add3A_208] : memref<320000xi32, #tpu.memory_space<hbm>> -> memref<80xi32, #tpu.memory_space<hbm>>
          tpu.enqueue_dma source(%dma_start3A_210 : memref<80xi32, #tpu.memory_space<hbm>>) target(%arg16 : memref<80xi32, #tpu.memory_space<vmem>>) target_semaphore(%arg37 : memref<!tpu.dma_semaphore, #tpu.memory_space<semaphore_mem>>)
          %dma_start3A_211 = tpu.memref_slice %arg4[%add3A_208] : memref<320000xi32, #tpu.memory_space<hbm>> -> memref<80xi32, #tpu.memory_space<hbm>>
          %dma_start3A_212 = tpu.memref_slice %arg4[%add3A_208] : memref<320000xi32, #tpu.memory_space<hbm>> -> memref<80xi32, #tpu.memory_space<hbm>>
          tpu.enqueue_dma source(%dma_start3A_212 : memref<80xi32, #tpu.memory_space<hbm>>) target(%arg24 : memref<80xi32, #tpu.memory_space<vmem>>) target_semaphore(%arg45 : memref<!tpu.dma_semaphore, #tpu.memory_space<semaphore_mem>>)
        } else {
        }
        %add3A_197 = arith.constant 4 : i32
        %add3A_198 = arith.addi %add3A_172, %add3A_197 : i32
        %lt3A_199 = arith.constant 125 : i32
        %lt3A_200 = arith.cmpi slt, %add3A_198, %lt3A_199 : i32
        %convert_element_type3A_201 = arith.extui %lt3A_200 : i1 to i32
        %cond3A_202 = arith.constant 0 : i32
        %cond3A_203 = arith.cmpi ne, %convert_element_type3A_201, %cond3A_202 : i32
        scf.if %cond3A_203 {
          %add3A_204 = arith.constant 4 : i32
          %add3A_205 = arith.addi %add3A_172, %add3A_204 : i32
          %mul3A_206 = arith.constant 80 : i32
          %mul3A_207 = arith.muli %add3A_205, %mul3A_206 : i32
          %add3A_208 = arith.addi %mul3A_2, %mul3A_207 : i32
          %dma_wait3A_209 = tpu.memref_slice %arg3[%add3A_208] : memref<320000xi32, #tpu.memory_space<hbm>> -> memref<80xi32, #tpu.memory_space<hbm>>
          %dma_wait3A_210 = tpu.memref_slice %arg3[%add3A_208] : memref<320000xi32, #tpu.memory_space<hbm>> -> memref<80xi32, #tpu.memory_space<hbm>>
          tpu.wait_dma2 semaphore(%arg33 : memref<!tpu.dma_semaphore, #tpu.memory_space<semaphore_mem>>) src(%dma_wait3A_210 : memref<80xi32, #tpu.memory_space<hbm>>) dst(%arg12 : memref<80xi32, #tpu.memory_space<vmem>>)
          %dma_wait3A_211 = tpu.memref_slice %arg4[%add3A_208] : memref<320000xi32, #tpu.memory_space<hbm>> -> memref<80xi32, #tpu.memory_space<hbm>>
          %dma_wait3A_212 = tpu.memref_slice %arg4[%add3A_208] : memref<320000xi32, #tpu.memory_space<hbm>> -> memref<80xi32, #tpu.memory_space<hbm>>
          tpu.wait_dma2 semaphore(%arg41 : memref<!tpu.dma_semaphore, #tpu.memory_space<semaphore_mem>>) src(%dma_wait3A_212 : memref<80xi32, #tpu.memory_space<hbm>>) dst(%arg20 : memref<80xi32, #tpu.memory_space<vmem>>)
          %dma_start3A_213 = arith.constant 0 : i32
          %dma_start3A_214 = arith.constant 0 : i32
          %dma_start3A_215 = tpu.memref_slice %arg2[%dma_start3A_213, %dma_start3A_214] : memref<10000x128xf32, #tpu.memory_space<hbm>> -> memref<10000x128xf32, #tpu.memory_space<hbm>>
          tpu.enqueue_indirect_dma source(%dma_start3A_215 : memref<10000x128xf32, #tpu.memory_space<hbm>>) target(%arg8 : memref<80x128xf32, #tpu.memory_space<vmem>>) offsets(%arg12 : memref<80xi32, #tpu.memory_space<vmem>>) semaphore(%arg29 : memref<!tpu.dma_semaphore, #tpu.memory_space<semaphore_mem>>)
        } else {
        }
      } else {
      }
      %mul3A_178 = arith.constant 8 : i32
      %mul3A_179 = arith.muli %scan3A_115, %mul3A_178 : i32
      %add3A_180 = arith.constant 7 : i32
      %add3A_181 = arith.addi %mul3A_179, %add3A_180 : i32
      %lt3A_182 = arith.constant 125 : i32
      %lt3A_183 = arith.cmpi slt, %add3A_181, %lt3A_182 : i32
      %convert_element_type3A_184 = arith.extui %lt3A_183 : i1 to i32
      %cond3A_185 = arith.constant 0 : i32
      %cond3A_186 = arith.cmpi ne, %convert_element_type3A_184, %cond3A_185 : i32
      scf.if %cond3A_186 {
        %dma_wait3A_187 = arith.constant 0 : i32
        %dma_wait3A_188 = arith.constant 0 : i32
        %dma_wait3A_189 = tpu.memref_slice %arg2[%dma_wait3A_187, %dma_wait3A_188] : memref<10000x128xf32, #tpu.memory_space<hbm>> -> memref<10000x128xf32, #tpu.memory_space<hbm>>
        tpu.wait_indirect_dma semaphore(%arg30 : memref<!tpu.dma_semaphore, #tpu.memory_space<semaphore_mem>>) src(%dma_wait3A_189 : memref<10000x128xf32, #tpu.memory_space<hbm>>) dst(%arg9 : memref<80x128xf32, #tpu.memory_space<vmem>>)
        "tpu.region"() ({
          %run_scoped3A = tpu.sem_alloc : memref<!tpu.dma_semaphore, #tpu.memory_space<semaphore_mem>>
          %dma_start3A_204 = arith.constant 0 : i32
          %dma_start3A_205 = arith.constant 0 : i32
          %dma_start3A_206 = tpu.memref_slice %arg26[%dma_start3A_204, %dma_start3A_205] : memref<10240x128xf32, #tpu.memory_space<vmem_shared>> -> memref<10240x128xf32, #tpu.memory_space<vmem_shared>>
          tpu.enqueue_indirect_dma source(%arg9 : memref<80x128xf32, #tpu.memory_space<vmem>>) target(%dma_start3A_206 : memref<10240x128xf32, #tpu.memory_space<vmem_shared>>) offsets(%arg25 : memref<80xi32, #tpu.memory_space<vmem>>) semaphore(%run_scoped3A : memref<!tpu.dma_semaphore, #tpu.memory_space<semaphore_mem>>) {add = true}
          %dma_wait3A_207 = arith.constant 0 : i32
          %dma_wait3A_208 = arith.constant 0 : i32
          %dma_wait3A_209 = tpu.memref_slice %arg26[%dma_wait3A_207, %dma_wait3A_208] : memref<10240x128xf32, #tpu.memory_space<vmem_shared>> -> memref<10240x128xf32, #tpu.memory_space<vmem_shared>>
          tpu.wait_indirect_dma semaphore(%run_scoped3A : memref<!tpu.dma_semaphore, #tpu.memory_space<semaphore_mem>>) src(%arg9 : memref<80x128xf32, #tpu.memory_space<vmem>>) dst(%dma_wait3A_209 : memref<10240x128xf32, #tpu.memory_space<vmem_shared>>)
          tpu.yield
        }) : () -> ()
        %add3A_190 = arith.constant 8 : i32
        %add3A_191 = arith.addi %add3A_181, %add3A_190 : i32
        %lt3A_192 = arith.constant 125 : i32
        %lt3A_193 = arith.cmpi slt, %add3A_191, %lt3A_192 : i32
        %convert_element_type3A_194 = arith.extui %lt3A_193 : i1 to i32
        %cond3A_195 = arith.constant 0 : i32
        %cond3A_196 = arith.cmpi ne, %convert_element_type3A_194, %cond3A_195 : i32
        scf.if %cond3A_196 {
          %add3A_204 = arith.constant 8 : i32
          %add3A_205 = arith.addi %add3A_181, %add3A_204 : i32
          %mul3A_206 = arith.constant 80 : i32
          %mul3A_207 = arith.muli %add3A_205, %mul3A_206 : i32
          %add3A_208 = arith.addi %mul3A_2, %mul3A_207 : i32
          %dma_start3A_209 = tpu.memref_slice %arg3[%add3A_208] : memref<320000xi32, #tpu.memory_space<hbm>> -> memref<80xi32, #tpu.memory_space<hbm>>
          %dma_start3A_210 = tpu.memref_slice %arg3[%add3A_208] : memref<320000xi32, #tpu.memory_space<hbm>> -> memref<80xi32, #tpu.memory_space<hbm>>
          tpu.enqueue_dma source(%dma_start3A_210 : memref<80xi32, #tpu.memory_space<hbm>>) target(%arg17 : memref<80xi32, #tpu.memory_space<vmem>>) target_semaphore(%arg38 : memref<!tpu.dma_semaphore, #tpu.memory_space<semaphore_mem>>)
          %dma_start3A_211 = tpu.memref_slice %arg4[%add3A_208] : memref<320000xi32, #tpu.memory_space<hbm>> -> memref<80xi32, #tpu.memory_space<hbm>>
          %dma_start3A_212 = tpu.memref_slice %arg4[%add3A_208] : memref<320000xi32, #tpu.memory_space<hbm>> -> memref<80xi32, #tpu.memory_space<hbm>>
          tpu.enqueue_dma source(%dma_start3A_212 : memref<80xi32, #tpu.memory_space<hbm>>) target(%arg25 : memref<80xi32, #tpu.memory_space<vmem>>) target_semaphore(%arg46 : memref<!tpu.dma_semaphore, #tpu.memory_space<semaphore_mem>>)
        } else {
        }
        %add3A_197 = arith.constant 4 : i32
        %add3A_198 = arith.addi %add3A_181, %add3A_197 : i32
        %lt3A_199 = arith.constant 125 : i32
        %lt3A_200 = arith.cmpi slt, %add3A_198, %lt3A_199 : i32
        %convert_element_type3A_201 = arith.extui %lt3A_200 : i1 to i32
        %cond3A_202 = arith.constant 0 : i32
        %cond3A_203 = arith.cmpi ne, %convert_element_type3A_201, %cond3A_202 : i32
        scf.if %cond3A_203 {
          %add3A_204 = arith.constant 4 : i32
          %add3A_205 = arith.addi %add3A_181, %add3A_204 : i32
          %mul3A_206 = arith.constant 80 : i32
          %mul3A_207 = arith.muli %add3A_205, %mul3A_206 : i32
          %add3A_208 = arith.addi %mul3A_2, %mul3A_207 : i32
          %dma_wait3A_209 = tpu.memref_slice %arg3[%add3A_208] : memref<320000xi32, #tpu.memory_space<hbm>> -> memref<80xi32, #tpu.memory_space<hbm>>
          %dma_wait3A_210 = tpu.memref_slice %arg3[%add3A_208] : memref<320000xi32, #tpu.memory_space<hbm>> -> memref<80xi32, #tpu.memory_space<hbm>>
          tpu.wait_dma2 semaphore(%arg34 : memref<!tpu.dma_semaphore, #tpu.memory_space<semaphore_mem>>) src(%dma_wait3A_210 : memref<80xi32, #tpu.memory_space<hbm>>) dst(%arg13 : memref<80xi32, #tpu.memory_space<vmem>>)
          %dma_wait3A_211 = tpu.memref_slice %arg4[%add3A_208] : memref<320000xi32, #tpu.memory_space<hbm>> -> memref<80xi32, #tpu.memory_space<hbm>>
          %dma_wait3A_212 = tpu.memref_slice %arg4[%add3A_208] : memref<320000xi32, #tpu.memory_space<hbm>> -> memref<80xi32, #tpu.memory_space<hbm>>
          tpu.wait_dma2 semaphore(%arg42 : memref<!tpu.dma_semaphore, #tpu.memory_space<semaphore_mem>>) src(%dma_wait3A_212 : memref<80xi32, #tpu.memory_space<hbm>>) dst(%arg21 : memref<80xi32, #tpu.memory_space<vmem>>)
          %dma_start3A_213 = arith.constant 0 : i32
          %dma_start3A_214 = arith.constant 0 : i32
          %dma_start3A_215 = tpu.memref_slice %arg2[%dma_start3A_213, %dma_start3A_214] : memref<10000x128xf32, #tpu.memory_space<hbm>> -> memref<10000x128xf32, #tpu.memory_space<hbm>>
          tpu.enqueue_indirect_dma source(%dma_start3A_215 : memref<10000x128xf32, #tpu.memory_space<hbm>>) target(%arg9 : memref<80x128xf32, #tpu.memory_space<vmem>>) offsets(%arg13 : memref<80xi32, #tpu.memory_space<vmem>>) semaphore(%arg30 : memref<!tpu.dma_semaphore, #tpu.memory_space<semaphore_mem>>)
        } else {
        }
      } else {
      }
    }
    %scan3A_107 = arith.constant 16 : i32
    %barrier3A_108 = arith.constant 0 : index
    tpu.barrier barrier_id(%barrier3A_108)
    %mul3A_109 = arith.constant 624 : i32
    %mul3A_110 = arith.muli %arg1, %mul3A_109 : i32
    %mul3A_111 = arith.constant 624 : i32
    %mul3A_112 = arith.muli %arg1, %mul3A_111 : i32
    "tpu.region"() ({
      %run_scoped3A = tpu.sem_alloc : memref<!tpu.dma_semaphore, #tpu.memory_space<semaphore_mem>>
      %dma_start3A_115 = arith.constant 0 : i32
      %dma_start3A_116 = tpu.memref_slice %arg5[%arg0, %mul3A_112, %dma_start3A_115] : memref<2x10000x128xf32, #tpu.memory_space<hbm>> -> memref<1x624x128xf32, #tpu.memory_space<hbm>>
      %dma_start3A_117 = tpu.memref_squeeze %dma_start3A_116 : memref<1x624x128xf32, #tpu.memory_space<hbm>> -> memref<624x128xf32, #tpu.memory_space<hbm>>
      %dma_start3A_118 = arith.constant 0 : i32
      %dma_start3A_119 = tpu.memref_slice %arg26[%mul3A_110, %dma_start3A_118] : memref<10240x128xf32, #tpu.memory_space<vmem_shared>> -> memref<624x128xf32, #tpu.memory_space<vmem_shared>>
      tpu.enqueue_dma source(%dma_start3A_119 : memref<624x128xf32, #tpu.memory_space<vmem_shared>>) target(%dma_start3A_117 : memref<624x128xf32, #tpu.memory_space<hbm>>) target_semaphore(%run_scoped3A : memref<!tpu.dma_semaphore, #tpu.memory_space<semaphore_mem>>)
      %dma_wait3A_120 = arith.constant 0 : i32
      %dma_wait3A_121 = tpu.memref_slice %arg5[%arg0, %mul3A_112, %dma_wait3A_120] : memref<2x10000x128xf32, #tpu.memory_space<hbm>> -> memref<1x624x128xf32, #tpu.memory_space<hbm>>
      %dma_wait3A_122 = tpu.memref_squeeze %dma_wait3A_121 : memref<1x624x128xf32, #tpu.memory_space<hbm>> -> memref<624x128xf32, #tpu.memory_space<hbm>>
      %dma_wait3A_123 = arith.constant 0 : i32
      %dma_wait3A_124 = tpu.memref_slice %arg26[%mul3A_110, %dma_wait3A_123] : memref<10240x128xf32, #tpu.memory_space<vmem_shared>> -> memref<624x128xf32, #tpu.memory_space<vmem_shared>>
      tpu.wait_dma2 semaphore(%run_scoped3A : memref<!tpu.dma_semaphore, #tpu.memory_space<semaphore_mem>>) src(%dma_wait3A_124 : memref<624x128xf32, #tpu.memory_space<vmem_shared>>) dst(%dma_wait3A_122 : memref<624x128xf32, #tpu.memory_space<hbm>>)
      tpu.yield
    }) : () -> ()
    %eq3A = arith.constant 15 : i32
    %eq3A_113 = arith.cmpi eq, %arg1, %eq3A : i32
    %convert_element_type3A = arith.extui %eq3A_113 : i1 to i32
    %cond3A = arith.constant 0 : i32
    %cond3A_114 = arith.cmpi ne, %convert_element_type3A, %cond3A : i32
    scf.if %cond3A_114 {
      "tpu.region"() ({
        %run_scoped3A = tpu.sem_alloc : memref<!tpu.dma_semaphore, #tpu.memory_space<semaphore_mem>>
        %dma_start3A_115 = arith.constant 9984 : i32
        %dma_start3A_116 = arith.constant 0 : i32
        %dma_start3A_117 = tpu.memref_slice %arg5[%arg0, %dma_start3A_115, %dma_start3A_116] : memref<2x10000x128xf32, #tpu.memory_space<hbm>> -> memref<1x16x128xf32, #tpu.memory_space<hbm>>
        %dma_start3A_118 = tpu.memref_squeeze %dma_start3A_117 : memref<1x16x128xf32, #tpu.memory_space<hbm>> -> memref<16x128xf32, #tpu.memory_space<hbm>>
        %dma_start3A_119 = arith.constant 9984 : i32
        %dma_start3A_120 = arith.constant 0 : i32
        %dma_start3A_121 = tpu.memref_slice %arg26[%dma_start3A_119, %dma_start3A_120] : memref<10240x128xf32, #tpu.memory_space<vmem_shared>> -> memref<16x128xf32, #tpu.memory_space<vmem_shared>>
        tpu.enqueue_dma source(%dma_start3A_121 : memref<16x128xf32, #tpu.memory_space<vmem_shared>>) target(%dma_start3A_118 : memref<16x128xf32, #tpu.memory_space<hbm>>) target_semaphore(%run_scoped3A : memref<!tpu.dma_semaphore, #tpu.memory_space<semaphore_mem>>)
        %dma_wait3A_122 = arith.constant 9984 : i32
        %dma_wait3A_123 = arith.constant 0 : i32
        %dma_wait3A_124 = tpu.memref_slice %arg5[%arg0, %dma_wait3A_122, %dma_wait3A_123] : memref<2x10000x128xf32, #tpu.memory_space<hbm>> -> memref<1x16x128xf32, #tpu.memory_space<hbm>>
        %dma_wait3A_125 = tpu.memref_squeeze %dma_wait3A_124 : memref<1x16x128xf32, #tpu.memory_space<hbm>> -> memref<16x128xf32, #tpu.memory_space<hbm>>
        %dma_wait3A_126 = arith.constant 9984 : i32
        %dma_wait3A_127 = arith.constant 0 : i32
        %dma_wait3A_128 = tpu.memref_slice %arg26[%dma_wait3A_126, %dma_wait3A_127] : memref<10240x128xf32, #tpu.memory_space<vmem_shared>> -> memref<16x128xf32, #tpu.memory_space<vmem_shared>>
        tpu.wait_dma2 semaphore(%run_scoped3A : memref<!tpu.dma_semaphore, #tpu.memory_space<semaphore_mem>>) src(%dma_wait3A_128 : memref<16x128xf32, #tpu.memory_space<vmem_shared>>) dst(%dma_wait3A_125 : memref<16x128xf32, #tpu.memory_space<hbm>>)
        tpu.yield
      }) : () -> ()
    } else {
    }
    return
  }
}

module attributes {stable_mosaic.version = 14 : i64} {
  func.func @_post_body(%arg0: i32, %arg1: memref<2x5000x128xf32, #tpu.memory_space<vmem>>, %arg2: memref<5000x128xf32, #tpu.memory_space<vmem>>, %arg3: memref<128x128xf32, #tpu.memory_space<vmem>>, %arg4: memref<5000x128xf32, #tpu.memory_space<vmem>>) attributes {dimension_semantics = [#tpu.dimension_semantics<arbitrary>], iteration_bounds = array<i64: 2>, scalar_prefetch = 0 : i64, scratch_operands = 0 : i64, tpu.core_type = #tpu.core_type<tc>, window_params = [{transform_indices = @transform_0, window_bounds = array<i64: 2, 5000, 128>}, {transform_indices = @transform_1, window_bounds = array<i64: 5000, 128>}, {pipeline_mode = #tpu.pipeline_mode<synchronous>, transform_indices = @transform_2, window_bounds = array<i64: 128, 128>}, {transform_indices = @transform_3, window_bounds = array<i64: 5000, 128>}]} {
    %get3A = arith.constant 0 : index
    %get3A_0 = arith.constant 0 : index
    %get3A_1 = arith.constant 0 : index
    %get3A_2 = vector.load %arg1[%get3A, %get3A_0, %get3A_1] : memref<2x5000x128xf32, #tpu.memory_space<vmem>>, vector<1x5000x128xf32>
    %get3A_3 = vector.shape_cast %get3A_2 : vector<1x5000x128xf32> to vector<5000x128xf32>
    %get3A_4 = arith.constant 1 : index
    %get3A_5 = arith.constant 0 : index
    %get3A_6 = arith.constant 0 : index
    %get3A_7 = vector.load %arg1[%get3A_4, %get3A_5, %get3A_6] : memref<2x5000x128xf32, #tpu.memory_space<vmem>>, vector<1x5000x128xf32>
    %get3A_8 = vector.shape_cast %get3A_7 : vector<1x5000x128xf32> to vector<5000x128xf32>
    %add3A = arith.addf %get3A_3, %get3A_8 : vector<5000x128xf32>
    %get3A_9 = arith.constant 0 : index
    %get3A_10 = arith.constant 0 : index
    %get3A_11 = vector.load %arg3[%get3A_9, %get3A_10] : memref<128x128xf32, #tpu.memory_space<vmem>>, vector<128x128xf32>
    %dot_general3A = arith.constant dense<0.000000e+00> : vector<5000x128xf32>
    %dot_general3A_12 = tpu.matmul %add3A, %get3A_11, %dot_general3A {dimension_numbers = #tpu.dot_dimension_numbers<[1], [0], [0], [1], [0, 0, 1, 1], [], []>, transpose_lhs_hint = false} : vector<5000x128xf32>, vector<128x128xf32>, vector<5000x128xf32> -> vector<5000x128xf32>
    %get3A_13 = arith.constant 0 : index
    %get3A_14 = arith.constant 0 : index
    %get3A_15 = vector.load %arg2[%get3A_13, %get3A_14] : memref<5000x128xf32, #tpu.memory_space<vmem>>, vector<5000x128xf32>
    %add3A_16 = arith.addf %dot_general3A_12, %get3A_15 : vector<5000x128xf32>
    %max3A = arith.constant 0.000000e+00 : f32
    %max3A_17 = vector.broadcast %max3A : f32 to vector<5000x128xf32>
    %max3A_18 = arith.maximumf %add3A_16, %max3A_17 : vector<5000x128xf32>
    %swap3A = arith.constant 0 : index
    %swap3A_19 = arith.constant 0 : index
    %swap3A_20 = vector.load %arg4[%swap3A, %swap3A_19] : memref<5000x128xf32, #tpu.memory_space<vmem>>, vector<5000x128xf32>
    tpu.vector_store %arg4[%swap3A, %swap3A_19], %max3A_18 {strides = array<i32>} : memref<5000x128xf32, #tpu.memory_space<vmem>>, vector<5000x128xf32>,
    return
  }
  func.func @transform_0(%arg0: i32) -> (i32, i32, i32) {
    %c0_i32 = arith.constant 0 : i32
    %c0_i32_0 = arith.constant 0 : i32
    %c0_i32_1 = arith.constant 0 : i32
    return %c0_i32, %arg0, %c0_i32_0 : i32, i32, i32
  }
  func.func @transform_1(%arg0: i32) -> (i32, i32) {
    %c0_i32 = arith.constant 0 : i32
    %c0_i32_0 = arith.constant 0 : i32
    return %arg0, %c0_i32 : i32, i32
  }
  func.func @transform_2(%arg0: i32) -> (i32, i32) {
    %c0_i32 = arith.constant 0 : i32
    %c0_i32_0 = arith.constant 0 : i32
    %c0_i32_1 = arith.constant 0 : i32
    return %c0_i32, %c0_i32_0 : i32, i32
  }
  func.func @transform_3(%arg0: i32) -> (i32, i32) {
    %c0_i32 = arith.constant 0 : i32
    %c0_i32_0 = arith.constant 0 : i32
    return %arg0, %c0_i32 : i32, i32
  }
}

module attributes {stable_mosaic.version = 14 : i64} {
  func.func @_post_body(%arg0: i32, %arg1: memref<2x5000x128xf32, #tpu.memory_space<vmem>>, %arg2: memref<5000x128xf32, #tpu.memory_space<vmem>>, %arg3: memref<128x128xf32, #tpu.memory_space<vmem>>, %arg4: memref<5000x128xf32, #tpu.memory_space<vmem>>) attributes {dimension_semantics = [#tpu.dimension_semantics<arbitrary>], iteration_bounds = array<i64: 2>, scalar_prefetch = 0 : i64, scratch_operands = 0 : i64, tpu.core_type = #tpu.core_type<tc>, window_params = [{transform_indices = @transform_0, window_bounds = array<i64: 2, 5000, 128>}, {transform_indices = @transform_1, window_bounds = array<i64: 5000, 128>}, {pipeline_mode = #tpu.pipeline_mode<synchronous>, transform_indices = @transform_2, window_bounds = array<i64: 128, 128>}, {transform_indices = @transform_3, window_bounds = array<i64: 5000, 128>}]} {
    %get3A = arith.constant 0 : index
    %get3A_0 = arith.constant 0 : index
    %get3A_1 = arith.constant 0 : index
    %get3A_2 = vector.load %arg1[%get3A, %get3A_0, %get3A_1] : memref<2x5000x128xf32, #tpu.memory_space<vmem>>, vector<1x5000x128xf32>
    %get3A_3 = vector.shape_cast %get3A_2 : vector<1x5000x128xf32> to vector<5000x128xf32>
    %get3A_4 = arith.constant 1 : index
    %get3A_5 = arith.constant 0 : index
    %get3A_6 = arith.constant 0 : index
    %get3A_7 = vector.load %arg1[%get3A_4, %get3A_5, %get3A_6] : memref<2x5000x128xf32, #tpu.memory_space<vmem>>, vector<1x5000x128xf32>
    %get3A_8 = vector.shape_cast %get3A_7 : vector<1x5000x128xf32> to vector<5000x128xf32>
    %add3A = arith.addf %get3A_3, %get3A_8 : vector<5000x128xf32>
    %get3A_9 = arith.constant 0 : index
    %get3A_10 = arith.constant 0 : index
    %get3A_11 = vector.load %arg3[%get3A_9, %get3A_10] : memref<128x128xf32, #tpu.memory_space<vmem>>, vector<128x128xf32>
    %dot_general3A = arith.constant dense<0.000000e+00> : vector<5000x128xf32>
    %dot_general3A_12 = tpu.matmul %add3A, %get3A_11, %dot_general3A {dimension_numbers = #tpu.dot_dimension_numbers<[1], [0], [0], [1], [0, 0, 1, 1], [], []>, transpose_lhs_hint = false} : vector<5000x128xf32>, vector<128x128xf32>, vector<5000x128xf32> -> vector<5000x128xf32>
    %get3A_13 = arith.constant 0 : index
    %get3A_14 = arith.constant 0 : index
    %get3A_15 = vector.load %arg2[%get3A_13, %get3A_14] : memref<5000x128xf32, #tpu.memory_space<vmem>>, vector<5000x128xf32>
    %add3A_16 = arith.addf %dot_general3A_12, %get3A_15 : vector<5000x128xf32>
    %swap3A = arith.constant 0 : index
    %swap3A_17 = arith.constant 0 : index
    %swap3A_18 = vector.load %arg4[%swap3A, %swap3A_17] : memref<5000x128xf32, #tpu.memory_space<vmem>>, vector<5000x128xf32>
    tpu.vector_store %arg4[%swap3A, %swap3A_17], %add3A_16 {strides = array<i32>} : memref<5000x128xf32, #tpu.memory_space<vmem>>, vector<5000x128xf32>,
    return
  }
  func.func @transform_0(%arg0: i32) -> (i32, i32, i32) {
    %c0_i32 = arith.constant 0 : i32
    %c0_i32_0 = arith.constant 0 : i32
    %c0_i32_1 = arith.constant 0 : i32
    return %c0_i32, %arg0, %c0_i32_0 : i32, i32, i32
  }
  func.func @transform_1(%arg0: i32) -> (i32, i32) {
    %c0_i32 = arith.constant 0 : i32
    %c0_i32_0 = arith.constant 0 : i32
    return %arg0, %c0_i32 : i32, i32
  }
  func.func @transform_2(%arg0: i32) -> (i32, i32) {
    %c0_i32 = arith.constant 0 : i32
    %c0_i32_0 = arith.constant 0 : i32
    %c0_i32_1 = arith.constant 0 : i32
    return %c0_i32, %c0_i32_0 : i32, i32
  }
  func.func @transform_3(%arg0: i32) -> (i32, i32) {
    %c0_i32 = arith.constant 0 : i32
    %c0_i32_0 = arith.constant 0 : i32
    return %arg0, %c0_i32 : i32, i32
  }
}

module attributes {stable_mosaic.version = 14 : i64} {
  func.func @_root_body(%arg0: i32, %arg1: memref<1000x128xf32, #tpu.memory_space<vmem>>, %arg2: memref<128x128xf32, #tpu.memory_space<vmem>>, %arg3: memref<1x128xf32, #tpu.memory_space<vmem>>, %arg4: memref<1000x128xf32, #tpu.memory_space<vmem>>) attributes {dimension_semantics = [#tpu.dimension_semantics<arbitrary>], iteration_bounds = array<i64: 10>, scalar_prefetch = 0 : i64, scratch_operands = 0 : i64, tpu.core_type = #tpu.core_type<tc>, window_params = [{transform_indices = @transform_0, window_bounds = array<i64: 1000, 128>}, {pipeline_mode = #tpu.pipeline_mode<synchronous>, transform_indices = @transform_1, window_bounds = array<i64: 128, 128>}, {pipeline_mode = #tpu.pipeline_mode<synchronous>, transform_indices = @transform_2, window_bounds = array<i64: 1, 128>}, {transform_indices = @transform_3, window_bounds = array<i64: 1000, 128>}]} {
    %get3A = arith.constant 0 : index
    %get3A_0 = arith.constant 0 : index
    %get3A_1 = vector.load %arg1[%get3A, %get3A_0] : memref<1000x128xf32, #tpu.memory_space<vmem>>, vector<1000x128xf32>
    %get3A_2 = arith.constant 0 : index
    %get3A_3 = arith.constant 0 : index
    %get3A_4 = vector.load %arg2[%get3A_2, %get3A_3] : memref<128x128xf32, #tpu.memory_space<vmem>>, vector<128x128xf32>
    %dot_general3A = arith.constant dense<0.000000e+00> : vector<1000x128xf32>
    %dot_general3A_5 = tpu.matmul %get3A_1, %get3A_4, %dot_general3A {dimension_numbers = #tpu.dot_dimension_numbers<[1], [0], [0], [1], [0, 0, 1, 1], [], []>, transpose_lhs_hint = false} : vector<1000x128xf32>, vector<128x128xf32>, vector<1000x128xf32> -> vector<1000x128xf32>
    %get3A_6 = arith.constant 0 : index
    %get3A_7 = arith.constant 0 : index
    %get3A_8 = vector.load %arg3[%get3A_6, %get3A_7] : memref<1x128xf32, #tpu.memory_space<vmem>>, vector<1x128xf32>
    %add3A = vector.broadcast %get3A_8 : vector<1x128xf32> to vector<1000x128xf32>
    %add3A_9 = arith.addf %dot_general3A_5, %add3A : vector<1000x128xf32>
    %swap3A = arith.constant 0 : index
    %swap3A_10 = arith.constant 0 : index
    %swap3A_11 = vector.load %arg4[%swap3A, %swap3A_10] : memref<1000x128xf32, #tpu.memory_space<vmem>>, vector<1000x128xf32>
    tpu.vector_store %arg4[%swap3A, %swap3A_10], %add3A_9 {strides = array<i32>} : memref<1000x128xf32, #tpu.memory_space<vmem>>, vector<1000x128xf32>,
    return
  }
  func.func @transform_0(%arg0: i32) -> (i32, i32) {
    %c0_i32 = arith.constant 0 : i32
    %c0_i32_0 = arith.constant 0 : i32
    return %arg0, %c0_i32 : i32, i32
  }
  func.func @transform_1(%arg0: i32) -> (i32, i32) {
    %c0_i32 = arith.constant 0 : i32
    %c0_i32_0 = arith.constant 0 : i32
    %c0_i32_1 = arith.constant 0 : i32
    return %c0_i32, %c0_i32_0 : i32, i32
  }
  func.func @transform_2(%arg0: i32) -> (i32, i32) {
    %c0_i32 = arith.constant 0 : i32
    %c0_i32_0 = arith.constant 0 : i32
    %c0_i32_1 = arith.constant 0 : i32
    return %c0_i32, %c0_i32_0 : i32, i32
  }
  func.func @transform_3(%arg0: i32) -> (i32, i32) {
    %c0_i32 = arith.constant 0 : i32
    %c0_i32_0 = arith.constant 0 : i32
    return %arg0, %c0_i32 : i32, i32
  }
}

</mosaic_0001>

<sc_bundles>
// kernel: kernel.11.cloned.1.call-start
scs
__scs_entry_jumppad:
0x0: {  	(pc) =	sbr.rel $0x88, $3  }
0x1: {  	(tag) =	ssettag $0x0;
	lr =	simm.s32 $0x1  }
0x2: {  	[smem:$0x3F99] =	sst lr;
	_ =	strace $0xD0000000  }
0x3: {  	_ = 	snop  }
0x4: {  	_ = 	snop  }
0x5: {  	_ = 	snop  }
0x6: {  	_ = 	snop  }
0x7: {  	_ = 	snop  }
__scs_overlays_trampoline_lowered:
0x8: {  	[smem:$0x3FA8] =	sst s0  }
0x9: {  	[smem:$0x3FA9] =	sst s1  }
0xa: {  	[smem:$0x3FAA] =	sst s2  }
0xb: {  	[smem:$0x3FAB] =	sst s3  }
0xc: {  	[smem:$0x3FAC] =	sst s4  }
0xd: {  	[smem:$0x3FAD] =	sst s5  }
0xe: {  	[smem:$0x3FAE] =	sst s6  }
0xf: {  	[smem:$0x3FAF] =	sst s7  }
0x10: {  	[smem:$0x3FB0] =	sst s8  }
0x11: {  	[smem:$0x3FB1] =	sst s9;
	s0 =	simm.s32 @!p0 $0x0  }
0x12: {  	s1 =	sld [smem:$0x3F97];
	s0 =	simm.s32 @p0 $0x1  }
0x13: {  	[smem:$0x3FB2] =	sst s0;
	s0 =	simm.s32 @!p1 $0x0  }
0x14: {  	s2 =	sld [smem:$0x3F96];
	s0 =	simm.s32 @p1 $0x1  }
0x15: {  	[smem:$0x3FB3] =	sst s0;
	s0 =	simm.s32 @!p2 $0x0  }
0x16: {  	s3 =	sld [smem:$0x3FDB];
	s0 =	simm.s32 @p2 $0x1  }
0x17: {  	s4 =	simm.s32 $0x1BF5;
	[smem:$0x3FB5] =	sst s0  }
0x18: {  	s0 =	sld [smem:$0x3F98];
	_ =	swait.ge [sflag:s4], $0x0  }
0x19: {  	s7 =	sld [smem:$0x3F99]  }
0x1a: {  	s8 =	sadd.s32 $0xFFFFE003, lr  }
0x1b: {  	s9 =	sadd.s32 $0xFFFFFEF7, lr;
	s5 =	simm.s32 $0xFFFFFFFF;
	p2 =	slt.u32 s8, $0xFFFFF086  }
0x1c: {  	p1 =	slt.u32 s9, $0xF7A;
	s5 =	simm.s32 @!p2 $0x0  }
0x1d: {  	s5 =	simm.s32 @p1 $0x1;
	p0 =	seq.s32 s7, s2  }
0x1e: {  	s7 =	smul.u32 @!p0 $0xF7A, s2;
	p2 =	seq.s32 @!p0 s5, $0x0  }
0x1f: {  	s9 =	smul.u32 $0xF7A, s1;
	s8 =	simm.s32 @!p0 $0x1BF5;
	p2 =	por !p2, p0  }
0x20: {  	[sflag:s8] =	ssyncset.s32 @!p0 $0xFFFFF086;
	s6 =	sadd.s32 @!p0 s3, s7;
	s7 =	simm.s32 @!p0 $0x108  }
0x21: {  	s3 =	sadd.s32 s3, s9;
	s6 =	sadd.s32 @!p0 $0x88, s6;
	s7 =	simm.s32 @p2 $0x1082  }
0x22: {  	[simem:s7], [sflag:s8] =	dma.local @!p0 [hbm:s6], $0xF7A  }
0x23: {  	s9 =	sor.u32 $0xD0000000, s2;
	s6 =	simm.s32 $0x108;
	_ =	swait.ge @!p0 [sflag:s8], $0x0  }
0x24: {  	s3 =	sadd.s32 $0x88, s3;
	s6 =	simm.s32 @!p1 $0x1082;
	[sflag:s4] =	ssyncset.s32 $0xFFFFF086  }
0x25: {  	[simem:s6], [sflag:s4] =	dma.local [hbm:s3], $0xF7A  }
0x26: {  	[smem:$0x3F99] =	sst s1;
	(tag) =	ssettag s2;
	_ =	strace s9  }
0x27: {  	s1 =	sld [smem:$0x3FA9]  }
0x28: {  	s2 =	sld [smem:$0x3FAA]  }
0x29: {  	s4 =	sld [smem:$0x3FAC]  }
0x2a: {  	p0 =	seq.s32 s5, $0x0;
	s5 =	sld [smem:$0x3FAD]  }
0x2b: {  	s6 =	sld [smem:$0x3FAE]  }
0x2c: {  	s7 =	sld [smem:$0x3FAF]  }
0x2d: {  	s3 =	simm.s32 $0x108;
	s8 =	sld [smem:$0x3FB0]  }
0x2e: {  	s3 =	simm.s32 @!p0 $0x1082;
	s9 =	sld [smem:$0x3FB1]  }
0x2f: {  	lr =	sadd.s32 s0, s3;
	s0 =	sld [smem:$0x3FA8]  }
0x30: {  	s3 =	sld [smem:$0x3FAB]  }
0x31: {  	[smem:$0x3FB4] =	sst s10  }
0x32: {  	s10 =	sld [smem:$0x3FB2];
	_ =	sdelay $0x3  }
0x33: {  	p0 =	seq.s32 s10, $0x1;
	s10 =	sld [smem:$0x3FB4];
	_ =	sdelay $0x3  }
0x34: {  	[smem:$0x3FB4] =	sst s10  }
0x35: {  	s10 =	sld [smem:$0x3FB3];
	_ =	sdelay $0x3  }
0x36: {  	p1 =	seq.s32 s10, $0x1;
	s10 =	sld [smem:$0x3FB4];
	_ =	sdelay $0x3  }
0x37: {  	[smem:$0x3FB4] =	sst s10  }
0x38: {  	s10 =	sld [smem:$0x3FB5]  }
0x39: {  	_ = 	snop;
	(pc) =	sbr.ind lr, $3  }
0x3a: {  	_ = 	snop  }
0x3b: {  	_ = 	snop  }
0x3c: {  	p2 =	seq.s32 s10, $0x1;
	s10 =	sld [smem:$0x3FB4]  }
0x3d: {  	_ =	shalt  }
0x3e: {  	_ =	shalt  }
0x3f: {  	_ =	shalt  }
0x40: {  	_ =	shalt  }
0x41: {  	_ =	shalt  }
0x42: {  	_ =	shalt  }
0x43: {  	_ =	shalt  }
0x44: {  	_ =	shalt  }
0x45: {  	_ =	shalt  }
0x46: {  	_ =	shalt  }
0x47: {  	_ =	shalt  }
0x48: {  	_ =	shalt  }
0x49: {  	_ =	shalt  }
0x4a: {  	_ =	shalt  }
0x4b: {  	_ =	shalt  }
0x4c: {  	_ =	shalt  }
0x4d: {  	_ =	shalt  }
0x4e: {  	_ =	shalt  }
0x4f: {  	_ =	shalt  }
0x50: {  	_ =	shalt  }
0x51: {  	_ =	shalt  }
0x52: {  	_ =	shalt  }
0x53: {  	_ =	shalt  }
0x54: {  	_ =	shalt  }
0x55: {  	_ =	shalt  }
0x56: {  	_ =	shalt  }
0x57: {  	_ =	shalt  }
0x58: {  	_ =	shalt  }
0x59: {  	_ =	shalt  }
0x5a: {  	_ =	shalt  }
0x5b: {  	_ =	shalt  }
0x5c: {  	_ =	shalt  }
0x5d: {  	_ =	shalt  }
0x5e: {  	_ =	shalt  }
0x5f: {  	_ =	shalt  }
0x60: {  	_ =	shalt  }
0x61: {  	_ =	shalt  }
0x62: {  	_ =	shalt  }
0x63: {  	_ =	shalt  }
0x64: {  	_ =	shalt  }
0x65: {  	_ =	shalt  }
0x66: {  	_ =	shalt  }
0x67: {  	_ =	shalt  }
0x68: {  	_ =	shalt  }
0x69: {  	_ =	shalt  }
0x6a: {  	_ =	shalt  }
0x6b: {  	_ =	shalt  }
0x6c: {  	_ =	shalt  }
0x6d: {  	_ =	shalt  }
0x6e: {  	_ =	shalt  }
0x6f: {  	_ =	shalt  }
0x70: {  	_ =	shalt  }
0x71: {  	_ =	shalt  }
0x72: {  	_ =	shalt  }
0x73: {  	_ =	shalt  }
0x74: {  	_ =	shalt  }
0x75: {  	_ =	shalt  }
0x76: {  	_ =	shalt  }
0x77: {  	_ =	shalt  }
0x78: {  	_ =	shalt  }
0x79: {  	_ =	shalt  }
0x7a: {  	_ =	shalt  }
0x7b: {  	_ =	shalt  }
0x7c: {  	_ =	shalt  }
0x7d: {  	_ =	shalt  }
0x7e: {  	_ =	shalt  }
0x7f: {  	_ =	shalt  }
0x80: {  	_ =	shalt  }
0x81: {  	_ =	shalt  }
0x82: {  	_ =	shalt  }
0x83: {  	_ =	shalt  }
0x84: {  	_ =	shalt  }
0x85: {  	_ =	shalt  }
0x86: {  	_ =	shalt  }
0x87: {  	_ =	shalt  }
.Lfunc_end0:
.L_simem_size_0:
called_computation.1_lowered:
.L_overlay_start_0:
0x88: {  	s2 =	sld [smem:$0x3FD9]  }
0x89: {  	s3 =	sld [smem:$0x3FFE];
	_ =	sdelay $0x1  }
0x8a: {  	s1 =	srdreg.scid  }
0x8b: {  	s0 =	sand.u32 $0x1, s1  }
0x8c: {  	s17 =	sshll.u32 s0, $0xA;
	s2 =	sadd.s32 s3, s2  }
0x8d: {  	s2 =	sadd.s32 s2, s17  }
0x8e: {  	[smem:$0x3FC0] =	sst s2  }
0x8f: {  	_ = 	snop  }
0x90: {  	s2 =	sld [smem:$0x3FD0];
	(tm) =	ssettm $0x1  }
0x91: {  	s18 =	sld [smem:$0x3FFB];
	_ =	sdelay $0x3  }
0x92: {  	_ =	strace s18  }
0x93: {  	s3 =	sld [smem:$0x3FFC];
	_ =	sdelay $0x3  }
0x94: {  	_ =	strace s3  }
0x95: {  	s3 =	sld [smem:$0x3FFD];
	_ =	sdelay $0x3  }
0x96: {  	_ =	strace s3  }
0x97: {  	_ =	strace $0x8FFFFFFF  }
0x98: {  	s19 =	sld [smem:$0x3FDB];
	_ =	sdelay $0x1  }
0x99: {  	s4 =	simm.s32 $_scs_section_size  }
0x9a: {  	s5 =	simm.s32 $_size__tile_overlayer_lowered;
	s6 =	simm.s32 $_tile_overlayer_lowered  }
0x9b: {  	s22 =	simm.s32 $0x1BFF;
	s21 =	sshll.u32 s6, $0x1;
	s3 =	sadd.s32 s4, s19  }
0x9c: {  	s7 =	simm.s32 $0x0;
	s20 =	sshll.u32 s5, $0x1;
	s5 =	sadd.s32 s21, s3  }
0x9d: {  	[timem:s7], [sflag:s22] =	dma.local [hbm:s5], s20  }
0x9e: {  	_ =	swait.ge [sflag:s22], s20  }
0x9f: {  	s4 =	ssub.s32 $0x0, s20;
	[sflag:s22] =	ssyncset.done $0x0  }
0xa0: {  	[sflag:s22] =	ssyncadd.s32 s4;
	_ =	sdelay $0x1  }
0xa1: {  	s23 =	simm.s32 $0x1B8B  }
0xa2: {  	_ =	swait.ge [sflag:s23], $0x1  }
0xa3: {  	[sflag:s23] =	ssyncset.done $0x0  }
0xa4: {  	s25 =	simm.s32 $0x1B8E;
	s24 =	sld [smem:$0x3FFE];
	[sflag:s23] =	ssyncadd.s32 $0xFFFFFFFF  }
0xa5: {  	s26 =	simm.s32 $execute0_lowered;
	[smem:$0x3FD2] =	sst s25  }
0xa6: {  	s5 =	sshll.u32 s26, $0x1;
	_ =	strace $0x80000049;
	[dreg:$0x1] =	wrdreg $0xFFFFFFFF  }
0xa7: {  	s28 =	simm.s32 $_size_execute0_lowered;
	s3 =	sadd.s32 s3, s5;
	[dreg:$0x0] =	wrdreg $0x0  }
0xa8: {  	s5 =	sshll.u32 s28, $0x1;
	[dreg:$0x2] =	wrdreg s3  }
0xa9: {  	[dreg:$0x3] =	wrdreg s5  }
0xaa: {  	[dreg:$0x4] =	wrdreg $0xC0  }
0xab: {  	_ =	task [dreg:s7], $0x5FFFF  }
0xac: {  	[dreg:$0x1] =	wrdreg $0xFFFFFFFF  }
0xad: {  	[dreg:$0x0] =	wrdreg $0x60  }
0xae: {  	[dreg:$0x2] =	wrdreg s2  }
0xaf: {  	[dreg:$0x3] =	wrdreg s24  }
0xb0: {  	[dreg:$0x4] =	wrdreg $0xA8000  }
0xb1: {  	[dreg:$0x5] =	wrdreg $0x9  }
0xb2: {  	_ =	task.clear_ibuf [dreg:s7], $0x6FFFF;
	_ =	strace $0x90000049  }
0xb3: {  	s29 =	simm.s32 $0x9;
	_ =	strace $0x8000004B  }
0xb4: {  	_ =	swait.ge [sflag:s29], $0x1  }
0xb5: {  	[sflag:s29] =	ssyncadd.s32 $0xFFFFFFFF  }
0xb6: {  	_ =	strace $0x9000004B  }
0xb7: {  	_ =	sfence  }
0xb8: {  	s30 =	sld [smem:$0x0];
	_ =	sdelay $0x2  }
0xb9: {  	s31 =	sshll.u32 s1, $0xD;
	s1 =	sshrl.u32 s1, $0x2  }
0xba: {  	s3 =	sand.u32 $0x4000, s31;
	s1 =	sadd.s32 s1, s30  }
0xbb: {  	s0 =	sor.u32 s3, s0;
	s1 =	sshll.u32 s1, $0x11  }
0xbc: {  	s0 =	sor.u32 s1, s0  }
0xbd: {  	s0 =	sadd.s32 $0x8F2B, s0  }
0xbe: {  	[sflag:s0] =	ssyncadd.remote.s32 $0x1  }
0xbf: {  	_ =	sfence.sel $0xFFFF  }
0xc0: {  	[dreg:$0x0] =	wrdreg $0xFFFFFFFF;
	(pc) =	sbr.abs _section_cstart, $3  }
0xc1: {  	[dreg:$0x1] =	wrdreg $0xFFFFFFFF  }
0xc2: {  	_ =	task.clear_ibuf [dreg:s7], $0x2FFFF;
	_ =	strace $0x9FFFFFFF  }
0xc3: {  	(tm) =	ssettm $0x7FFFFFFF  }
tec
execute0_lowered:
.L_overlay_start_1:
0x0: {  	(tag) =	ssettag $0x1  }
0x1: {  	s1 =	rddreg [dreg:$0x0]  }
0x2: {  	s0 =	rddreg [dreg:$0x1]  }
0x3: {  	s3 =	rddreg [dreg:$0x2]  }
0x4: {  	s2 =	srdreg.scid;
	s15 =	stileid.u32  }
0x5: {  	s4 =	simm.s32 $0x0;
	s30 =	simm.s32 $0x2800;
	s28 =	simm.s32 $0x2  }
0x6: {  	s29 =	simm.s32 $0x4;
	s2 =	sand.u32 $0x1, s2;
	s5 =	sshll.u32 s15, $0x1  }
0x7: {  	s31 =	simm.s32 $0xC;
	s21 =	smul.u32 $0x4E20, s15;
	s5 =	sor.u32 s2, s5  }
0x8: {  	[smem:$0x7FF] =	sst s4;
	s14 =	sadd.s32 $0xBA00, s0;
	s5 =	smul.u32 $0x2710, s5  }
0x9: {  	s13 =	sadd.s32 $0x1C00, s0;
	s0 =	sadd.s32 $0x15800, s0;
	s24 =	smul.u32 $0x4E000, s15  }
0xa: {  	_ =	strace $0x8000004A;
	s6 =	ssub.s32 $0x2, s2;
	s5 =	sshrl.u32 s5, $0x3  }
0xb: {  	s7 =	sshrl.u32 s6, $0x1;
	s25 =	sadd.s32 s14, s5;
	s26 =	sadd.s32 $0xA, s5  }
0xc: {  	s6 =	ssub.s32 s6, s7;
	[dreg:$0x4] =	wrdreg s25;
	s8 =	sadd.s32 s14, s26  }
0xd: {  	s9 =	sadd.s32 $0x14, s5;
	s7 =	sadd.s32 s13, s26;
	[dreg:$0x5] =	wrdreg s8  }
0xe: {  	s11 =	sadd.s32 $0x1E, s5;
	s10 =	sadd.s32 s14, s9;
	[dreg:$0x6] =	wrdreg s7  }
0xf: {  	s22 =	sadd.s32 $0x3C, s5;
	s12 =	sadd.s32 s14, s11;
	[dreg:$0x7] =	wrdreg s10  }
0x10: {  	p0 =	sne.s32 s15, $0xF;
	s23 =	sadd.s32 s14, s22;
	[dreg:$0x9] =	wrdreg s12  }
0x11: {  	s16 =	smul.u32 $0x138800, s2;
	s25 =	sadd.s32 s13, s22;
	[dreg:$0x10] =	wrdreg s23  }
0x12: {  	s2 =	smul.u32 $0x2710, s2;
	s26 =	sadd.s32 s13, s5;
	[dreg:$0x11] =	wrdreg s25  }
0x13: {  	s17 =	sadd.s32 $0x28, s5;
	s7 =	sadd.s32 s13, s9;
	[dreg:$0x12] =	wrdreg s26  }
0x14: {  	s2 =	sadd.s32 s2, s21;
	s8 =	sadd.s32 s13, s17;
	[dreg:$0x8] =	wrdreg s7  }
0x15: {  	s9 =	sadd.s32 $0x32, s5;
	s7 =	sadd.s32 s13, s11;
	[dreg:$0xc] =	wrdreg s8  }
0x16: {  	s10 =	smul.u32 $0x13800, s15;
	s11 =	sadd.s32 s14, s17;
	[dreg:$0xa] =	wrdreg s7  }
0x17: {  	s5 =	sadd.s32 $0x46, s5;
	s18 =	sadd.s32 s14, s9;
	[dreg:$0xb] =	wrdreg s11  }
0x18: {  	s26 =	sadd.s32 $0x370, s2;
	s19 =	sadd.s32 s13, s9;
	[dreg:$0xd] =	wrdreg s18  }
0x19: {  	s9 =	sadd.s32 s14, s5;
	s5 =	sadd.s32 s13, s5;
	[dreg:$0xe] =	wrdreg s19  }
0x1a: {  	s20 =	sadd.s32 s10, s16;
	s7 =	sshrl.u32 s16, $0x3;
	[dreg:$0x13] =	wrdreg s9  }
0x1b: {  	s10 =	smul.u32 $0x50000, s15;
	[dreg:$0x14] =	wrdreg s5;
	s11 =	smax.u32 s6, $0x1  }
0x1c: {  	s16 =	sadd.s32 $0x4B0, s2;
	s18 =	sadd.s32 $0x460, s2;
	s15 =	simm.s32 $0x11  }
0x1d: {  	s8 =	sshrl.u32 s20, $0x3;
	[dreg:$0x16] =	wrdreg s11;
	s17 =	sshrl.u32 s16, $0x3  }
0x1e: {  	s6 =	sshrl.u32 s18, $0x3;
	s20 =	sadd.s32 $0x410, s2;
	s11 =	sadd.s32 $0x320, s2  }
0x1f: {  	s8 =	sadd.s32 s0, s8;
	s0 =	sadd.s32 s0, s7;
	s7 =	sshrl.u32 s24, $0x2  }
0x20: {  	s12 =	sshrl.u32 s10, $0x2;
	s19 =	sadd.s32 s17, s13;
	[dreg:$0xf] =	wrdreg s8  }
0x21: {  	s21 =	sshrl.u32 s20, $0x3;
	s22 =	sadd.s32 s6, s13;
	[dreg:$0x18] =	wrdreg s19  }
0x22: {  	s6 =	sadd.s32 s6, s14;
	s24 =	sadd.s32 $0x3C0, s2;
	[dreg:$0x1a] =	wrdreg s22  }
0x23: {  	s10 =	sshrl.u32 s26, $0x3;
	s0 =	sadd.s32 $0x27000, s0;
	[dreg:$0x1b] =	wrdreg s6  }
0x24: {  	s16 =	sshrl.u32 s11, $0x3;
	s23 =	sadd.s32 s21, s13;
	[dreg:$0x15] =	wrdreg s0  }
0x25: {  	s11 =	smov.u32 s13;
	s6 =	sadd.s32 s10, s13;
	[dreg:$0x1c] =	wrdreg s23  }
0x26: {  	s8 =	sadd.s32 s12, s3;
	s18 =	sadd.s32 s16, s13;
	[smem:$0x7F1] =	sst s6  }
0x27: {  	s12 =	sadd.s32 $0x2D0, s2;
	s2 =	sadd.s32 $0x280, s2;
	[smem:$0x7F3] =	sst s18  }
0x28: {  	s5 =	sadd.s32 s7, s3;
	s25 =	sshrl.u32 s24, $0x3;
	[smem:$0x7F4] =	sst s2  }
0x29: {  	s7 =	simm.s32 $0x0;
	s0 =	sadd.s32 s17, s14;
	[dreg:$0x17] =	wrdreg s8  }
0x2a: {  	s9 =	sadd.s32 s25, s13;
	s17 =	sshrl.u32 s12, $0x3;
	[dreg:$0x19] =	wrdreg s0  }
0x2b: {  	s12 =	sadd.s32 s16, s14;
	s19 =	sshrl.u32 s5, $0x3;
	[dreg:$0x1e] =	wrdreg s9  }
0x2c: {  	s20 =	sadd.s32 $0x2800, s8;
	s22 =	sadd.s32 $0x7800, s8;
	[smem:$0x7F5] =	sst s19  }
0x2d: {  	s23 =	sadd.s32 $0xA000, s8;
	s24 =	sadd.s32 $0xC800, s8;
	[smem:$0x7F7] =	sst s20  }
0x2e: {  	s26 =	sadd.s32 $0x11800, s8;
	s18 =	simm.s32 $0x15;
	[smem:$0x7F9] =	sst s22  }
0x2f: {  	s2 =	simm.s32 $0x9;
	s0 =	sadd.s32 s21, s14;
	[smem:$0x7FA] =	sst s23  }
0x30: {  	s13 =	sadd.s32 s17, s13;
	s21 =	sadd.s32 $0x5000, s8;
	[smem:$0x7FB] =	sst s24  }
0x31: {  	[smem:$0x7FD] =	sst s26;
	s20 =	simm.s32 $0xA580;
	s22 =	simm.s32 $0xA600  }
0x32: {  	s24 =	simm.s32 $0x1;
	s23 =	simm.s32 $0x5;
	s19 =	simm.s32 $0x50  }
0x33: {  	s26 =	simm.s32 $0x7800;
	[dreg:$0x1d] =	wrdreg s0;
	s0 =	sadd.s32 s25, s14  }
.Ltmp0:
0x34: {  	[smem:$0x7F8] =	sst s21;
	s25 =	sadd.s32 $0xF000, s8;
	(pc) =	sbr.rel .LBB2_1-.Ltmp0, $4  }
0x35: {  	s21 =	simm.s32 $0xA200;
	[dreg:$0x1f] =	wrdreg s0;
	s0 =	sadd.s32 s10, s14  }
0x36: {  	s10 =	smov.u32 s14;
	[smem:$0x7F2] =	sst s0;
	s0 =	sadd.s32 $0x138000, s3  }
0x37: {  	s14 =	sadd.s32 s17, s14;
	[smem:$0x7FC] =	sst s25;
	s0 =	sshrl.u32 @!p0 s0, $0x3  }
0x38: {  	v0 =	vimm.f32 $0.0e+00;
	s17 =	simm.s32 $0xD;
	[smem:$0x7F6] =	sst s0;
	s0 =	simm.s32 $0x14  }
.LBB2_8:
0x39: {  	_ =	swait.ge [sflag:s24], $0x2800  }
0x3a: {  	[sflag:s24] =	ssyncset.done $0x0  }
0x3b: {  	[sflag:s24] =	ssyncadd.s32 $0xFFFFD800  }
0x3c: {  	[spmem:s3] =	stream.indirect.scatter.add.f32 [tilespmem:s4], [sflag:$0x15], $0x80, s22, s19, $0xb8;
	[tilespmem:$0x1E800] =	vst v63  }
0x3d: {  	_ =	swait.ge [sflag:s18], $0x2800  }
0x3e: {  	[sflag:s18] =	ssyncset.done $0x0  }
0x3f: {  	[sflag:s18] =	ssyncadd.s32 $0xFFFFD800  }
0x40: {  	[bflag:$0x0] =	sbarrier.arrive $0xFFFF  }
0x41: {  	s5 =	stileid.u32;
	s7 =	sld [smem:$0x7F5]  }
0x42: {  	s5 =	sshll.u32 s5, $0x6  }
0x43: {  	s5 =	sor.u32 $0x1C15, s5;
	s6 =	rddreg [dreg:$0xf]  }
0x44: {  	[hbm:s6], [sflag:s5] =	dma.local [spmem:s7], $0x2700  }
0x45: {  	_ =	swait.ge [sflag:s18], $0x2700  }
0x46: {  	s7 =	sld [smem:$0x7F6]  }
0x47: {  	[sflag:s18] =	ssyncset.done $0x0  }
0x48: {  	s6 =	rddreg [dreg:$0x15];
	[sflag:s18] =	ssyncadd.s32 $0xFFFFD900  }
0x49: {  	[hbm:s6], [sflag:s5] =	dma.local @!p0 [spmem:s7], $0x100  }
0x4a: {  	s5 =	simm.s32 @!p0 $0x15  }
0x4b: {  	_ =	swait.ge @!p0 [sflag:s5], $0x100  }
0x4c: {  	s16 =	sld [smem:$0x7F0];
	_ =	sdelay $0x2  }
0x4d: {  	s25 =	rddreg [dreg:$0x16];
	s7 =	sadd.s32 $0x1, s16  }
0x4e: {  	p1 =	sne.s32 s7, s25  }
.Ltmp1:
0x4f: {  	_ = 	snop;
	(pc) =	sbr.rel @!p1 .LBB2_9-.Ltmp1, $3  }
0x50: {  	_ =	sdelay $0x1  }
0x51: {  	[sflag:s5] =	ssyncset.done @!p0 $0x0  }
0x52: {  	[sflag:s5] =	ssyncadd.s32 @!p0 $0xFFFFFF00  }
.LBB2_1:
0x53: {  	s5 =	rddreg [dreg:$0x4];
	s6 =	simm.s32 $0xA000  }
0x54: {  	[tilespmem:s6], [sflag:$0x5] =	stream.linear.gather [hbm4b:s5+s4], $0x50, $0x38;
	[tilespmem:$0x1E800] =	vst v63  }
0x55: {  	s8 =	rddreg [dreg:$0x12];
	s9 =	simm.s32 $0xA400  }
0x56: {  	[tilespmem:s9], [sflag:$0xD] =	stream.linear.gather [hbm4b:s8+s4], $0x50, $0x38;
	[tilespmem:$0x1E800] =	vst v63  }
0x57: {  	s16 =	rddreg [dreg:$0x5];
	s25 =	simm.s32 $0xA080  }
0x58: {  	[tilespmem:s25], [sflag:$0x6] =	stream.linear.gather [hbm4b:s16+s4], $0x50, $0x38;
	[tilespmem:$0x1E800] =	vst v63  }
0x59: {  	s8 =	rddreg [dreg:$0x6];
	s9 =	simm.s32 $0xA480  }
0x5a: {  	[tilespmem:s9], [sflag:$0xE] =	stream.linear.gather [hbm4b:s8+s4], $0x50, $0x38;
	[tilespmem:$0x1E800] =	vst v63  }
0x5b: {  	s16 =	rddreg [dreg:$0x7];
	s25 =	simm.s32 $0xA100  }
0x5c: {  	[tilespmem:s25], [sflag:$0x7] =	stream.linear.gather [hbm4b:s16+s4], $0x50, $0x38;
	[tilespmem:$0x1E800] =	vst v63  }
0x5d: {  	s8 =	rddreg [dreg:$0x8];
	s9 =	simm.s32 $0xA500  }
0x5e: {  	[tilespmem:s9], [sflag:$0xF] =	stream.linear.gather [hbm4b:s8+s4], $0x50, $0x38;
	[tilespmem:$0x1E800] =	vst v63  }
0x5f: {  	s16 =	rddreg [dreg:$0x9];
	s25 =	simm.s32 $0xA180  }
0x60: {  	[tilespmem:s25], [sflag:$0x8] =	stream.linear.gather [hbm4b:s16+s4], $0x50, $0x38;
	[tilespmem:$0x1E800] =	vst v63  }
0x61: {  	s6 =	rddreg [dreg:$0xa]  }
0x62: {  	[tilespmem:s20], [sflag:$0x10] =	stream.linear.gather [hbm4b:s6+s4], $0x50, $0x38;
	[tilespmem:$0x1E800] =	vst v63  }
0x63: {  	s8 =	rddreg [dreg:$0xb]  }
0x64: {  	[tilespmem:s21], [sflag:$0x9] =	stream.linear.gather [hbm4b:s8+s4], $0x50, $0x38;
	[tilespmem:$0x1E800] =	vst v63  }
0x65: {  	s9 =	rddreg [dreg:$0xc]  }
0x66: {  	[tilespmem:s22], [sflag:$0x11] =	stream.linear.gather [hbm4b:s9+s4], $0x50, $0x38;
	[tilespmem:$0x1E800] =	vst v63  }
0x67: {  	s16 =	rddreg [dreg:$0xd];
	s25 =	simm.s32 $0xA280  }
0x68: {  	[tilespmem:s25], [sflag:$0xA] =	stream.linear.gather [hbm4b:s16+s4], $0x50, $0x38;
	[tilespmem:$0x1E800] =	vst v63  }
0x69: {  	s8 =	rddreg [dreg:$0xe];
	s9 =	simm.s32 $0xA680  }
0x6a: {  	[tilespmem:s9], [sflag:$0x12] =	stream.linear.gather [hbm4b:s8+s4], $0x50, $0x38;
	[tilespmem:$0x1E800] =	vst v63  }
0x6b: {  	s16 =	rddreg [dreg:$0x10];
	s25 =	simm.s32 $0xA300  }
0x6c: {  	[tilespmem:s25], [sflag:$0xB] =	stream.linear.gather [hbm4b:s16+s4], $0x50, $0x38;
	[tilespmem:$0x1E800] =	vst v63  }
0x6d: {  	s8 =	rddreg [dreg:$0x11];
	s9 =	simm.s32 $0xA700  }
0x6e: {  	[tilespmem:s9], [sflag:$0x13] =	stream.linear.gather [hbm4b:s8+s4], $0x50, $0x38;
	[tilespmem:$0x1E800] =	vst v63  }
0x6f: {  	s16 =	rddreg [dreg:$0x13];
	s25 =	simm.s32 $0xA380  }
0x70: {  	[tilespmem:s25], [sflag:$0xC] =	stream.linear.gather [hbm4b:s16+s4], $0x50, $0x38;
	[tilespmem:$0x1E800] =	vst v63  }
0x71: {  	s8 =	rddreg [dreg:$0x14];
	s16 =	sand.u32 $0xFE00, s4  }
0x72: {  	s9 =	simm.s32 $0xA780;
	s25 =	sand.u32 $0x70, s4;
	s16 =	sshrl.u32 s16, $0x2  }
0x73: {  	[tilespmem:s9], [sflag:$0x14] =	stream.linear.gather [hbm4b:s8+s4], $0x50, $0x38;
	[tilespmem:$0x1E800] =	vst v63  }
0x74: {  	s5 =	simm.s32 $0x40;
	s6 =	simm.s32 $0x0;
	s16 =	sor.u32 s25, s16  }
.LBB2_2:
0x75: {  	p1 =	sne.s32 s5, $0x9FC0  }
0x76: {  	[tilespmem:s16+$0x0] =	vst v0;
	s6 =	sadd.s32 $0x10, s6;
	s16 =	smov.u32 s5;
	s5 =	sadd.s32 $0x40, s5  }
.Ltmp2:
0x77: {  	(pc) =	sbr.rel @p1 .LBB2_2-.Ltmp2, $4  }
0x78: {  	_ = 	snop  }
0x79: {  	s16 =	sand.u32 $0xFE00, s16  }
0x7a: {  	s25 =	sand.u32 $0x70, s6;
	s16 =	sshrl.u32 s16, $0x2  }
0x7b: {  	s16 =	sor.u32 s25, s16  }
0x7c: {  	[smem:$0x7F0] =	sst s7  }
0x7d: {  	s5 =	rddreg [dreg:$0x17]  }
0x7e: {  	[tilespmem:s16+$0x0] =	vst v0;
	s25 =	simm.s32 $0x0;
	s9 =	sld [smem:$0x7F7]  }
0x7f: {  	[spmem:s5] =	stream.linear.scatter [tilespmem:s25], [sflag:$0x1], $0x2800, $0x38;
	[tilespmem:$0x1E800] =	vst v63  }
0x80: {  	s16 =	sld [smem:$0x7F8]  }
0x81: {  	[spmem:s9] =	stream.linear.scatter [tilespmem:s25], [sflag:$0x1], $0x2800, $0x38;
	[tilespmem:$0x1E800] =	vst v63  }
0x82: {  	s6 =	sld [smem:$0x7F9]  }
0x83: {  	[spmem:s16] =	stream.linear.scatter [tilespmem:s25], [sflag:$0x1], $0x2800, $0x38;
	[tilespmem:$0x1E800] =	vst v63  }
0x84: {  	s7 =	sld [smem:$0x7FA]  }
0x85: {  	[spmem:s6] =	stream.linear.scatter [tilespmem:s25], [sflag:$0x1], $0x2800, $0x38;
	[tilespmem:$0x1E800] =	vst v63  }
0x86: {  	s8 =	sld [smem:$0x7FB]  }
0x87: {  	[spmem:s7] =	stream.linear.scatter [tilespmem:s25], [sflag:$0x1], $0x2800, $0x38;
	[tilespmem:$0x1E800] =	vst v63  }
0x88: {  	s9 =	sld [smem:$0x7FC]  }
0x89: {  	[spmem:s8] =	stream.linear.scatter [tilespmem:s25], [sflag:$0x1], $0x2800, $0x38;
	[tilespmem:$0x1E800] =	vst v63  }
0x8a: {  	s16 =	sld [smem:$0x7FD]  }
0x8b: {  	[spmem:s9] =	stream.linear.scatter [tilespmem:s25], [sflag:$0x1], $0x2800, $0x38;
	[tilespmem:$0x1E800] =	vst v63  }
0x8c: {  	_ = 	snop  }
0x8d: {  	[spmem:s16] =	stream.linear.scatter [tilespmem:s25], [sflag:$0x1], $0x2800, $0x38;
	[tilespmem:$0x1E800] =	vst v63  }
0x8e: {  	_ =	swait.ge [sflag:s24], $0x2800  }
0x8f: {  	[sflag:s24] =	ssyncset.done $0x0  }
0x90: {  	[sflag:s24] =	ssyncadd.s32 $0xFFFFD800  }
0x91: {  	_ =	swait.ge [sflag:s24], $0x2800  }
0x92: {  	[sflag:s24] =	ssyncset.done $0x0  }
0x93: {  	[sflag:s24] =	ssyncadd.s32 $0xFFFFD800  }
0x94: {  	_ =	swait.ge [sflag:s24], $0x2800  }
0x95: {  	[sflag:s24] =	ssyncset.done $0x0  }
0x96: {  	[sflag:s24] =	ssyncadd.s32 $0xFFFFD800  }
0x97: {  	_ =	swait.ge [sflag:s24], $0x2800  }
0x98: {  	[sflag:s24] =	ssyncset.done $0x0  }
0x99: {  	[sflag:s24] =	ssyncadd.s32 $0xFFFFD800  }
0x9a: {  	_ =	swait.ge [sflag:s24], $0x2800  }
0x9b: {  	[sflag:s24] =	ssyncset.done $0x0  }
0x9c: {  	[sflag:s24] =	ssyncadd.s32 $0xFFFFD800  }
0x9d: {  	_ =	swait.ge [sflag:s24], $0x2800  }
0x9e: {  	[sflag:s24] =	ssyncset.done $0x0  }
0x9f: {  	[sflag:s24] =	ssyncadd.s32 $0xFFFFD800  }
0xa0: {  	_ =	swait.ge [sflag:s24], $0x2800  }
0xa1: {  	[sflag:s24] =	ssyncset.done $0x0  }
0xa2: {  	[sflag:s24] =	ssyncadd.s32 $0xFFFFD800  }
0xa3: {  	_ =	swait.ge [sflag:s24], $0x2800  }
0xa4: {  	[sflag:s24] =	ssyncset.done $0x0  }
0xa5: {  	[sflag:s24] =	ssyncadd.s32 $0xFFFFD800  }
0xa6: {  	[bflag:$0x0] =	sbarrier.arrive $0xFFFF  }
0xa7: {  	_ =	swait.ge [sflag:s23], $0x50  }
0xa8: {  	[sflag:s23] =	ssyncset.done $0x0  }
0xa9: {  	[sflag:s23] =	ssyncadd.s32 $0xFFFFFFB0  }
0xaa: {  	_ =	swait.ge [sflag:s17], $0x50  }
0xab: {  	[sflag:s17] =	ssyncset.done $0x0  }
0xac: {  	s6 =	simm.s32 $0xA000;
	s7 =	simm.s32 $0x6;
	[sflag:s17] =	ssyncadd.s32 $0xFFFFFFB0  }
0xad: {  	[tilespmem:s25], [sflag:$0x1] =	stream.indirect.gather [hbm4b:s1+s19], $0x80, s6, s19, $0xb8;
	[tilespmem:$0x1E800] =	vst v63  }
0xae: {  	_ =	swait.ge [sflag:s7], $0x50  }
0xaf: {  	[sflag:s7] =	ssyncset.done $0x0  }
0xb0: {  	s8 =	simm.s32 $0xE;
	[sflag:s7] =	ssyncadd.s32 $0xFFFFFFB0  }
0xb1: {  	_ =	swait.ge [sflag:s8], $0x50  }
0xb2: {  	[sflag:s8] =	ssyncset.done $0x0  }
0xb3: {  	s9 =	simm.s32 $0xA080;
	s16 =	simm.s32 $0x7;
	[sflag:s8] =	ssyncadd.s32 $0xFFFFFFB0  }
0xb4: {  	[tilespmem:s30], [sflag:$0x2] =	stream.indirect.gather [hbm4b:s1+s19], $0x80, s9, s19, $0xb8;
	[tilespmem:$0x1E800] =	vst v63  }
0xb5: {  	_ =	swait.ge [sflag:s16], $0x50  }
0xb6: {  	[sflag:s16] =	ssyncset.done $0x0  }
0xb7: {  	s6 =	simm.s32 $0xF;
	[sflag:s16] =	ssyncadd.s32 $0xFFFFFFB0  }
0xb8: {  	_ =	swait.ge [sflag:s6], $0x50  }
0xb9: {  	s7 =	simm.s32 $0xA100;
	[sflag:s6] =	ssyncset.done $0x0  }
0xba: {  	s8 =	simm.s32 $0x8;
	[sflag:s6] =	ssyncadd.s32 $0xFFFFFFB0;
	s6 =	simm.s32 $0x5000  }
0xbb: {  	[tilespmem:s6], [sflag:$0x3] =	stream.indirect.gather [hbm4b:s1+s19], $0x80, s7, s19, $0xb8;
	[tilespmem:$0x1E800] =	vst v63  }
0xbc: {  	_ =	swait.ge [sflag:s8], $0x50  }
0xbd: {  	[sflag:s8] =	ssyncset.done $0x0  }
0xbe: {  	s9 =	simm.s32 $0x10;
	[sflag:s8] =	ssyncadd.s32 $0xFFFFFFB0  }
.Ltmp3:
0xbf: {  	_ =	swait.ge [sflag:s9], $0x50;
	(pc) =	sbr.rel .LBB2_4-.Ltmp3, $4  }
0xc0: {  	[sflag:s9] =	ssyncset.done $0x0  }
0xc1: {  	s16 =	simm.s32 $0xA180;
	[sflag:s9] =	ssyncadd.s32 $0xFFFFFFB0  }
0xc2: {  	[tilespmem:s26], [sflag:$0x4] =	stream.indirect.gather [hbm4b:s1+s19], $0x80, s16, s19, $0xb8;
	[tilespmem:$0x1E800] =	vst v63  }
0xc3: {  	s5 =	simm.s32 $0x0;
	s16 =	sld [smem:$0x7F4]  }
.LBB2_7:
0xc4: {  	_ =	sdelay $0x1  }
0xc5: {  	s5 =	sadd.s32 $0x1, s5;
	s25 =	sadd.s32 $0x50, s25;
	s16 =	sadd.s32 $0x280, s16  }
.LBB2_4:
0xc6: {  	_ =	swait.ge [sflag:s24], $0x2800  }
0xc7: {  	[sflag:s24] =	ssyncset.done $0x0  }
0xc8: {  	s6 =	simm.s32 $0xA400;
	[sflag:s24] =	ssyncadd.s32 $0xFFFFD800  }
0xc9: {  	[spmem:s3] =	stream.indirect.scatter.add.f32 [tilespmem:s4], [sflag:$0x15], $0x80, s6, s19, $0xb8;
	[tilespmem:$0x1E800] =	vst v63  }
0xca: {  	p1 =	seq.s32 s25, $0x4B0;
	_ =	swait.ge [sflag:s18], $0x2800  }
0xcb: {  	s9 =	simm.s32 @!p1 $0xA000;
	s7 =	sshrl.u32 @!p1 s16, $0x3;
	[sflag:s18] =	ssyncset.done $0x0  }
0xcc: {  	s8 =	sadd.s32 @!p1 s10, s7;
	s6 =	simm.s32 @!p1 $0x0;
	[sflag:s18] =	ssyncadd.s32 $0xFFFFD800  }
0xcd: {  	[tilespmem:s9], [sflag:$0x5] =	stream.linear.gather @!p1 [hbm4b:s8+s6], $0x50, $0x38;
	[tilespmem:$0x1E800] =	vst v63  }
0xce: {  	s7 =	sadd.s32 @!p1 s11, s7;
	s8 =	simm.s32 @!p1 $0xA400  }
0xcf: {  	[tilespmem:s8], [sflag:$0xD] =	stream.linear.gather @!p1 [hbm4b:s7+s6], $0x50, $0x38;
	[tilespmem:$0x1E800] =	vst v63  }
0xd0: {  	_ =	swait.ge [sflag:s2], $0x50  }
0xd1: {  	[sflag:s2] =	ssyncset.done $0x0  }
0xd2: {  	[sflag:s2] =	ssyncadd.s32 $0xFFFFFFB0  }
0xd3: {  	_ =	swait.ge [sflag:s15], $0x50  }
0xd4: {  	[sflag:s15] =	ssyncset.done $0x0  }
0xd5: {  	[sflag:s15] =	ssyncadd.s32 $0xFFFFFFB0  }
0xd6: {  	[tilespmem:s4], [sflag:$0x1] =	stream.indirect.gather [hbm4b:s1+s19], $0x80, s21, s19, $0xb8;
	[tilespmem:$0x1E800] =	vst v63  }
0xd7: {  	_ =	swait.ge [sflag:s28], $0x2800  }
0xd8: {  	[sflag:s28] =	ssyncset.done $0x0  }
0xd9: {  	s9 =	simm.s32 $0xA480;
	[sflag:s28] =	ssyncadd.s32 $0xFFFFD800  }
0xda: {  	[spmem:s3] =	stream.indirect.scatter.add.f32 [tilespmem:s30], [sflag:$0x15], $0x80, s9, s19, $0xb8;
	[tilespmem:$0x1E800] =	vst v63  }
0xdb: {  	_ =	swait.ge [sflag:s18], $0x2800  }
0xdc: {  	[sflag:s18] =	ssyncset.done $0x0  }
0xdd: {  	s7 =	simm.s32 @p1 $0x3;
	[sflag:s18] =	ssyncadd.s32 $0xFFFFD800  }
0xde: {  	_ =	swait.ge @p1 [sflag:s7], $0x2800  }
0xdf: {  	s8 =	simm.s32 @p1 $0xA500;
	[sflag:s7] =	ssyncset.done @p1 $0x0  }
0xe0: {  	s9 =	simm.s32 @p1 $0x5000;
	[sflag:s7] =	ssyncadd.s32 @p1 $0xFFFFD800;
	s7 =	simm.s32 @p1 $0x50  }
0xe1: {  	[spmem:s3] =	stream.indirect.scatter.add.f32 @p1 [tilespmem:s9], [sflag:$0x15], $0x80, s8, s7, $0xb8;
	[tilespmem:$0x1E800] =	vst v63  }
0xe2: {  	s7 =	simm.s32 @p1 $0x15  }
0xe3: {  	_ =	swait.ge @p1 [sflag:s7], $0x2800  }
0xe4: {  	[sflag:s7] =	ssyncset.done @p1 $0x0  }
0xe5: {  	s8 =	simm.s32 @!p1 $0xA080;
	[sflag:s7] =	ssyncadd.s32 @p1 $0xFFFFD800;
	s7 =	sadd.s32 @!p1 s25, s14  }
0xe6: {  	[tilespmem:s8], [sflag:$0x6] =	stream.linear.gather @!p1 [hbm4b:s7+s6], $0x50, $0x38;
	[tilespmem:$0x1E800] =	vst v63  }
0xe7: {  	s7 =	sadd.s32 @!p1 s25, s13;
	s8 =	simm.s32 @!p1 $0xA480  }
0xe8: {  	[tilespmem:s8], [sflag:$0xE] =	stream.linear.gather @!p1 [hbm4b:s7+s6], $0x50, $0x38;
	[tilespmem:$0x1E800] =	vst v63  }
0xe9: {  	s7 =	simm.s32 @!p1 $0xA  }
0xea: {  	_ =	swait.ge @!p1 [sflag:s7], $0x50  }
0xeb: {  	[sflag:s7] =	ssyncset.done @!p1 $0x0  }
0xec: {  	[sflag:s7] =	ssyncadd.s32 @!p1 $0xFFFFFFB0;
	s7 =	simm.s32 @!p1 $0x12  }
0xed: {  	_ =	swait.ge @!p1 [sflag:s7], $0x50  }
0xee: {  	s9 =	simm.s32 @!p1 $0x2800;
	[sflag:s7] =	ssyncset.done @!p1 $0x0  }
0xef: {  	s8 =	simm.s32 @!p1 $0xA280;
	[sflag:s7] =	ssyncadd.s32 @!p1 $0xFFFFFFB0;
	s7 =	simm.s32 @!p1 $0x50  }
0xf0: {  	[tilespmem:s9], [sflag:$0x2] =	stream.indirect.gather @!p1 [hbm4b:s1+s7], $0x80, s8, s7, $0xb8;
	[tilespmem:$0x1E800] =	vst v63  }
0xf1: {  	s8 =	simm.s32 @!p1 $0x3  }
0xf2: {  	_ =	swait.ge @!p1 [sflag:s8], $0x2800  }
0xf3: {  	[sflag:s8] =	ssyncset.done @!p1 $0x0  }
0xf4: {  	s9 =	simm.s32 @!p1 $0x5000;
	[sflag:s8] =	ssyncadd.s32 @!p1 $0xFFFFD800;
	s8 =	simm.s32 @!p1 $0xA500  }
0xf5: {  	[spmem:s3] =	stream.indirect.scatter.add.f32 @!p1 [tilespmem:s9], [sflag:$0x15], $0x80, s8, s7, $0xb8;
	[tilespmem:$0x1E800] =	vst v63  }
0xf6: {  	s7 =	simm.s32 @!p1 $0x15  }
0xf7: {  	_ =	swait.ge @!p1 [sflag:s7], $0x2800  }
0xf8: {  	[sflag:s7] =	ssyncset.done @!p1 $0x0  }
0xf9: {  	s9 =	simm.s32 @!p1 $0xA100;
	[sflag:s7] =	ssyncadd.s32 @!p1 $0xFFFFD800;
	s7 =	sadd.s32 @!p1 s25, s12  }
0xfa: {  	[tilespmem:s9], [sflag:$0x7] =	stream.linear.gather @!p1 [hbm4b:s7+s6], $0x50, $0x38;
	[tilespmem:$0x1E800] =	vst v63  }
0xfb: {  	s7 =	sld [smem:$0x7F3];
	_ =	sdelay $0x1  }
0xfc: {  	p2 =	sgt.u32 @!p1 s5, $0xE  }
0xfd: {  	p2 =	por p2, p1;
	s7 =	sadd.s32 @!p1 s25, s7  }
0xfe: {  	[tilespmem:s8], [sflag:$0xF] =	stream.linear.gather @!p1 [hbm4b:s7+s6], $0x50, $0x38;
	[tilespmem:$0x1E800] =	vst v63  }
0xff: {  	s6 =	simm.s32 @!p2 $0xB  }
0x100: {  	_ =	swait.ge @!p2 [sflag:s6], $0x50  }
0x101: {  	[sflag:s6] =	ssyncset.done @!p2 $0x0  }
0x102: {  	[sflag:s6] =	ssyncadd.s32 @!p2 $0xFFFFFFB0;
	s6 =	simm.s32 @!p2 $0x13  }
0x103: {  	_ =	swait.ge @!p2 [sflag:s6], $0x50  }
0x104: {  	s7 =	simm.s32 @!p2 $0xA300;
	[sflag:s6] =	ssyncset.done @!p2 $0x0  }
0x105: {  	s8 =	simm.s32 @!p2 $0x5000;
	[sflag:s6] =	ssyncadd.s32 @!p2 $0xFFFFFFB0;
	s6 =	simm.s32 @!p2 $0x50  }
0x106: {  	[tilespmem:s8], [sflag:$0x3] =	stream.indirect.gather @!p2 [hbm4b:s1+s6], $0x80, s7, s6, $0xb8;
	[tilespmem:$0x1E800] =	vst v63  }
0x107: {  	_ =	swait.ge [sflag:s29], $0x2800  }
0x108: {  	[sflag:s29] =	ssyncset.done $0x0  }
.Ltmp4:
0x109: {  	[sflag:s29] =	ssyncadd.s32 $0xFFFFD800;
	(pc) =	sbr.rel @p1 .LBB2_8-.Ltmp4, $4  }
0x10a: {  	[spmem:s3] =	stream.indirect.scatter.add.f32 [tilespmem:s26], [sflag:$0x15], $0x80, s20, s19, $0xb8;
	[tilespmem:$0x1E800] =	vst v63  }
0x10b: {  	_ =	swait.ge [sflag:s18], $0x2800  }
0x10c: {  	[sflag:s18] =	ssyncset.done $0x0  }
0x10d: {  	[sflag:s18] =	ssyncadd.s32 $0xFFFFD800  }
0x10e: {  	s6 =	sld [smem:$0x7F2];
	_ =	sdelay $0x1  }
0x10f: {  	s8 =	sld [smem:$0x7F1]  }
0x110: {  	s7 =	simm.s32 $0xA180;
	s6 =	sadd.s32 s25, s6  }
0x111: {  	[tilespmem:s7], [sflag:$0x8] =	stream.linear.gather [hbm4b:s6+s4], $0x50, $0x38;
	[tilespmem:$0x1E800] =	vst v63  }
0x112: {  	s6 =	sadd.s32 s25, s8  }
0x113: {  	[tilespmem:s20], [sflag:$0x10] =	stream.linear.gather [hbm4b:s6+s4], $0x50, $0x38;
	[tilespmem:$0x1E800] =	vst v63  }
0x114: {  	_ =	swait.ge [sflag:s31], $0x50  }
0x115: {  	[sflag:s31] =	ssyncset.done $0x0  }
0x116: {  	[sflag:s31] =	ssyncadd.s32 $0xFFFFFFB0  }
0x117: {  	_ =	swait.ge [sflag:s0], $0x50  }
0x118: {  	[sflag:s0] =	ssyncset.done $0x0  }
0x119: {  	s9 =	simm.s32 $0xA380;
	[sflag:s0] =	ssyncadd.s32 $0xFFFFFFB0  }
0x11a: {  	[tilespmem:s26], [sflag:$0x4] =	stream.indirect.gather [hbm4b:s1+s19], $0x80, s9, s19, $0xb8;
	[tilespmem:$0x1E800] =	vst v63  }
0x11b: {  	_ =	swait.ge [sflag:s24], $0x2800  }
0x11c: {  	[sflag:s24] =	ssyncset.done $0x0  }
0x11d: {  	[sflag:s24] =	ssyncadd.s32 $0xFFFFD800  }
0x11e: {  	[spmem:s3] =	stream.indirect.scatter.add.f32 [tilespmem:s4], [sflag:$0x15], $0x80, s22, s19, $0xb8;
	[tilespmem:$0x1E800] =	vst v63  }
0x11f: {  	_ =	swait.ge [sflag:s18], $0x2800  }
0x120: {  	[sflag:s18] =	ssyncset.done $0x0;
	s7 =	rddreg [dreg:$0x1f]  }
0x121: {  	s8 =	rddreg [dreg:$0x1e];
	[sflag:s18] =	ssyncadd.s32 $0xFFFFD800;
	s6 =	sadd.s32 s25, s7  }
0x122: {  	[tilespmem:s21], [sflag:$0x9] =	stream.linear.gather [hbm4b:s6+s4], $0x50, $0x38;
	[tilespmem:$0x1E800] =	vst v63  }
0x123: {  	s6 =	sadd.s32 s25, s8  }
0x124: {  	[tilespmem:s22], [sflag:$0x11] =	stream.linear.gather [hbm4b:s6+s4], $0x50, $0x38;
	[tilespmem:$0x1E800] =	vst v63  }
0x125: {  	_ =	swait.ge [sflag:s23], $0x50  }
0x126: {  	p1 =	sgt.u32 s5, $0xE;
	[sflag:s23] =	ssyncset.done $0x0  }
.Ltmp5:
0x127: {  	[sflag:s23] =	ssyncadd.s32 $0xFFFFFFB0;
	(pc) =	sbr.rel @p1 .LBB2_7-.Ltmp5, $4  }
0x128: {  	_ =	swait.ge [sflag:s17], $0x50  }
0x129: {  	[sflag:s17] =	ssyncset.done $0x0  }
0x12a: {  	s9 =	simm.s32 $0xA000;
	[sflag:s17] =	ssyncadd.s32 $0xFFFFFFB0  }
0x12b: {  	[tilespmem:s4], [sflag:$0x1] =	stream.indirect.gather [hbm4b:s1+s19], $0x80, s9, s19, $0xb8;
	[tilespmem:$0x1E800] =	vst v63  }
0x12c: {  	_ =	swait.ge [sflag:s28], $0x2800  }
0x12d: {  	[sflag:s28] =	ssyncset.done $0x0  }
0x12e: {  	s6 =	simm.s32 $0xA680;
	[sflag:s28] =	ssyncadd.s32 $0xFFFFD800  }
0x12f: {  	[spmem:s3] =	stream.indirect.scatter.add.f32 [tilespmem:s30], [sflag:$0x15], $0x80, s6, s19, $0xb8;
	[tilespmem:$0x1E800] =	vst v63  }
0x130: {  	p1 =	seq.s32 s25, $0x460;
	_ =	swait.ge [sflag:s18], $0x2800  }
0x131: {  	s7 =	simm.s32 @!p1 $0x0;
	[sflag:s18] =	ssyncset.done $0x0;
	s6 =	rddreg [dreg:$0x1d]  }
0x132: {  	s8 =	simm.s32 @!p1 $0xA280;
	[sflag:s18] =	ssyncadd.s32 $0xFFFFD800;
	s6 =	sadd.s32 @!p1 s25, s6  }
0x133: {  	[tilespmem:s8], [sflag:$0xA] =	stream.linear.gather @!p1 [hbm4b:s6+s7], $0x50, $0x38;
	[tilespmem:$0x1E800] =	vst v63  }
0x134: {  	s6 =	rddreg [dreg:$0x1c]  }
0x135: {  	s8 =	simm.s32 @!p1 $0xA680;
	s6 =	sadd.s32 @!p1 s25, s6  }
0x136: {  	[tilespmem:s8], [sflag:$0x12] =	stream.linear.gather @!p1 [hbm4b:s6+s7], $0x50, $0x38;
	[tilespmem:$0x1E800] =	vst v63  }
0x137: {  	s8 =	simm.s32 $0x6  }
0x138: {  	_ =	swait.ge [sflag:s8], $0x50  }
0x139: {  	[sflag:s8] =	ssyncset.done $0x0  }
0x13a: {  	s9 =	simm.s32 $0xE;
	[sflag:s8] =	ssyncadd.s32 $0xFFFFFFB0  }
0x13b: {  	_ =	swait.ge [sflag:s9], $0x50  }
0x13c: {  	[sflag:s9] =	ssyncset.done $0x0  }
0x13d: {  	s8 =	simm.s32 $0xA080;
	[sflag:s9] =	ssyncadd.s32 $0xFFFFFFB0;
	s9 =	simm.s32 $0x3  }
0x13e: {  	[tilespmem:s30], [sflag:$0x2] =	stream.indirect.gather [hbm4b:s1+s19], $0x80, s8, s19, $0xb8;
	[tilespmem:$0x1E800] =	vst v63  }
0x13f: {  	_ =	swait.ge [sflag:s9], $0x2800  }
0x140: {  	[sflag:s9] =	ssyncset.done $0x0  }
0x141: {  	s8 =	simm.s32 $0xA700;
	[sflag:s9] =	ssyncadd.s32 $0xFFFFD800;
	s9 =	simm.s32 $0x5000  }
0x142: {  	[spmem:s3] =	stream.indirect.scatter.add.f32 [tilespmem:s9], [sflag:$0x15], $0x80, s8, s19, $0xb8;
	[tilespmem:$0x1E800] =	vst v63  }
0x143: {  	_ =	swait.ge [sflag:s18], $0x2800  }
0x144: {  	[sflag:s18] =	ssyncset.done $0x0;
	s6 =	rddreg [dreg:$0x1b]  }
0x145: {  	s8 =	simm.s32 @!p1 $0xA300;
	[sflag:s18] =	ssyncadd.s32 $0xFFFFD800;
	s6 =	sadd.s32 @!p1 s25, s6  }
0x146: {  	[tilespmem:s8], [sflag:$0xB] =	stream.linear.gather @!p1 [hbm4b:s6+s7], $0x50, $0x38;
	[tilespmem:$0x1E800] =	vst v63  }
0x147: {  	s6 =	rddreg [dreg:$0x1a]  }
0x148: {  	s8 =	simm.s32 @!p1 $0xA700;
	s6 =	sadd.s32 @!p1 s25, s6  }
0x149: {  	[tilespmem:s8], [sflag:$0x13] =	stream.linear.gather @!p1 [hbm4b:s6+s7], $0x50, $0x38;
	[tilespmem:$0x1E800] =	vst v63  }
0x14a: {  	s8 =	simm.s32 $0x7  }
0x14b: {  	_ =	swait.ge [sflag:s8], $0x50  }
0x14c: {  	[sflag:s8] =	ssyncset.done $0x0  }
0x14d: {  	[sflag:s8] =	ssyncadd.s32 $0xFFFFFFB0;
	s8 =	simm.s32 $0xF  }
0x14e: {  	_ =	swait.ge [sflag:s8], $0x50  }
0x14f: {  	[sflag:s8] =	ssyncset.done $0x0  }
0x150: {  	[sflag:s8] =	ssyncadd.s32 $0xFFFFFFB0;
	s8 =	simm.s32 $0xA100  }
0x151: {  	[tilespmem:s9], [sflag:$0x3] =	stream.indirect.gather [hbm4b:s1+s19], $0x80, s8, s19, $0xb8;
	[tilespmem:$0x1E800] =	vst v63  }
0x152: {  	_ =	swait.ge [sflag:s29], $0x2800  }
0x153: {  	[sflag:s29] =	ssyncset.done $0x0  }
0x154: {  	s9 =	simm.s32 $0xA780;
	[sflag:s29] =	ssyncadd.s32 $0xFFFFD800  }
0x155: {  	[spmem:s3] =	stream.indirect.scatter.add.f32 [tilespmem:s26], [sflag:$0x15], $0x80, s9, s19, $0xb8;
	[tilespmem:$0x1E800] =	vst v63  }
0x156: {  	_ =	swait.ge [sflag:s18], $0x2800  }
0x157: {  	[sflag:s18] =	ssyncset.done $0x0;
	s6 =	rddreg [dreg:$0x19]  }
0x158: {  	s8 =	simm.s32 @!p1 $0xA380;
	[sflag:s18] =	ssyncadd.s32 $0xFFFFD800;
	s6 =	sadd.s32 @!p1 s25, s6  }
0x159: {  	[tilespmem:s8], [sflag:$0xC] =	stream.linear.gather @!p1 [hbm4b:s6+s7], $0x50, $0x38;
	[tilespmem:$0x1E800] =	vst v63  }
0x15a: {  	s6 =	rddreg [dreg:$0x18]  }
0x15b: {  	s8 =	simm.s32 @!p1 $0xA780;
	s6 =	sadd.s32 @!p1 s25, s6  }
0x15c: {  	[tilespmem:s8], [sflag:$0x14] =	stream.linear.gather @!p1 [hbm4b:s6+s7], $0x50, $0x38;
	[tilespmem:$0x1E800] =	vst v63  }
0x15d: {  	s7 =	simm.s32 $0x8  }
0x15e: {  	_ =	swait.ge [sflag:s7], $0x50  }
0x15f: {  	[sflag:s7] =	ssyncset.done $0x0  }
.Ltmp6:
0x160: {  	s8 =	simm.s32 $0x10;
	[sflag:s7] =	ssyncadd.s32 $0xFFFFFFB0;
	(pc) =	sbr.rel .LBB2_7-.Ltmp6, $4  }
0x161: {  	_ =	swait.ge [sflag:s8], $0x50  }
0x162: {  	[sflag:s8] =	ssyncset.done $0x0  }
0x163: {  	s9 =	simm.s32 $0xA180;
	[sflag:s8] =	ssyncadd.s32 $0xFFFFFFB0  }
0x164: {  	[tilespmem:s26], [sflag:$0x4] =	stream.indirect.gather [hbm4b:s1+s19], $0x80, s9, s19, $0xb8;
	[tilespmem:$0x1E800] =	vst v63  }
.LBB2_9:
0x165: {  	_ =	sfence.sel $0x180000  }
0x166: {  	[bflag:$0x0] =	sbarrier.arrive $0xFFFF  }
0x167: {  	_ =	strace $0x9000004A  }
0x168: {  	s0 =	stileid.u32;
	[bflag:$0x2] =	sbarrier.arrive $0xFFFF  }
0x169: {  	p0 =	sne.s32 s0, $0x0;
	s0 =	rddreg [dreg:$0x3]  }
0x16a: {  	s0 =	sadd.s32 @!p0 $0x100000, s0  }
0x16b: {  	[sflag:s0] =	ssyncadd.tile.s32 @!p0 $0x1;
	_ =	shalt  }
.Lfunc_end2:
_tile_overlayer_lowered:
.L_overlay_start_2:
0x16c: {  	(tag) =	ssettag $0x2  }
0x16d: {  	s0 =	rddreg [dreg:$0x0];
	s2 =	stileid.u32  }
0x16e: {  	s1 =	rddreg [dreg:$0x1];
	p0 =	sne.s32 s2, $0x0  }
0x16f: {  	s3 =	rddreg [dreg:$0x2];
	[bflag:$0x3] =	sbarrier.arrive $0xFFFF;
	s2 =	simm.s32 @!p0 $0x1C15  }
0x170: {  	[timem:s3], [sflag:s2] =	dma.local @!p0 [hbm:s0], s1  }
0x171: {  	s0 =	simm.s32 @!p0 $0x15  }
0x172: {  	_ =	swait.ge @!p0 [sflag:s0], s1  }
0x173: {  	s1 =	ssub.s32 @!p0 $0x0, s1;
	[sflag:s0] =	ssyncset.done @!p0 $0x0  }
0x174: {  	[sflag:s0] =	ssyncadd.s32 @!p0 s1  }
0x175: {  	[bflag:$0x3] =	sbarrier.arrive $0xFFFF  }
0x176: {  	_ =	shalt  }

// kernel: kernel.8.cloned.1.call-start
scs
__scs_entry_jumppad:
0x0: {  	(pc) =	sbr.rel $0x88, $3  }
0x1: {  	(tag) =	ssettag $0x0;
	lr =	simm.s32 $0x1  }
0x2: {  	[smem:$0x3F99] =	sst lr;
	_ =	strace $0xD0000000  }
0x3: {  	_ = 	snop  }
0x4: {  	_ = 	snop  }
0x5: {  	_ = 	snop  }
0x6: {  	_ = 	snop  }
0x7: {  	_ = 	snop  }
__scs_overlays_trampoline_lowered:
0x8: {  	[smem:$0x3FA8] =	sst s0  }
0x9: {  	[smem:$0x3FA9] =	sst s1  }
0xa: {  	[smem:$0x3FAA] =	sst s2  }
0xb: {  	[smem:$0x3FAB] =	sst s3  }
0xc: {  	[smem:$0x3FAC] =	sst s4  }
0xd: {  	[smem:$0x3FAD] =	sst s5  }
0xe: {  	[smem:$0x3FAE] =	sst s6  }
0xf: {  	[smem:$0x3FAF] =	sst s7  }
0x10: {  	[smem:$0x3FB0] =	sst s8  }
0x11: {  	[smem:$0x3FB1] =	sst s9;
	s0 =	simm.s32 @!p0 $0x0  }
0x12: {  	s1 =	sld [smem:$0x3F97];
	s0 =	simm.s32 @p0 $0x1  }
0x13: {  	[smem:$0x3FB2] =	sst s0;
	s0 =	simm.s32 @!p1 $0x0  }
0x14: {  	s2 =	sld [smem:$0x3F96];
	s0 =	simm.s32 @p1 $0x1  }
0x15: {  	[smem:$0x3FB3] =	sst s0;
	s0 =	simm.s32 @!p2 $0x0  }
0x16: {  	s3 =	sld [smem:$0x3FDB];
	s0 =	simm.s32 @p2 $0x1  }
0x17: {  	s4 =	simm.s32 $0x1BF5;
	[smem:$0x3FB5] =	sst s0  }
0x18: {  	s0 =	sld [smem:$0x3F98];
	_ =	swait.ge [sflag:s4], $0x0  }
0x19: {  	s7 =	sld [smem:$0x3F99]  }
0x1a: {  	s8 =	sadd.s32 $0xFFFFE003, lr  }
0x1b: {  	s9 =	sadd.s32 $0xFFFFFEF7, lr;
	s5 =	simm.s32 $0xFFFFFFFF;
	p2 =	slt.u32 s8, $0xFFFFF086  }
0x1c: {  	p1 =	slt.u32 s9, $0xF7A;
	s5 =	simm.s32 @!p2 $0x0  }
0x1d: {  	s5 =	simm.s32 @p1 $0x1;
	p0 =	seq.s32 s7, s2  }
0x1e: {  	s7 =	smul.u32 @!p0 $0xF7A, s2;
	p2 =	seq.s32 @!p0 s5, $0x0  }
0x1f: {  	s9 =	smul.u32 $0xF7A, s1;
	s8 =	simm.s32 @!p0 $0x1BF5;
	p2 =	por !p2, p0  }
0x20: {  	[sflag:s8] =	ssyncset.s32 @!p0 $0xFFFFF086;
	s6 =	sadd.s32 @!p0 s3, s7;
	s7 =	simm.s32 @!p0 $0x108  }
0x21: {  	s3 =	sadd.s32 s3, s9;
	s6 =	sadd.s32 @!p0 $0x88, s6;
	s7 =	simm.s32 @p2 $0x1082  }
0x22: {  	[simem:s7], [sflag:s8] =	dma.local @!p0 [hbm:s6], $0xF7A  }
0x23: {  	s9 =	sor.u32 $0xD0000000, s2;
	s6 =	simm.s32 $0x108;
	_ =	swait.ge @!p0 [sflag:s8], $0x0  }
0x24: {  	s3 =	sadd.s32 $0x88, s3;
	s6 =	simm.s32 @!p1 $0x1082;
	[sflag:s4] =	ssyncset.s32 $0xFFFFF086  }
0x25: {  	[simem:s6], [sflag:s4] =	dma.local [hbm:s3], $0xF7A  }
0x26: {  	[smem:$0x3F99] =	sst s1;
	(tag) =	ssettag s2;
	_ =	strace s9  }
0x27: {  	s1 =	sld [smem:$0x3FA9]  }
0x28: {  	s2 =	sld [smem:$0x3FAA]  }
0x29: {  	s4 =	sld [smem:$0x3FAC]  }
0x2a: {  	p0 =	seq.s32 s5, $0x0;
	s5 =	sld [smem:$0x3FAD]  }
0x2b: {  	s6 =	sld [smem:$0x3FAE]  }
0x2c: {  	s7 =	sld [smem:$0x3FAF]  }
0x2d: {  	s3 =	simm.s32 $0x108;
	s8 =	sld [smem:$0x3FB0]  }
0x2e: {  	s3 =	simm.s32 @!p0 $0x1082;
	s9 =	sld [smem:$0x3FB1]  }
0x2f: {  	lr =	sadd.s32 s0, s3;
	s0 =	sld [smem:$0x3FA8]  }
0x30: {  	s3 =	sld [smem:$0x3FAB]  }
0x31: {  	[smem:$0x3FB4] =	sst s10  }
0x32: {  	s10 =	sld [smem:$0x3FB2];
	_ =	sdelay $0x3  }
0x33: {  	p0 =	seq.s32 s10, $0x1;
	s10 =	sld [smem:$0x3FB4];
	_ =	sdelay $0x3  }
0x34: {  	[smem:$0x3FB4] =	sst s10  }
0x35: {  	s10 =	sld [smem:$0x3FB3];
	_ =	sdelay $0x3  }
0x36: {  	p1 =	seq.s32 s10, $0x1;
	s10 =	sld [smem:$0x3FB4];
	_ =	sdelay $0x3  }
0x37: {  	[smem:$0x3FB4] =	sst s10  }
0x38: {  	s10 =	sld [smem:$0x3FB5]  }
0x39: {  	_ = 	snop;
	(pc) =	sbr.ind lr, $3  }
0x3a: {  	_ = 	snop  }
0x3b: {  	_ = 	snop  }
0x3c: {  	p2 =	seq.s32 s10, $0x1;
	s10 =	sld [smem:$0x3FB4]  }
0x3d: {  	_ =	shalt  }
0x3e: {  	_ =	shalt  }
0x3f: {  	_ =	shalt  }
0x40: {  	_ =	shalt  }
0x41: {  	_ =	shalt  }
0x42: {  	_ =	shalt  }
0x43: {  	_ =	shalt  }
0x44: {  	_ =	shalt  }
0x45: {  	_ =	shalt  }
0x46: {  	_ =	shalt  }
0x47: {  	_ =	shalt  }
0x48: {  	_ =	shalt  }
0x49: {  	_ =	shalt  }
0x4a: {  	_ =	shalt  }
0x4b: {  	_ =	shalt  }
0x4c: {  	_ =	shalt  }
0x4d: {  	_ =	shalt  }
0x4e: {  	_ =	shalt  }
0x4f: {  	_ =	shalt  }
0x50: {  	_ =	shalt  }
0x51: {  	_ =	shalt  }
0x52: {  	_ =	shalt  }
0x53: {  	_ =	shalt  }
0x54: {  	_ =	shalt  }
0x55: {  	_ =	shalt  }
0x56: {  	_ =	shalt  }
0x57: {  	_ =	shalt  }
0x58: {  	_ =	shalt  }
0x59: {  	_ =	shalt  }
0x5a: {  	_ =	shalt  }
0x5b: {  	_ =	shalt  }
0x5c: {  	_ =	shalt  }
0x5d: {  	_ =	shalt  }
0x5e: {  	_ =	shalt  }
0x5f: {  	_ =	shalt  }
0x60: {  	_ =	shalt  }
0x61: {  	_ =	shalt  }
0x62: {  	_ =	shalt  }
0x63: {  	_ =	shalt  }
0x64: {  	_ =	shalt  }
0x65: {  	_ =	shalt  }
0x66: {  	_ =	shalt  }
0x67: {  	_ =	shalt  }
0x68: {  	_ =	shalt  }
0x69: {  	_ =	shalt  }
0x6a: {  	_ =	shalt  }
0x6b: {  	_ =	shalt  }
0x6c: {  	_ =	shalt  }
0x6d: {  	_ =	shalt  }
0x6e: {  	_ =	shalt  }
0x6f: {  	_ =	shalt  }
0x70: {  	_ =	shalt  }
0x71: {  	_ =	shalt  }
0x72: {  	_ =	shalt  }
0x73: {  	_ =	shalt  }
0x74: {  	_ =	shalt  }
0x75: {  	_ =	shalt  }
0x76: {  	_ =	shalt  }
0x77: {  	_ =	shalt  }
0x78: {  	_ =	shalt  }
0x79: {  	_ =	shalt  }
0x7a: {  	_ =	shalt  }
0x7b: {  	_ =	shalt  }
0x7c: {  	_ =	shalt  }
0x7d: {  	_ =	shalt  }
0x7e: {  	_ =	shalt  }
0x7f: {  	_ =	shalt  }
0x80: {  	_ =	shalt  }
0x81: {  	_ =	shalt  }
0x82: {  	_ =	shalt  }
0x83: {  	_ =	shalt  }
0x84: {  	_ =	shalt  }
0x85: {  	_ =	shalt  }
0x86: {  	_ =	shalt  }
0x87: {  	_ =	shalt  }
.Lfunc_end0:
.L_simem_size_0:
called_computation_lowered:
.L_overlay_start_0:
0x88: {  	s2 =	sld [smem:$0x3FD9]  }
0x89: {  	s3 =	sld [smem:$0x3FFE];
	_ =	sdelay $0x1  }
0x8a: {  	s1 =	srdreg.scid  }
0x8b: {  	s0 =	sand.u32 $0x1, s1  }
0x8c: {  	s17 =	sshll.u32 s0, $0xA;
	s2 =	sadd.s32 s3, s2  }
0x8d: {  	s2 =	sadd.s32 s2, s17  }
0x8e: {  	[smem:$0x3FC0] =	sst s2  }
0x8f: {  	_ = 	snop  }
0x90: {  	s2 =	sld [smem:$0x3FC9];
	(tm) =	ssettm $0x1  }
0x91: {  	s18 =	sld [smem:$0x3FFB];
	_ =	sdelay $0x3  }
0x92: {  	_ =	strace s18  }
0x93: {  	s3 =	sld [smem:$0x3FFC];
	_ =	sdelay $0x3  }
0x94: {  	_ =	strace s3  }
0x95: {  	s3 =	sld [smem:$0x3FFD];
	_ =	sdelay $0x3  }
0x96: {  	_ =	strace s3  }
0x97: {  	_ =	strace $0x8FFFFFFF  }
0x98: {  	s19 =	sld [smem:$0x3FDB];
	_ =	sdelay $0x1  }
0x99: {  	s4 =	simm.s32 $_scs_section_size  }
0x9a: {  	s5 =	simm.s32 $_size__tile_overlayer_lowered;
	s6 =	simm.s32 $_tile_overlayer_lowered  }
0x9b: {  	s22 =	simm.s32 $0x1BFF;
	s21 =	sshll.u32 s6, $0x1;
	s3 =	sadd.s32 s4, s19  }
0x9c: {  	s7 =	simm.s32 $0x0;
	s20 =	sshll.u32 s5, $0x1;
	s5 =	sadd.s32 s21, s3  }
0x9d: {  	[timem:s7], [sflag:s22] =	dma.local [hbm:s5], s20  }
0x9e: {  	_ =	swait.ge [sflag:s22], s20  }
0x9f: {  	s4 =	ssub.s32 $0x0, s20;
	[sflag:s22] =	ssyncset.done $0x0  }
0xa0: {  	[sflag:s22] =	ssyncadd.s32 s4;
	_ =	sdelay $0x1  }
0xa1: {  	s23 =	simm.s32 $0x1B8B  }
0xa2: {  	_ =	swait.ge [sflag:s23], $0x1  }
0xa3: {  	[sflag:s23] =	ssyncset.done $0x0  }
0xa4: {  	s25 =	simm.s32 $0x1B8E;
	s24 =	sld [smem:$0x3FFE];
	[sflag:s23] =	ssyncadd.s32 $0xFFFFFFFF  }
0xa5: {  	s26 =	simm.s32 $execute0_lowered;
	[smem:$0x3FD2] =	sst s25  }
0xa6: {  	s5 =	sshll.u32 s26, $0x1;
	_ =	strace $0x80000046;
	[dreg:$0x1] =	wrdreg $0xFFFFFFFF  }
0xa7: {  	s28 =	simm.s32 $_size_execute0_lowered;
	s3 =	sadd.s32 s3, s5;
	[dreg:$0x0] =	wrdreg $0x0  }
0xa8: {  	s5 =	sshll.u32 s28, $0x1;
	[dreg:$0x2] =	wrdreg s3  }
0xa9: {  	[dreg:$0x3] =	wrdreg s5  }
0xaa: {  	[dreg:$0x4] =	wrdreg $0xC0  }
0xab: {  	_ =	task [dreg:s7], $0x5FFFF  }
0xac: {  	[dreg:$0x1] =	wrdreg $0xFFFFFFFF  }
0xad: {  	[dreg:$0x0] =	wrdreg $0x60  }
0xae: {  	[dreg:$0x2] =	wrdreg s2  }
0xaf: {  	[dreg:$0x3] =	wrdreg s24  }
0xb0: {  	[dreg:$0x4] =	wrdreg $0xA8000  }
0xb1: {  	[dreg:$0x5] =	wrdreg $0x9  }
0xb2: {  	_ =	task.clear_ibuf [dreg:s7], $0x6FFFF;
	_ =	strace $0x90000046  }
0xb3: {  	s29 =	simm.s32 $0x9;
	_ =	strace $0x80000048  }
0xb4: {  	_ =	swait.ge [sflag:s29], $0x1  }
0xb5: {  	[sflag:s29] =	ssyncadd.s32 $0xFFFFFFFF  }
0xb6: {  	_ =	strace $0x90000048  }
0xb7: {  	_ =	sfence  }
0xb8: {  	s30 =	sld [smem:$0x0];
	_ =	sdelay $0x2  }
0xb9: {  	s31 =	sshll.u32 s1, $0xD;
	s1 =	sshrl.u32 s1, $0x2  }
0xba: {  	s3 =	sand.u32 $0x4000, s31;
	s1 =	sadd.s32 s1, s30  }
0xbb: {  	s0 =	sor.u32 s3, s0;
	s1 =	sshll.u32 s1, $0x11  }
0xbc: {  	s0 =	sor.u32 s1, s0  }
0xbd: {  	s0 =	sadd.s32 $0x8F2B, s0  }
0xbe: {  	[sflag:s0] =	ssyncadd.remote.s32 $0x1  }
0xbf: {  	_ =	sfence.sel $0xFFFF  }
0xc0: {  	[dreg:$0x0] =	wrdreg $0xFFFFFFFF;
	(pc) =	sbr.abs _section_cstart, $3  }
0xc1: {  	[dreg:$0x1] =	wrdreg $0xFFFFFFFF  }
0xc2: {  	_ =	task.clear_ibuf [dreg:s7], $0x2FFFF;
	_ =	strace $0x9FFFFFFF  }
0xc3: {  	(tm) =	ssettm $0x7FFFFFFF  }
tec
execute0_lowered:
.L_overlay_start_1:
0x0: {  	(tag) =	ssettag $0x1  }
0x1: {  	s1 =	rddreg [dreg:$0x0]  }
0x2: {  	s0 =	rddreg [dreg:$0x1]  }
0x3: {  	s3 =	rddreg [dreg:$0x2]  }
0x4: {  	s2 =	srdreg.scid;
	s15 =	stileid.u32  }
0x5: {  	s4 =	simm.s32 $0x0;
	s30 =	simm.s32 $0x2800;
	s28 =	simm.s32 $0x2  }
0x6: {  	s29 =	simm.s32 $0x4;
	s2 =	sand.u32 $0x1, s2;
	s5 =	sshll.u32 s15, $0x1  }
0x7: {  	s31 =	simm.s32 $0xC;
	s21 =	smul.u32 $0x4E20, s15;
	s5 =	sor.u32 s2, s5  }
0x8: {  	[smem:$0x7FF] =	sst s4;
	s14 =	sadd.s32 $0xBA00, s0;
	s5 =	smul.u32 $0x2710, s5  }
0x9: {  	s13 =	sadd.s32 $0x1C00, s0;
	s0 =	sadd.s32 $0x15800, s0;
	s24 =	smul.u32 $0x4E000, s15  }
0xa: {  	_ =	strace $0x80000047;
	s6 =	ssub.s32 $0x2, s2;
	s5 =	sshrl.u32 s5, $0x3  }
0xb: {  	s7 =	sshrl.u32 s6, $0x1;
	s25 =	sadd.s32 s14, s5;
	s26 =	sadd.s32 $0xA, s5  }
0xc: {  	s6 =	ssub.s32 s6, s7;
	[dreg:$0x4] =	wrdreg s25;
	s8 =	sadd.s32 s14, s26  }
0xd: {  	s9 =	sadd.s32 $0x14, s5;
	s7 =	sadd.s32 s13, s26;
	[dreg:$0x5] =	wrdreg s8  }
0xe: {  	s11 =	sadd.s32 $0x1E, s5;
	s10 =	sadd.s32 s14, s9;
	[dreg:$0x6] =	wrdreg s7  }
0xf: {  	s22 =	sadd.s32 $0x3C, s5;
	s12 =	sadd.s32 s14, s11;
	[dreg:$0x7] =	wrdreg s10  }
0x10: {  	p0 =	sne.s32 s15, $0xF;
	s23 =	sadd.s32 s14, s22;
	[dreg:$0x9] =	wrdreg s12  }
0x11: {  	s16 =	smul.u32 $0x138800, s2;
	s25 =	sadd.s32 s13, s22;
	[dreg:$0x10] =	wrdreg s23  }
0x12: {  	s2 =	smul.u32 $0x2710, s2;
	s26 =	sadd.s32 s13, s5;
	[dreg:$0x11] =	wrdreg s25  }
0x13: {  	s17 =	sadd.s32 $0x28, s5;
	s7 =	sadd.s32 s13, s9;
	[dreg:$0x12] =	wrdreg s26  }
0x14: {  	s2 =	sadd.s32 s2, s21;
	s8 =	sadd.s32 s13, s17;
	[dreg:$0x8] =	wrdreg s7  }
0x15: {  	s9 =	sadd.s32 $0x32, s5;
	s7 =	sadd.s32 s13, s11;
	[dreg:$0xc] =	wrdreg s8  }
0x16: {  	s10 =	smul.u32 $0x13800, s15;
	s11 =	sadd.s32 s14, s17;
	[dreg:$0xa] =	wrdreg s7  }
0x17: {  	s5 =	sadd.s32 $0x46, s5;
	s18 =	sadd.s32 s14, s9;
	[dreg:$0xb] =	wrdreg s11  }
0x18: {  	s26 =	sadd.s32 $0x370, s2;
	s19 =	sadd.s32 s13, s9;
	[dreg:$0xd] =	wrdreg s18  }
0x19: {  	s9 =	sadd.s32 s14, s5;
	s5 =	sadd.s32 s13, s5;
	[dreg:$0xe] =	wrdreg s19  }
0x1a: {  	s20 =	sadd.s32 s10, s16;
	s7 =	sshrl.u32 s16, $0x3;
	[dreg:$0x13] =	wrdreg s9  }
0x1b: {  	s10 =	smul.u32 $0x50000, s15;
	[dreg:$0x14] =	wrdreg s5;
	s11 =	smax.u32 s6, $0x1  }
0x1c: {  	s16 =	sadd.s32 $0x4B0, s2;
	s18 =	sadd.s32 $0x460, s2;
	s15 =	simm.s32 $0x11  }
0x1d: {  	s8 =	sshrl.u32 s20, $0x3;
	[dreg:$0x16] =	wrdreg s11;
	s17 =	sshrl.u32 s16, $0x3  }
0x1e: {  	s6 =	sshrl.u32 s18, $0x3;
	s20 =	sadd.s32 $0x410, s2;
	s11 =	sadd.s32 $0x320, s2  }
0x1f: {  	s8 =	sadd.s32 s0, s8;
	s0 =	sadd.s32 s0, s7;
	s7 =	sshrl.u32 s24, $0x2  }
0x20: {  	s12 =	sshrl.u32 s10, $0x2;
	s19 =	sadd.s32 s17, s13;
	[dreg:$0xf] =	wrdreg s8  }
0x21: {  	s21 =	sshrl.u32 s20, $0x3;
	s22 =	sadd.s32 s6, s13;
	[dreg:$0x18] =	wrdreg s19  }
0x22: {  	s6 =	sadd.s32 s6, s14;
	s24 =	sadd.s32 $0x3C0, s2;
	[dreg:$0x1a] =	wrdreg s22  }
0x23: {  	s10 =	sshrl.u32 s26, $0x3;
	s0 =	sadd.s32 $0x27000, s0;
	[dreg:$0x1b] =	wrdreg s6  }
0x24: {  	s16 =	sshrl.u32 s11, $0x3;
	s23 =	sadd.s32 s21, s13;
	[dreg:$0x15] =	wrdreg s0  }
0x25: {  	s11 =	smov.u32 s13;
	s6 =	sadd.s32 s10, s13;
	[dreg:$0x1c] =	wrdreg s23  }
0x26: {  	s8 =	sadd.s32 s12, s3;
	s18 =	sadd.s32 s16, s13;
	[smem:$0x7F1] =	sst s6  }
0x27: {  	s12 =	sadd.s32 $0x2D0, s2;
	s2 =	sadd.s32 $0x280, s2;
	[smem:$0x7F3] =	sst s18  }
0x28: {  	s5 =	sadd.s32 s7, s3;
	s25 =	sshrl.u32 s24, $0x3;
	[smem:$0x7F4] =	sst s2  }
0x29: {  	s7 =	simm.s32 $0x0;
	s0 =	sadd.s32 s17, s14;
	[dreg:$0x17] =	wrdreg s8  }
0x2a: {  	s9 =	sadd.s32 s25, s13;
	s17 =	sshrl.u32 s12, $0x3;
	[dreg:$0x19] =	wrdreg s0  }
0x2b: {  	s12 =	sadd.s32 s16, s14;
	s19 =	sshrl.u32 s5, $0x3;
	[dreg:$0x1e] =	wrdreg s9  }
0x2c: {  	s20 =	sadd.s32 $0x2800, s8;
	s22 =	sadd.s32 $0x7800, s8;
	[smem:$0x7F5] =	sst s19  }
0x2d: {  	s23 =	sadd.s32 $0xA000, s8;
	s24 =	sadd.s32 $0xC800, s8;
	[smem:$0x7F7] =	sst s20  }
0x2e: {  	s26 =	sadd.s32 $0x11800, s8;
	s18 =	simm.s32 $0x15;
	[smem:$0x7F9] =	sst s22  }
0x2f: {  	s2 =	simm.s32 $0x9;
	s0 =	sadd.s32 s21, s14;
	[smem:$0x7FA] =	sst s23  }
0x30: {  	s13 =	sadd.s32 s17, s13;
	s21 =	sadd.s32 $0x5000, s8;
	[smem:$0x7FB] =	sst s24  }
0x31: {  	[smem:$0x7FD] =	sst s26;
	s20 =	simm.s32 $0xA580;
	s22 =	simm.s32 $0xA600  }
0x32: {  	s24 =	simm.s32 $0x1;
	s23 =	simm.s32 $0x5;
	s19 =	simm.s32 $0x50  }
0x33: {  	s26 =	simm.s32 $0x7800;
	[dreg:$0x1d] =	wrdreg s0;
	s0 =	sadd.s32 s25, s14  }
.Ltmp0:
0x34: {  	[smem:$0x7F8] =	sst s21;
	s25 =	sadd.s32 $0xF000, s8;
	(pc) =	sbr.rel .LBB2_1-.Ltmp0, $4  }
0x35: {  	s21 =	simm.s32 $0xA200;
	[dreg:$0x1f] =	wrdreg s0;
	s0 =	sadd.s32 s10, s14  }
0x36: {  	s10 =	smov.u32 s14;
	[smem:$0x7F2] =	sst s0;
	s0 =	sadd.s32 $0x138000, s3  }
0x37: {  	s14 =	sadd.s32 s17, s14;
	[smem:$0x7FC] =	sst s25;
	s0 =	sshrl.u32 @!p0 s0, $0x3  }
0x38: {  	v0 =	vimm.f32 $0.0e+00;
	s17 =	simm.s32 $0xD;
	[smem:$0x7F6] =	sst s0;
	s0 =	simm.s32 $0x14  }
.LBB2_8:
0x39: {  	_ =	swait.ge [sflag:s24], $0x2800  }
0x3a: {  	[sflag:s24] =	ssyncset.done $0x0  }
0x3b: {  	[sflag:s24] =	ssyncadd.s32 $0xFFFFD800  }
0x3c: {  	[spmem:s3] =	stream.indirect.scatter.add.f32 [tilespmem:s4], [sflag:$0x15], $0x80, s22, s19, $0xb8;
	[tilespmem:$0x1E800] =	vst v63  }
0x3d: {  	_ =	swait.ge [sflag:s18], $0x2800  }
0x3e: {  	[sflag:s18] =	ssyncset.done $0x0  }
0x3f: {  	[sflag:s18] =	ssyncadd.s32 $0xFFFFD800  }
0x40: {  	[bflag:$0x0] =	sbarrier.arrive $0xFFFF  }
0x41: {  	s5 =	stileid.u32;
	s7 =	sld [smem:$0x7F5]  }
0x42: {  	s5 =	sshll.u32 s5, $0x6  }
0x43: {  	s5 =	sor.u32 $0x1C15, s5;
	s6 =	rddreg [dreg:$0xf]  }
0x44: {  	[hbm:s6], [sflag:s5] =	dma.local [spmem:s7], $0x2700  }
0x45: {  	_ =	swait.ge [sflag:s18], $0x2700  }
0x46: {  	s7 =	sld [smem:$0x7F6]  }
0x47: {  	[sflag:s18] =	ssyncset.done $0x0  }
0x48: {  	s6 =	rddreg [dreg:$0x15];
	[sflag:s18] =	ssyncadd.s32 $0xFFFFD900  }
0x49: {  	[hbm:s6], [sflag:s5] =	dma.local @!p0 [spmem:s7], $0x100  }
0x4a: {  	s5 =	simm.s32 @!p0 $0x15  }
0x4b: {  	_ =	swait.ge @!p0 [sflag:s5], $0x100  }
0x4c: {  	s16 =	sld [smem:$0x7F0];
	_ =	sdelay $0x2  }
0x4d: {  	s25 =	rddreg [dreg:$0x16];
	s7 =	sadd.s32 $0x1, s16  }
0x4e: {  	p1 =	sne.s32 s7, s25  }
.Ltmp1:
0x4f: {  	_ = 	snop;
	(pc) =	sbr.rel @!p1 .LBB2_9-.Ltmp1, $3  }
0x50: {  	_ =	sdelay $0x1  }
0x51: {  	[sflag:s5] =	ssyncset.done @!p0 $0x0  }
0x52: {  	[sflag:s5] =	ssyncadd.s32 @!p0 $0xFFFFFF00  }
.LBB2_1:
0x53: {  	s5 =	rddreg [dreg:$0x4];
	s6 =	simm.s32 $0xA000  }
0x54: {  	[tilespmem:s6], [sflag:$0x5] =	stream.linear.gather [hbm4b:s5+s4], $0x50, $0x38;
	[tilespmem:$0x1E800] =	vst v63  }
0x55: {  	s8 =	rddreg [dreg:$0x12];
	s9 =	simm.s32 $0xA400  }
0x56: {  	[tilespmem:s9], [sflag:$0xD] =	stream.linear.gather [hbm4b:s8+s4], $0x50, $0x38;
	[tilespmem:$0x1E800] =	vst v63  }
0x57: {  	s16 =	rddreg [dreg:$0x5];
	s25 =	simm.s32 $0xA080  }
0x58: {  	[tilespmem:s25], [sflag:$0x6] =	stream.linear.gather [hbm4b:s16+s4], $0x50, $0x38;
	[tilespmem:$0x1E800] =	vst v63  }
0x59: {  	s8 =	rddreg [dreg:$0x6];
	s9 =	simm.s32 $0xA480  }
0x5a: {  	[tilespmem:s9], [sflag:$0xE] =	stream.linear.gather [hbm4b:s8+s4], $0x50, $0x38;
	[tilespmem:$0x1E800] =	vst v63  }
0x5b: {  	s16 =	rddreg [dreg:$0x7];
	s25 =	simm.s32 $0xA100  }
0x5c: {  	[tilespmem:s25], [sflag:$0x7] =	stream.linear.gather [hbm4b:s16+s4], $0x50, $0x38;
	[tilespmem:$0x1E800] =	vst v63  }
0x5d: {  	s8 =	rddreg [dreg:$0x8];
	s9 =	simm.s32 $0xA500  }
0x5e: {  	[tilespmem:s9], [sflag:$0xF] =	stream.linear.gather [hbm4b:s8+s4], $0x50, $0x38;
	[tilespmem:$0x1E800] =	vst v63  }
0x5f: {  	s16 =	rddreg [dreg:$0x9];
	s25 =	simm.s32 $0xA180  }
0x60: {  	[tilespmem:s25], [sflag:$0x8] =	stream.linear.gather [hbm4b:s16+s4], $0x50, $0x38;
	[tilespmem:$0x1E800] =	vst v63  }
0x61: {  	s6 =	rddreg [dreg:$0xa]  }
0x62: {  	[tilespmem:s20], [sflag:$0x10] =	stream.linear.gather [hbm4b:s6+s4], $0x50, $0x38;
	[tilespmem:$0x1E800] =	vst v63  }
0x63: {  	s8 =	rddreg [dreg:$0xb]  }
0x64: {  	[tilespmem:s21], [sflag:$0x9] =	stream.linear.gather [hbm4b:s8+s4], $0x50, $0x38;
	[tilespmem:$0x1E800] =	vst v63  }
0x65: {  	s9 =	rddreg [dreg:$0xc]  }
0x66: {  	[tilespmem:s22], [sflag:$0x11] =	stream.linear.gather [hbm4b:s9+s4], $0x50, $0x38;
	[tilespmem:$0x1E800] =	vst v63  }
0x67: {  	s16 =	rddreg [dreg:$0xd];
	s25 =	simm.s32 $0xA280  }
0x68: {  	[tilespmem:s25], [sflag:$0xA] =	stream.linear.gather [hbm4b:s16+s4], $0x50, $0x38;
	[tilespmem:$0x1E800] =	vst v63  }
0x69: {  	s8 =	rddreg [dreg:$0xe];
	s9 =	simm.s32 $0xA680  }
0x6a: {  	[tilespmem:s9], [sflag:$0x12] =	stream.linear.gather [hbm4b:s8+s4], $0x50, $0x38;
	[tilespmem:$0x1E800] =	vst v63  }
0x6b: {  	s16 =	rddreg [dreg:$0x10];
	s25 =	simm.s32 $0xA300  }
0x6c: {  	[tilespmem:s25], [sflag:$0xB] =	stream.linear.gather [hbm4b:s16+s4], $0x50, $0x38;
	[tilespmem:$0x1E800] =	vst v63  }
0x6d: {  	s8 =	rddreg [dreg:$0x11];
	s9 =	simm.s32 $0xA700  }
0x6e: {  	[tilespmem:s9], [sflag:$0x13] =	stream.linear.gather [hbm4b:s8+s4], $0x50, $0x38;
	[tilespmem:$0x1E800] =	vst v63  }
0x6f: {  	s16 =	rddreg [dreg:$0x13];
	s25 =	simm.s32 $0xA380  }
0x70: {  	[tilespmem:s25], [sflag:$0xC] =	stream.linear.gather [hbm4b:s16+s4], $0x50, $0x38;
	[tilespmem:$0x1E800] =	vst v63  }
0x71: {  	s8 =	rddreg [dreg:$0x14];
	s16 =	sand.u32 $0xFE00, s4  }
0x72: {  	s9 =	simm.s32 $0xA780;
	s25 =	sand.u32 $0x70, s4;
	s16 =	sshrl.u32 s16, $0x2  }
0x73: {  	[tilespmem:s9], [sflag:$0x14] =	stream.linear.gather [hbm4b:s8+s4], $0x50, $0x38;
	[tilespmem:$0x1E800] =	vst v63  }
0x74: {  	s5 =	simm.s32 $0x40;
	s6 =	simm.s32 $0x0;
	s16 =	sor.u32 s25, s16  }
.LBB2_2:
0x75: {  	p1 =	sne.s32 s5, $0x9FC0  }
0x76: {  	[tilespmem:s16+$0x0] =	vst v0;
	s6 =	sadd.s32 $0x10, s6;
	s16 =	smov.u32 s5;
	s5 =	sadd.s32 $0x40, s5  }
.Ltmp2:
0x77: {  	(pc) =	sbr.rel @p1 .LBB2_2-.Ltmp2, $4  }
0x78: {  	_ = 	snop  }
0x79: {  	s16 =	sand.u32 $0xFE00, s16  }
0x7a: {  	s25 =	sand.u32 $0x70, s6;
	s16 =	sshrl.u32 s16, $0x2  }
0x7b: {  	s16 =	sor.u32 s25, s16  }
0x7c: {  	[smem:$0x7F0] =	sst s7  }
0x7d: {  	s5 =	rddreg [dreg:$0x17]  }
0x7e: {  	[tilespmem:s16+$0x0] =	vst v0;
	s25 =	simm.s32 $0x0;
	s9 =	sld [smem:$0x7F7]  }
0x7f: {  	[spmem:s5] =	stream.linear.scatter [tilespmem:s25], [sflag:$0x1], $0x2800, $0x38;
	[tilespmem:$0x1E800] =	vst v63  }
0x80: {  	s16 =	sld [smem:$0x7F8]  }
0x81: {  	[spmem:s9] =	stream.linear.scatter [tilespmem:s25], [sflag:$0x1], $0x2800, $0x38;
	[tilespmem:$0x1E800] =	vst v63  }
0x82: {  	s6 =	sld [smem:$0x7F9]  }
0x83: {  	[spmem:s16] =	stream.linear.scatter [tilespmem:s25], [sflag:$0x1], $0x2800, $0x38;
	[tilespmem:$0x1E800] =	vst v63  }
0x84: {  	s7 =	sld [smem:$0x7FA]  }
0x85: {  	[spmem:s6] =	stream.linear.scatter [tilespmem:s25], [sflag:$0x1], $0x2800, $0x38;
	[tilespmem:$0x1E800] =	vst v63  }
0x86: {  	s8 =	sld [smem:$0x7FB]  }
0x87: {  	[spmem:s7] =	stream.linear.scatter [tilespmem:s25], [sflag:$0x1], $0x2800, $0x38;
	[tilespmem:$0x1E800] =	vst v63  }
0x88: {  	s9 =	sld [smem:$0x7FC]  }
0x89: {  	[spmem:s8] =	stream.linear.scatter [tilespmem:s25], [sflag:$0x1], $0x2800, $0x38;
	[tilespmem:$0x1E800] =	vst v63  }
0x8a: {  	s16 =	sld [smem:$0x7FD]  }
0x8b: {  	[spmem:s9] =	stream.linear.scatter [tilespmem:s25], [sflag:$0x1], $0x2800, $0x38;
	[tilespmem:$0x1E800] =	vst v63  }
0x8c: {  	_ = 	snop  }
0x8d: {  	[spmem:s16] =	stream.linear.scatter [tilespmem:s25], [sflag:$0x1], $0x2800, $0x38;
	[tilespmem:$0x1E800] =	vst v63  }
0x8e: {  	_ =	swait.ge [sflag:s24], $0x2800  }
0x8f: {  	[sflag:s24] =	ssyncset.done $0x0  }
0x90: {  	[sflag:s24] =	ssyncadd.s32 $0xFFFFD800  }
0x91: {  	_ =	swait.ge [sflag:s24], $0x2800  }
0x92: {  	[sflag:s24] =	ssyncset.done $0x0  }
0x93: {  	[sflag:s24] =	ssyncadd.s32 $0xFFFFD800  }
0x94: {  	_ =	swait.ge [sflag:s24], $0x2800  }
0x95: {  	[sflag:s24] =	ssyncset.done $0x0  }
0x96: {  	[sflag:s24] =	ssyncadd.s32 $0xFFFFD800  }
0x97: {  	_ =	swait.ge [sflag:s24], $0x2800  }
0x98: {  	[sflag:s24] =	ssyncset.done $0x0  }
0x99: {  	[sflag:s24] =	ssyncadd.s32 $0xFFFFD800  }
0x9a: {  	_ =	swait.ge [sflag:s24], $0x2800  }
0x9b: {  	[sflag:s24] =	ssyncset.done $0x0  }
0x9c: {  	[sflag:s24] =	ssyncadd.s32 $0xFFFFD800  }
0x9d: {  	_ =	swait.ge [sflag:s24], $0x2800  }
0x9e: {  	[sflag:s24] =	ssyncset.done $0x0  }
0x9f: {  	[sflag:s24] =	ssyncadd.s32 $0xFFFFD800  }
0xa0: {  	_ =	swait.ge [sflag:s24], $0x2800  }
0xa1: {  	[sflag:s24] =	ssyncset.done $0x0  }
0xa2: {  	[sflag:s24] =	ssyncadd.s32 $0xFFFFD800  }
0xa3: {  	_ =	swait.ge [sflag:s24], $0x2800  }
0xa4: {  	[sflag:s24] =	ssyncset.done $0x0  }
0xa5: {  	[sflag:s24] =	ssyncadd.s32 $0xFFFFD800  }
0xa6: {  	[bflag:$0x0] =	sbarrier.arrive $0xFFFF  }
0xa7: {  	_ =	swait.ge [sflag:s23], $0x50  }
0xa8: {  	[sflag:s23] =	ssyncset.done $0x0  }
0xa9: {  	[sflag:s23] =	ssyncadd.s32 $0xFFFFFFB0  }
0xaa: {  	_ =	swait.ge [sflag:s17], $0x50  }
0xab: {  	[sflag:s17] =	ssyncset.done $0x0  }
0xac: {  	s6 =	simm.s32 $0xA000;
	s7 =	simm.s32 $0x6;
	[sflag:s17] =	ssyncadd.s32 $0xFFFFFFB0  }
0xad: {  	[tilespmem:s25], [sflag:$0x1] =	stream.indirect.gather [hbm4b:s1+s19], $0x80, s6, s19, $0xb8;
	[tilespmem:$0x1E800] =	vst v63  }
0xae: {  	_ =	swait.ge [sflag:s7], $0x50  }
0xaf: {  	[sflag:s7] =	ssyncset.done $0x0  }
0xb0: {  	s8 =	simm.s32 $0xE;
	[sflag:s7] =	ssyncadd.s32 $0xFFFFFFB0  }
0xb1: {  	_ =	swait.ge [sflag:s8], $0x50  }
0xb2: {  	[sflag:s8] =	ssyncset.done $0x0  }
0xb3: {  	s9 =	simm.s32 $0xA080;
	s16 =	simm.s32 $0x7;
	[sflag:s8] =	ssyncadd.s32 $0xFFFFFFB0  }
0xb4: {  	[tilespmem:s30], [sflag:$0x2] =	stream.indirect.gather [hbm4b:s1+s19], $0x80, s9, s19, $0xb8;
	[tilespmem:$0x1E800] =	vst v63  }
0xb5: {  	_ =	swait.ge [sflag:s16], $0x50  }
0xb6: {  	[sflag:s16] =	ssyncset.done $0x0  }
0xb7: {  	s6 =	simm.s32 $0xF;
	[sflag:s16] =	ssyncadd.s32 $0xFFFFFFB0  }
0xb8: {  	_ =	swait.ge [sflag:s6], $0x50  }
0xb9: {  	s7 =	simm.s32 $0xA100;
	[sflag:s6] =	ssyncset.done $0x0  }
0xba: {  	s8 =	simm.s32 $0x8;
	[sflag:s6] =	ssyncadd.s32 $0xFFFFFFB0;
	s6 =	simm.s32 $0x5000  }
0xbb: {  	[tilespmem:s6], [sflag:$0x3] =	stream.indirect.gather [hbm4b:s1+s19], $0x80, s7, s19, $0xb8;
	[tilespmem:$0x1E800] =	vst v63  }
0xbc: {  	_ =	swait.ge [sflag:s8], $0x50  }
0xbd: {  	[sflag:s8] =	ssyncset.done $0x0  }
0xbe: {  	s9 =	simm.s32 $0x10;
	[sflag:s8] =	ssyncadd.s32 $0xFFFFFFB0  }
.Ltmp3:
0xbf: {  	_ =	swait.ge [sflag:s9], $0x50;
	(pc) =	sbr.rel .LBB2_4-.Ltmp3, $4  }
0xc0: {  	[sflag:s9] =	ssyncset.done $0x0  }
0xc1: {  	s16 =	simm.s32 $0xA180;
	[sflag:s9] =	ssyncadd.s32 $0xFFFFFFB0  }
0xc2: {  	[tilespmem:s26], [sflag:$0x4] =	stream.indirect.gather [hbm4b:s1+s19], $0x80, s16, s19, $0xb8;
	[tilespmem:$0x1E800] =	vst v63  }
0xc3: {  	s5 =	simm.s32 $0x0;
	s16 =	sld [smem:$0x7F4]  }
.LBB2_7:
0xc4: {  	_ =	sdelay $0x1  }
0xc5: {  	s5 =	sadd.s32 $0x1, s5;
	s25 =	sadd.s32 $0x50, s25;
	s16 =	sadd.s32 $0x280, s16  }
.LBB2_4:
0xc6: {  	_ =	swait.ge [sflag:s24], $0x2800  }
0xc7: {  	[sflag:s24] =	ssyncset.done $0x0  }
0xc8: {  	s6 =	simm.s32 $0xA400;
	[sflag:s24] =	ssyncadd.s32 $0xFFFFD800  }
0xc9: {  	[spmem:s3] =	stream.indirect.scatter.add.f32 [tilespmem:s4], [sflag:$0x15], $0x80, s6, s19, $0xb8;
	[tilespmem:$0x1E800] =	vst v63  }
0xca: {  	p1 =	seq.s32 s25, $0x4B0;
	_ =	swait.ge [sflag:s18], $0x2800  }
0xcb: {  	s9 =	simm.s32 @!p1 $0xA000;
	s7 =	sshrl.u32 @!p1 s16, $0x3;
	[sflag:s18] =	ssyncset.done $0x0  }
0xcc: {  	s8 =	sadd.s32 @!p1 s10, s7;
	s6 =	simm.s32 @!p1 $0x0;
	[sflag:s18] =	ssyncadd.s32 $0xFFFFD800  }
0xcd: {  	[tilespmem:s9], [sflag:$0x5] =	stream.linear.gather @!p1 [hbm4b:s8+s6], $0x50, $0x38;
	[tilespmem:$0x1E800] =	vst v63  }
0xce: {  	s7 =	sadd.s32 @!p1 s11, s7;
	s8 =	simm.s32 @!p1 $0xA400  }
0xcf: {  	[tilespmem:s8], [sflag:$0xD] =	stream.linear.gather @!p1 [hbm4b:s7+s6], $0x50, $0x38;
	[tilespmem:$0x1E800] =	vst v63  }
0xd0: {  	_ =	swait.ge [sflag:s2], $0x50  }
0xd1: {  	[sflag:s2] =	ssyncset.done $0x0  }
0xd2: {  	[sflag:s2] =	ssyncadd.s32 $0xFFFFFFB0  }
0xd3: {  	_ =	swait.ge [sflag:s15], $0x50  }
0xd4: {  	[sflag:s15] =	ssyncset.done $0x0  }
0xd5: {  	[sflag:s15] =	ssyncadd.s32 $0xFFFFFFB0  }
0xd6: {  	[tilespmem:s4], [sflag:$0x1] =	stream.indirect.gather [hbm4b:s1+s19], $0x80, s21, s19, $0xb8;
	[tilespmem:$0x1E800] =	vst v63  }
0xd7: {  	_ =	swait.ge [sflag:s28], $0x2800  }
0xd8: {  	[sflag:s28] =	ssyncset.done $0x0  }
0xd9: {  	s9 =	simm.s32 $0xA480;
	[sflag:s28] =	ssyncadd.s32 $0xFFFFD800  }
0xda: {  	[spmem:s3] =	stream.indirect.scatter.add.f32 [tilespmem:s30], [sflag:$0x15], $0x80, s9, s19, $0xb8;
	[tilespmem:$0x1E800] =	vst v63  }
0xdb: {  	_ =	swait.ge [sflag:s18], $0x2800  }
0xdc: {  	[sflag:s18] =	ssyncset.done $0x0  }
0xdd: {  	s7 =	simm.s32 @p1 $0x3;
	[sflag:s18] =	ssyncadd.s32 $0xFFFFD800  }
0xde: {  	_ =	swait.ge @p1 [sflag:s7], $0x2800  }
0xdf: {  	s8 =	simm.s32 @p1 $0xA500;
	[sflag:s7] =	ssyncset.done @p1 $0x0  }
0xe0: {  	s9 =	simm.s32 @p1 $0x5000;
	[sflag:s7] =	ssyncadd.s32 @p1 $0xFFFFD800;
	s7 =	simm.s32 @p1 $0x50  }
0xe1: {  	[spmem:s3] =	stream.indirect.scatter.add.f32 @p1 [tilespmem:s9], [sflag:$0x15], $0x80, s8, s7, $0xb8;
	[tilespmem:$0x1E800] =	vst v63  }
0xe2: {  	s7 =	simm.s32 @p1 $0x15  }
0xe3: {  	_ =	swait.ge @p1 [sflag:s7], $0x2800  }
0xe4: {  	[sflag:s7] =	ssyncset.done @p1 $0x0  }
0xe5: {  	s8 =	simm.s32 @!p1 $0xA080;
	[sflag:s7] =	ssyncadd.s32 @p1 $0xFFFFD800;
	s7 =	sadd.s32 @!p1 s25, s14  }
0xe6: {  	[tilespmem:s8], [sflag:$0x6] =	stream.linear.gather @!p1 [hbm4b:s7+s6], $0x50, $0x38;
	[tilespmem:$0x1E800] =	vst v63  }
0xe7: {  	s7 =	sadd.s32 @!p1 s25, s13;
	s8 =	simm.s32 @!p1 $0xA480  }
0xe8: {  	[tilespmem:s8], [sflag:$0xE] =	stream.linear.gather @!p1 [hbm4b:s7+s6], $0x50, $0x38;
	[tilespmem:$0x1E800] =	vst v63  }
0xe9: {  	s7 =	simm.s32 @!p1 $0xA  }
0xea: {  	_ =	swait.ge @!p1 [sflag:s7], $0x50  }
0xeb: {  	[sflag:s7] =	ssyncset.done @!p1 $0x0  }
0xec: {  	[sflag:s7] =	ssyncadd.s32 @!p1 $0xFFFFFFB0;
	s7 =	simm.s32 @!p1 $0x12  }
0xed: {  	_ =	swait.ge @!p1 [sflag:s7], $0x50  }
0xee: {  	s9 =	simm.s32 @!p1 $0x2800;
	[sflag:s7] =	ssyncset.done @!p1 $0x0  }
0xef: {  	s8 =	simm.s32 @!p1 $0xA280;
	[sflag:s7] =	ssyncadd.s32 @!p1 $0xFFFFFFB0;
	s7 =	simm.s32 @!p1 $0x50  }
0xf0: {  	[tilespmem:s9], [sflag:$0x2] =	stream.indirect.gather @!p1 [hbm4b:s1+s7], $0x80, s8, s7, $0xb8;
	[tilespmem:$0x1E800] =	vst v63  }
0xf1: {  	s8 =	simm.s32 @!p1 $0x3  }
0xf2: {  	_ =	swait.ge @!p1 [sflag:s8], $0x2800  }
0xf3: {  	[sflag:s8] =	ssyncset.done @!p1 $0x0  }
0xf4: {  	s9 =	simm.s32 @!p1 $0x5000;
	[sflag:s8] =	ssyncadd.s32 @!p1 $0xFFFFD800;
	s8 =	simm.s32 @!p1 $0xA500  }
0xf5: {  	[spmem:s3] =	stream.indirect.scatter.add.f32 @!p1 [tilespmem:s9], [sflag:$0x15], $0x80, s8, s7, $0xb8;
	[tilespmem:$0x1E800] =	vst v63  }
0xf6: {  	s7 =	simm.s32 @!p1 $0x15  }
0xf7: {  	_ =	swait.ge @!p1 [sflag:s7], $0x2800  }
0xf8: {  	[sflag:s7] =	ssyncset.done @!p1 $0x0  }
0xf9: {  	s9 =	simm.s32 @!p1 $0xA100;
	[sflag:s7] =	ssyncadd.s32 @!p1 $0xFFFFD800;
	s7 =	sadd.s32 @!p1 s25, s12  }
0xfa: {  	[tilespmem:s9], [sflag:$0x7] =	stream.linear.gather @!p1 [hbm4b:s7+s6], $0x50, $0x38;
	[tilespmem:$0x1E800] =	vst v63  }
0xfb: {  	s7 =	sld [smem:$0x7F3];
	_ =	sdelay $0x1  }
0xfc: {  	p2 =	sgt.u32 @!p1 s5, $0xE  }
0xfd: {  	p2 =	por p2, p1;
	s7 =	sadd.s32 @!p1 s25, s7  }
0xfe: {  	[tilespmem:s8], [sflag:$0xF] =	stream.linear.gather @!p1 [hbm4b:s7+s6], $0x50, $0x38;
	[tilespmem:$0x1E800] =	vst v63  }
0xff: {  	s6 =	simm.s32 @!p2 $0xB  }
0x100: {  	_ =	swait.ge @!p2 [sflag:s6], $0x50  }
0x101: {  	[sflag:s6] =	ssyncset.done @!p2 $0x0  }
0x102: {  	[sflag:s6] =	ssyncadd.s32 @!p2 $0xFFFFFFB0;
	s6 =	simm.s32 @!p2 $0x13  }
0x103: {  	_ =	swait.ge @!p2 [sflag:s6], $0x50  }
0x104: {  	s7 =	simm.s32 @!p2 $0xA300;
	[sflag:s6] =	ssyncset.done @!p2 $0x0  }
0x105: {  	s8 =	simm.s32 @!p2 $0x5000;
	[sflag:s6] =	ssyncadd.s32 @!p2 $0xFFFFFFB0;
	s6 =	simm.s32 @!p2 $0x50  }
0x106: {  	[tilespmem:s8], [sflag:$0x3] =	stream.indirect.gather @!p2 [hbm4b:s1+s6], $0x80, s7, s6, $0xb8;
	[tilespmem:$0x1E800] =	vst v63  }
0x107: {  	_ =	swait.ge [sflag:s29], $0x2800  }
0x108: {  	[sflag:s29] =	ssyncset.done $0x0  }
.Ltmp4:
0x109: {  	[sflag:s29] =	ssyncadd.s32 $0xFFFFD800;
	(pc) =	sbr.rel @p1 .LBB2_8-.Ltmp4, $4  }
0x10a: {  	[spmem:s3] =	stream.indirect.scatter.add.f32 [tilespmem:s26], [sflag:$0x15], $0x80, s20, s19, $0xb8;
	[tilespmem:$0x1E800] =	vst v63  }
0x10b: {  	_ =	swait.ge [sflag:s18], $0x2800  }
0x10c: {  	[sflag:s18] =	ssyncset.done $0x0  }
0x10d: {  	[sflag:s18] =	ssyncadd.s32 $0xFFFFD800  }
0x10e: {  	s6 =	sld [smem:$0x7F2];
	_ =	sdelay $0x1  }
0x10f: {  	s8 =	sld [smem:$0x7F1]  }
0x110: {  	s7 =	simm.s32 $0xA180;
	s6 =	sadd.s32 s25, s6  }
0x111: {  	[tilespmem:s7], [sflag:$0x8] =	stream.linear.gather [hbm4b:s6+s4], $0x50, $0x38;
	[tilespmem:$0x1E800] =	vst v63  }
0x112: {  	s6 =	sadd.s32 s25, s8  }
0x113: {  	[tilespmem:s20], [sflag:$0x10] =	stream.linear.gather [hbm4b:s6+s4], $0x50, $0x38;
	[tilespmem:$0x1E800] =	vst v63  }
0x114: {  	_ =	swait.ge [sflag:s31], $0x50  }
0x115: {  	[sflag:s31] =	ssyncset.done $0x0  }
0x116: {  	[sflag:s31] =	ssyncadd.s32 $0xFFFFFFB0  }
0x117: {  	_ =	swait.ge [sflag:s0], $0x50  }
0x118: {  	[sflag:s0] =	ssyncset.done $0x0  }
0x119: {  	s9 =	simm.s32 $0xA380;
	[sflag:s0] =	ssyncadd.s32 $0xFFFFFFB0  }
0x11a: {  	[tilespmem:s26], [sflag:$0x4] =	stream.indirect.gather [hbm4b:s1+s19], $0x80, s9, s19, $0xb8;
	[tilespmem:$0x1E800] =	vst v63  }
0x11b: {  	_ =	swait.ge [sflag:s24], $0x2800  }
0x11c: {  	[sflag:s24] =	ssyncset.done $0x0  }
0x11d: {  	[sflag:s24] =	ssyncadd.s32 $0xFFFFD800  }
0x11e: {  	[spmem:s3] =	stream.indirect.scatter.add.f32 [tilespmem:s4], [sflag:$0x15], $0x80, s22, s19, $0xb8;
	[tilespmem:$0x1E800] =	vst v63  }
0x11f: {  	_ =	swait.ge [sflag:s18], $0x2800  }
0x120: {  	[sflag:s18] =	ssyncset.done $0x0;
	s7 =	rddreg [dreg:$0x1f]  }
0x121: {  	s8 =	rddreg [dreg:$0x1e];
	[sflag:s18] =	ssyncadd.s32 $0xFFFFD800;
	s6 =	sadd.s32 s25, s7  }
0x122: {  	[tilespmem:s21], [sflag:$0x9] =	stream.linear.gather [hbm4b:s6+s4], $0x50, $0x38;
	[tilespmem:$0x1E800] =	vst v63  }
0x123: {  	s6 =	sadd.s32 s25, s8  }
0x124: {  	[tilespmem:s22], [sflag:$0x11] =	stream.linear.gather [hbm4b:s6+s4], $0x50, $0x38;
	[tilespmem:$0x1E800] =	vst v63  }
0x125: {  	_ =	swait.ge [sflag:s23], $0x50  }
0x126: {  	p1 =	sgt.u32 s5, $0xE;
	[sflag:s23] =	ssyncset.done $0x0  }
.Ltmp5:
0x127: {  	[sflag:s23] =	ssyncadd.s32 $0xFFFFFFB0;
	(pc) =	sbr.rel @p1 .LBB2_7-.Ltmp5, $4  }
0x128: {  	_ =	swait.ge [sflag:s17], $0x50  }
0x129: {  	[sflag:s17] =	ssyncset.done $0x0  }
0x12a: {  	s9 =	simm.s32 $0xA000;
	[sflag:s17] =	ssyncadd.s32 $0xFFFFFFB0  }
0x12b: {  	[tilespmem:s4], [sflag:$0x1] =	stream.indirect.gather [hbm4b:s1+s19], $0x80, s9, s19, $0xb8;
	[tilespmem:$0x1E800] =	vst v63  }
0x12c: {  	_ =	swait.ge [sflag:s28], $0x2800  }
0x12d: {  	[sflag:s28] =	ssyncset.done $0x0  }
0x12e: {  	s6 =	simm.s32 $0xA680;
	[sflag:s28] =	ssyncadd.s32 $0xFFFFD800  }
0x12f: {  	[spmem:s3] =	stream.indirect.scatter.add.f32 [tilespmem:s30], [sflag:$0x15], $0x80, s6, s19, $0xb8;
	[tilespmem:$0x1E800] =	vst v63  }
0x130: {  	p1 =	seq.s32 s25, $0x460;
	_ =	swait.ge [sflag:s18], $0x2800  }
0x131: {  	s7 =	simm.s32 @!p1 $0x0;
	[sflag:s18] =	ssyncset.done $0x0;
	s6 =	rddreg [dreg:$0x1d]  }
0x132: {  	s8 =	simm.s32 @!p1 $0xA280;
	[sflag:s18] =	ssyncadd.s32 $0xFFFFD800;
	s6 =	sadd.s32 @!p1 s25, s6  }
0x133: {  	[tilespmem:s8], [sflag:$0xA] =	stream.linear.gather @!p1 [hbm4b:s6+s7], $0x50, $0x38;
	[tilespmem:$0x1E800] =	vst v63  }
0x134: {  	s6 =	rddreg [dreg:$0x1c]  }
0x135: {  	s8 =	simm.s32 @!p1 $0xA680;
	s6 =	sadd.s32 @!p1 s25, s6  }
0x136: {  	[tilespmem:s8], [sflag:$0x12] =	stream.linear.gather @!p1 [hbm4b:s6+s7], $0x50, $0x38;
	[tilespmem:$0x1E800] =	vst v63  }
0x137: {  	s8 =	simm.s32 $0x6  }
0x138: {  	_ =	swait.ge [sflag:s8], $0x50  }
0x139: {  	[sflag:s8] =	ssyncset.done $0x0  }
0x13a: {  	s9 =	simm.s32 $0xE;
	[sflag:s8] =	ssyncadd.s32 $0xFFFFFFB0  }
0x13b: {  	_ =	swait.ge [sflag:s9], $0x50  }
0x13c: {  	[sflag:s9] =	ssyncset.done $0x0  }
0x13d: {  	s8 =	simm.s32 $0xA080;
	[sflag:s9] =	ssyncadd.s32 $0xFFFFFFB0;
	s9 =	simm.s32 $0x3  }
0x13e: {  	[tilespmem:s30], [sflag:$0x2] =	stream.indirect.gather [hbm4b:s1+s19], $0x80, s8, s19, $0xb8;
	[tilespmem:$0x1E800] =	vst v63  }
0x13f: {  	_ =	swait.ge [sflag:s9], $0x2800  }
0x140: {  	[sflag:s9] =	ssyncset.done $0x0  }
0x141: {  	s8 =	simm.s32 $0xA700;
	[sflag:s9] =	ssyncadd.s32 $0xFFFFD800;
	s9 =	simm.s32 $0x5000  }
0x142: {  	[spmem:s3] =	stream.indirect.scatter.add.f32 [tilespmem:s9], [sflag:$0x15], $0x80, s8, s19, $0xb8;
	[tilespmem:$0x1E800] =	vst v63  }
0x143: {  	_ =	swait.ge [sflag:s18], $0x2800  }
0x144: {  	[sflag:s18] =	ssyncset.done $0x0;
	s6 =	rddreg [dreg:$0x1b]  }
0x145: {  	s8 =	simm.s32 @!p1 $0xA300;
	[sflag:s18] =	ssyncadd.s32 $0xFFFFD800;
	s6 =	sadd.s32 @!p1 s25, s6  }
0x146: {  	[tilespmem:s8], [sflag:$0xB] =	stream.linear.gather @!p1 [hbm4b:s6+s7], $0x50, $0x38;
	[tilespmem:$0x1E800] =	vst v63  }
0x147: {  	s6 =	rddreg [dreg:$0x1a]  }
0x148: {  	s8 =	simm.s32 @!p1 $0xA700;
	s6 =	sadd.s32 @!p1 s25, s6  }
0x149: {  	[tilespmem:s8], [sflag:$0x13] =	stream.linear.gather @!p1 [hbm4b:s6+s7], $0x50, $0x38;
	[tilespmem:$0x1E800] =	vst v63  }
0x14a: {  	s8 =	simm.s32 $0x7  }
0x14b: {  	_ =	swait.ge [sflag:s8], $0x50  }
0x14c: {  	[sflag:s8] =	ssyncset.done $0x0  }
0x14d: {  	[sflag:s8] =	ssyncadd.s32 $0xFFFFFFB0;
	s8 =	simm.s32 $0xF  }
0x14e: {  	_ =	swait.ge [sflag:s8], $0x50  }
0x14f: {  	[sflag:s8] =	ssyncset.done $0x0  }
0x150: {  	[sflag:s8] =	ssyncadd.s32 $0xFFFFFFB0;
	s8 =	simm.s32 $0xA100  }
0x151: {  	[tilespmem:s9], [sflag:$0x3] =	stream.indirect.gather [hbm4b:s1+s19], $0x80, s8, s19, $0xb8;
	[tilespmem:$0x1E800] =	vst v63  }
0x152: {  	_ =	swait.ge [sflag:s29], $0x2800  }
0x153: {  	[sflag:s29] =	ssyncset.done $0x0  }
0x154: {  	s9 =	simm.s32 $0xA780;
	[sflag:s29] =	ssyncadd.s32 $0xFFFFD800  }
0x155: {  	[spmem:s3] =	stream.indirect.scatter.add.f32 [tilespmem:s26], [sflag:$0x15], $0x80, s9, s19, $0xb8;
	[tilespmem:$0x1E800] =	vst v63  }
0x156: {  	_ =	swait.ge [sflag:s18], $0x2800  }
0x157: {  	[sflag:s18] =	ssyncset.done $0x0;
	s6 =	rddreg [dreg:$0x19]  }
0x158: {  	s8 =	simm.s32 @!p1 $0xA380;
	[sflag:s18] =	ssyncadd.s32 $0xFFFFD800;
	s6 =	sadd.s32 @!p1 s25, s6  }
0x159: {  	[tilespmem:s8], [sflag:$0xC] =	stream.linear.gather @!p1 [hbm4b:s6+s7], $0x50, $0x38;
	[tilespmem:$0x1E800] =	vst v63  }
0x15a: {  	s6 =	rddreg [dreg:$0x18]  }
0x15b: {  	s8 =	simm.s32 @!p1 $0xA780;
	s6 =	sadd.s32 @!p1 s25, s6  }
0x15c: {  	[tilespmem:s8], [sflag:$0x14] =	stream.linear.gather @!p1 [hbm4b:s6+s7], $0x50, $0x38;
	[tilespmem:$0x1E800] =	vst v63  }
0x15d: {  	s7 =	simm.s32 $0x8  }
0x15e: {  	_ =	swait.ge [sflag:s7], $0x50  }
0x15f: {  	[sflag:s7] =	ssyncset.done $0x0  }
.Ltmp6:
0x160: {  	s8 =	simm.s32 $0x10;
	[sflag:s7] =	ssyncadd.s32 $0xFFFFFFB0;
	(pc) =	sbr.rel .LBB2_7-.Ltmp6, $4  }
0x161: {  	_ =	swait.ge [sflag:s8], $0x50  }
0x162: {  	[sflag:s8] =	ssyncset.done $0x0  }
0x163: {  	s9 =	simm.s32 $0xA180;
	[sflag:s8] =	ssyncadd.s32 $0xFFFFFFB0  }
0x164: {  	[tilespmem:s26], [sflag:$0x4] =	stream.indirect.gather [hbm4b:s1+s19], $0x80, s9, s19, $0xb8;
	[tilespmem:$0x1E800] =	vst v63  }
.LBB2_9:
0x165: {  	_ =	sfence.sel $0x180000  }
0x166: {  	[bflag:$0x0] =	sbarrier.arrive $0xFFFF  }
0x167: {  	_ =	strace $0x90000047  }
0x168: {  	s0 =	stileid.u32;
	[bflag:$0x2] =	sbarrier.arrive $0xFFFF  }
0x169: {  	p0 =	sne.s32 s0, $0x0;
	s0 =	rddreg [dreg:$0x3]  }
0x16a: {  	s0 =	sadd.s32 @!p0 $0x100000, s0  }
0x16b: {  	[sflag:s0] =	ssyncadd.tile.s32 @!p0 $0x1;
	_ =	shalt  }
.Lfunc_end2:
_tile_overlayer_lowered:
.L_overlay_start_2:
0x16c: {  	(tag) =	ssettag $0x2  }
0x16d: {  	s0 =	rddreg [dreg:$0x0];
	s2 =	stileid.u32  }
0x16e: {  	s1 =	rddreg [dreg:$0x1];
	p0 =	sne.s32 s2, $0x0  }
0x16f: {  	s3 =	rddreg [dreg:$0x2];
	[bflag:$0x3] =	sbarrier.arrive $0xFFFF;
	s2 =	simm.s32 @!p0 $0x1C15  }
0x170: {  	[timem:s3], [sflag:s2] =	dma.local @!p0 [hbm:s0], s1  }
0x171: {  	s0 =	simm.s32 @!p0 $0x15  }
0x172: {  	_ =	swait.ge @!p0 [sflag:s0], s1  }
0x173: {  	s1 =	ssub.s32 @!p0 $0x0, s1;
	[sflag:s0] =	ssyncset.done @!p0 $0x0  }
0x174: {  	[sflag:s0] =	ssyncadd.s32 @!p0 s1  }
0x175: {  	[bflag:$0x3] =	sbarrier.arrive $0xFFFF  }
0x176: {  	_ =	shalt  }

</sc_bundles>
